<compile_context>
chip_gen: v7x
topology: tpu7x:2x2x1
jax: 0.10.2.dev20260603
libtpu: 0.0.44.dev20260713+nightly
codegen_flags: <defaults>
</compile_context>

<pallas_src>
import functools

import jax
import jax.numpy as jnp
from jax import lax
from jax.experimental import pallas as pl
from jax.experimental.pallas import tpu as pltpu
from jax.experimental.pallas import tpu_sc as plsc

N = 10000
D = 128
DE = 16
NSLOTS = 4
NG = 16
DU = 64

NCORES = 2
NSUB = 16
NWORK = NCORES * NSUB
CHUNK = 128
CPW = 80
EPAD = NWORK * CPW * CHUNK
NPAD = 10112
RPS = NPAD // NSUB
DUMMY = N
TBLK = 128
IBLK = 8
EBLK = 1024
ZROWS = 16 - 1 - NSLOTS


def _sc_edge_pass(include_static):
    mesh = plsc.VectorSubcoreMesh(core_axis_name="c", subcore_axis_name="s")

    out_type = [jax.ShapeDtypeStruct((NCORES, NPAD, D), jnp.float32)]
    scratch = [
        pltpu.VMEM((IBLK, CHUNK), jnp.int32),
        pltpu.VMEM((IBLK, CHUNK), jnp.int32),
        pltpu.VMEM((CHUNK, D), jnp.float32),
        pltpu.VMEM((CHUNK, D), jnp.float32),
        pltpu.VMEM_SHARED((NPAD, D), jnp.float32),
        pltpu.SemaphoreType.DMA,
        pltpu.SemaphoreType.DMA,
    ]
    if include_static:
        out_type += [jax.ShapeDtypeStruct((NCORES, NPAD, D), jnp.float32)]

    def body(*refs):
        if include_static:
            (x_hbm, src_hbm, dst_hbm, dst2_hbm, est_hbm, z128_hbm,
             nbr_out, st_out,
             src_v, dst_v, buf0, buf1, acc, sem0, sem1) = refs
        else:
            (x_hbm, src_hbm, dst_hbm, z128_hbm, nbr_out,
             src_v, dst_v, buf0, buf1, acc, sem0, sem1) = refs

        c = lax.axis_index("c")
        s = lax.axis_index("s")
        w = c * NSUB + s
        base = w * CPW
        bufs = (buf0, buf1)
        sems = (sem0, sem1)

        def zero_acc():
            pltpu.sync_copy(z128_hbm.at[pl.ds(s * RPS, RPS)],
                            acc.at[pl.ds(s * RPS, RPS)])

        def writeout(out_ref):
            pltpu.sync_copy(acc.at[pl.ds(s * RPS, RPS)],
                            out_ref.at[c, pl.ds(s * RPS, RPS)])

        def edge_loop(load_src, dref, need_src):
            @pl.loop(0, CPW // IBLK)
            def _(gb):
                if need_src:
                    pltpu.sync_copy(src_hbm.at[pl.ds(base + gb * IBLK, IBLK)],
                                    src_v)
                pltpu.sync_copy(dref.at[pl.ds(base + gb * IBLK, IBLK)],
                                dst_v)
                load_src(gb, 0, buf0, sem0).start()
                for j in range(IBLK):
                    b = j % 2
                    load_src(gb, j, bufs[b], sems[b]).wait()
                    if j + 1 < IBLK:
                        load_src(gb, j + 1, bufs[1 - b], sems[1 - b]).start()
                    pltpu.sync_copy(bufs[b], acc.at[dst_v.at[j]], add=True)

        def gather_x(gb, j, buf, sem):
            return pltpu.make_async_copy(x_hbm.at[src_v.at[j]], buf, sem)

        zero_acc()
        plsc.subcore_barrier()
        edge_loop(gather_x, dst_hbm, True)
        plsc.subcore_barrier()
        writeout(nbr_out)

        if include_static:
            def load_static(gb, j, buf, sem):
                row0 = (base + gb * IBLK + j) * CHUNK
                return pltpu.make_async_copy(
                    est_hbm.at[pl.ds(row0, CHUNK)], buf, sem)

            zero_acc()
            plsc.subcore_barrier()
            edge_loop(load_static, dst2_hbm, False)
            plsc.subcore_barrier()
            writeout(st_out)

    return pl.kernel(body, out_type=out_type, mesh=mesh, scratch_types=scratch)


def _sc_pass_full(*args):
    return _sc_edge_pass(True)(*args)


def _sc_pass_nbr(*args):
    return _sc_edge_pass(False)(*args)


def _est_body(srep, ea8, out):
    nr = EBLK // 8
    lane = lax.broadcasted_iota(jnp.int32, (nr, D), 1)
    sblk = srep[...]
    eblk = ea8[...]
    lanef = lane.astype(jnp.float32)
    for k in range(8):
        sv = pltpu.roll(sblk, (-DE * k) % D, 1)
        ea = pltpu.roll(eblk, (DE - DE * k) % D, 1)
        meta = jnp.where(lane == 0, 1.0,
                         jnp.where((lane >= 1) & (lane <= NSLOTS),
                                   (sv == lanef - 1.0).astype(jnp.float32),
                                   0.0))
        out[:, k, :] = jnp.where((lane >= DE) & (lane < 2 * DE), ea, meta)


def _build_est(slot_rep, ea8):
    row = lambda i: (i, 0)
    nr = EBLK // 8
    return pl.pallas_call(
        _est_body,
        grid=(EPAD // EBLK,),
        in_specs=[pl.BlockSpec((nr, D), row),
                  pl.BlockSpec((nr, D), row)],
        out_specs=pl.BlockSpec((nr, 8, D), lambda i: (i, 0, 0)),
        out_shape=jax.ShapeDtypeStruct((EPAD // 8, 8, D), jnp.float32),
    )(slot_rep, ea8).reshape(EPAD, D)


def _dup_body(x, out):
    out[...] = jnp.broadcast_to(x[...], (NCORES,) + x.shape)


def _dup_rows(x_pad):
    return pl.pallas_call(
        _dup_body,
        grid=(NPAD // TBLK,),
        in_specs=[pl.BlockSpec((TBLK, D), lambda i: (i, 0))],
        out_specs=pl.BlockSpec((NCORES, TBLK, D), lambda i: (0, i, 0)),
        out_shape=jax.ShapeDtypeStruct((NCORES, NPAD, D), jnp.float32),
    )(x_pad).reshape(NCORES * NPAD, D)


def _prep_body(u, Wm1, agg1, S1, bm1, wu1, Wm2, agg2, S2, bm2, wu2,
               B1o, T1o, B2o, T2o):
    hi = jax.lax.Precision.HIGHEST

    def one(Wm, agg, S, bm, wu, Bo, To):
        Bo[...] = jnp.dot(Wm[:D], agg[...], precision=hi)
        To[...] = jnp.concatenate([
            jnp.dot(bm[...], agg[...], precision=hi),
            jnp.dot(S[...], agg[...], precision=hi),
            jnp.zeros((ZROWS, D), jnp.float32),
            jnp.dot(Wm[D:], agg[...], precision=hi),
            jnp.dot(u[...], wu[...], precision=hi),
        ], axis=0)

    one(Wm1, agg1, S1, bm1, wu1, B1o, T1o)
    one(Wm2, agg2, S2, bm2, wu2, B2o, T2o)


def _node_body(has_residual, dup, x, nbrp, stp, batch, A, B, T, bias, res,
               out):
    hi = jax.lax.Precision.HIGHEST
    nbr = nbrp[0] + nbrp[1]
    st = stp[0] + stp[1]
    oh = (batch[...] == lax.broadcasted_iota(jnp.int32, (TBLK, NG), 1))
    z = jnp.concatenate([st[:, :2 * DE], oh.astype(jnp.float32)], axis=1)
    h = (jnp.dot(x[...], A[...], precision=hi)
         + jnp.dot(nbr, B[...], precision=hi)
         + jnp.dot(z, T[...], precision=hi)
         + bias[...])
    if has_residual:
        h = h + res[...]
    h = jnp.maximum(h, 0.0)
    if dup:
        out[...] = jnp.broadcast_to(h, (NCORES, TBLK, D))
    else:
        out[...] = h


def _node_layer(x_pad, nbr_p, st_p, batch_pad, A, B, T, bias, res_pad,
                has_residual, dup=False):
    nblk = NPAD // TBLK
    row = lambda i: (i, 0)
    full3 = pl.BlockSpec((NCORES, TBLK, D), lambda i: (0, i, 0))
    const = lambda shp: pl.BlockSpec(shp, lambda i: (0, 0))
    if dup:
        out_spec = pl.BlockSpec((NCORES, TBLK, D), lambda i: (0, i, 0))
        out_shape = jax.ShapeDtypeStruct((NCORES, NPAD, D), jnp.float32)
    else:
        out_spec = pl.BlockSpec((TBLK, D), row)
        out_shape = jax.ShapeDtypeStruct((NPAD, D), jnp.float32)
    return pl.pallas_call(
        functools.partial(_node_body, has_residual, dup),
        grid=(nblk,),
        in_specs=[
            pl.BlockSpec((TBLK, D), row),
            full3,
            full3,
            pl.BlockSpec((TBLK, 1), row),
            const((D, D)),
            const((D, D)),
            const((3 * 16, D)),
            const((1, D)),
            pl.BlockSpec((TBLK, D), row),
        ],
        out_specs=out_spec,
        out_shape=out_shape,
    )(x_pad, nbr_p, st_p, batch_pad, A, B, T, bias, res_pad)


def kernel(x, edge_index, edge_slot, edge_attr, u, batch,
           Wm1, bm1, S1, Wn1, bn1, Wm2, bm2, S2, Wn2, bn2):
    f32 = jnp.float32
    src = edge_index[0].astype(jnp.int32)
    dst = edge_index[1].astype(jnp.int32)
    slot = edge_slot.astype(jnp.int32)

    E = src.shape[0]
    pad_e = EPAD - E
    core_of_row = (jnp.arange(EPAD // CHUNK, dtype=jnp.int32)
                   // (CPW * NSUB))[:, None]
    src2d = (jnp.pad(src, (0, pad_e)).reshape(EPAD // CHUNK, CHUNK)
             + core_of_row * NPAD)
    dstp = jnp.pad(dst, (0, pad_e), constant_values=DUMMY)
    dst2d = dstp.reshape(EPAD // CHUNK, CHUNK)
    ea8 = jnp.pad(edge_attr.reshape(E // 8, D), ((0, pad_e // 8), (0, 0)))
    slot_rep = jnp.pad(
        jnp.broadcast_to(slot.astype(f32).reshape(E // 8, 8, 1),
                         (E // 8, 8, DE)).reshape(E // 8, D),
        ((0, pad_e // 8), (0, 0)))
    est128 = _build_est(slot_rep, ea8)

    x_pad = jnp.pad(x, ((0, NPAD - N), (0, 0)))
    batch_pad = jnp.pad(batch.astype(jnp.int32), (0, NPAD - N)).reshape(
        NPAD, 1)
    z128 = jnp.zeros((NPAD, D), f32)

    wshape = jax.ShapeDtypeStruct((D, D), f32)
    tshape = jax.ShapeDtypeStruct((3 * 16, D), f32)
    B1, T1, B2, T2 = pl.pallas_call(
        _prep_body,
        out_shape=[wshape, tshape, wshape, tshape],
    )(u, Wm1, Wn1[D:2 * D], S1, bm1.reshape(1, D), Wn1[2 * D:],
      Wm2, Wn2[D:2 * D], S2, bm2.reshape(1, D), Wn2[2 * D:])

    x_dup = _dup_rows(x_pad)
    nbr1_p, st_p = _sc_pass_full(x_dup, src2d, dst2d, dst2d, est128, z128)

    h1_dup = _node_layer(x_pad, nbr1_p, st_p, batch_pad,
                         Wn1[:D], B1, T1, bn1.reshape(1, D), x_pad, False,
                         dup=True)

    (nbr2_p,) = _sc_pass_nbr(h1_dup.reshape(NCORES * NPAD, D), src2d, dst2d,
                             z128)

    out = _node_layer(h1_dup[0], nbr2_p, st_p, batch_pad,
                      Wn2[:D], B2, T2, bn2.reshape(1, D), x_pad, True)

    return out[:N]

# --- scband reference (transcript-rebuilt; emitter-appended) ---
"""Pipeline reference for scband-res-block-5463198401369 (READ-ONLY COPY).

The authoritative reference and input builder live on the scoring server;
editing this copy changes nothing except your own understanding.
"""

import jax, jax.numpy as jnp
import numpy as np

N = 10000
E = 320000
D = 128
DE = 16
NSLOTS = 4
NG = 16
DU = 64


def setup_inputs(seed: int = 0) -> dict:
    key = jax.random.key(seed)
    ks = jax.random.split(key, 20)
    x = jax.random.normal(ks[0], (N, D), dtype=jnp.float32)
    edge_index = jax.random.randint(ks[1], (2, E), 0, N, dtype=jnp.int64)
    edge_slot = jax.random.randint(ks[2], (E,), 0, NSLOTS, dtype=jnp.int64)
    edge_attr = jax.random.normal(ks[3], (E, DE), dtype=jnp.float32)
    u = jax.random.normal(ks[4], (NG, DU), dtype=jnp.float32)
    batch = jnp.sort(jax.random.randint(ks[5], (N,), 0, NG, dtype=jnp.int64))
    # learned parameters: two graph-conv layers inside the ResBlock
    def mk_layer(k):
        k1, k2, k3, k4, k5 = jax.random.split(k, 5)
        Wm = jax.random.normal(k1, (D + DE, D), dtype=jnp.float32) * 0.05
        bm = jnp.zeros((D,), dtype=jnp.float32)
        S = jax.random.normal(k2, (NSLOTS, D), dtype=jnp.float32) * 0.05
        Wn = jax.random.normal(k3, (2 * D + DU, D), dtype=jnp.float32) * 0.05
        bn = jnp.zeros((D,), dtype=jnp.float32)
        return Wm, bm, S, Wn, bn
    Wm1, bm1, S1, Wn1, bn1 = mk_layer(ks[6])
    Wm2, bm2, S2, Wn2, bn2 = mk_layer(ks[7])
    return {
        'x': x, 'edge_index': edge_index, 'edge_slot': edge_slot,
        'edge_attr': edge_attr, 'u': u, 'batch': batch,
        'Wm1': Wm1, 'bm1': bm1, 'S1': S1, 'Wn1': Wn1, 'bn1': bn1,
        'Wm2': Wm2, 'bm2': bm2, 'S2': S2, 'Wn2': Wn2, 'bn2': bn2,
    }


def _gcm(x, edge_index, edge_slot, edge_attr, u, batch, Wm, bm, S, Wn, bn):
    src = edge_index[0]
    dst = edge_index[1]
    # per-edge message: gather src node features, concat edge features, project, add slot embedding
    m = jnp.concatenate([jnp.take(x, src, axis=0), edge_attr], axis=-1) @ Wm + bm
    m = m + jnp.take(S, edge_slot, axis=0)
    # scatter-add aggregation at destination nodes
    agg = jnp.zeros_like(x).at[dst].add(m)
    # node update: concat self, aggregate, and gathered global features
    h = jnp.concatenate([x, agg, jnp.take(u, batch, axis=0)], axis=-1) @ Wn + bn
    return h


def reference(x, edge_index, edge_slot, edge_attr, u, batch,
              Wm1, bm1, S1, Wn1, bn1, Wm2, bm2, S2, Wn2, bn2):
    out = _gcm(x, edge_index, edge_slot, edge_attr, u, batch, Wm1, bm1, S1, Wn1, bn1)
    out = jax.nn.relu(out)
    out = _gcm(out, edge_index, edge_slot, edge_attr, u, batch, Wm2, bm2, S2, Wn2, bn2)
    out = out + x
    out = jax.nn.relu(out)
    return out

if __name__ == "__main__":
    import jax
    _d = setup_inputs()
    print(jax.jit(kernel)(*tuple(_d.values())))

</pallas_src>

<mosaic_0001>
#map = affine_map<(d0, d1) -> (0, 0)>
#map1 = affine_map<(d0, d1) -> (0, 0, 0)>
module attributes {stable_mosaic.version = 14 : i64} {
  func.func @body(%arg0: i32, %arg1: i32, %arg2: memref<20224x128xf32, #tpu.memory_space<hbm>>, %arg3: memref<2560x128xi32, #tpu.memory_space<hbm>>, %arg4: memref<2560x128xi32, #tpu.memory_space<hbm>>, %arg5: memref<2560x128xi32, #tpu.memory_space<hbm>>, %arg6: memref<327680x128xf32, #tpu.memory_space<hbm>>, %arg7: memref<10112x128xf32, #tpu.memory_space<hbm>>, %arg8: memref<2x10112x128xf32, #tpu.memory_space<hbm>>, %arg9: memref<2x10112x128xf32, #tpu.memory_space<hbm>>, %arg10: memref<8x128xi32, #tpu.memory_space<vmem>>, %arg11: memref<8x128xi32, #tpu.memory_space<vmem>>, %arg12: memref<128x128xf32, #tpu.memory_space<vmem>>, %arg13: memref<128x128xf32, #tpu.memory_space<vmem>>, %arg14: memref<10112x128xf32, #tpu.memory_space<vmem_shared>>, %arg15: memref<!tpu.dma_semaphore, #tpu.memory_space<semaphore_mem>>, %arg16: memref<!tpu.dma_semaphore, #tpu.memory_space<semaphore_mem>>) attributes {dimension_semantics = [#tpu.dimension_semantics<core_parallel>, #tpu.dimension_semantics<subcore_parallel>], iteration_bounds = array<i64: 2, 16>, scalar_prefetch = 0 : i64, scratch_operands = 7 : i64, tpu.core_type = #tpu.core_type<sc_vector_subcore>, window_params = [{transform_indices = #map}, {transform_indices = #map}, {transform_indices = #map}, {transform_indices = #map}, {transform_indices = #map}, {transform_indices = #map}, {transform_indices = #map1}, {transform_indices = #map1}]} {
    %mul3A = arith.constant 16 : i32
    %mul3A_0 = arith.muli %arg0, %mul3A : i32
    %add3A = arith.addi %mul3A_0, %arg1 : i32
    %mul3A_1 = arith.constant 80 : i32
    %mul3A_2 = arith.muli %add3A, %mul3A_1 : i32
    %mul3A_3 = arith.constant 632 : i32
    %mul3A_4 = arith.muli %arg1, %mul3A_3 : i32
    %mul3A_5 = arith.constant 632 : i32
    %mul3A_6 = arith.muli %arg1, %mul3A_5 : i32
    "tpu.region"() ({
      %run_scoped3A = tpu.sem_alloc : memref<!tpu.dma_semaphore, #tpu.memory_space<semaphore_mem>>
      %dma_start3A = arith.constant 0 : i32
      %dma_start3A_31 = tpu.memref_slice %arg14[%mul3A_6, %dma_start3A] : memref<10112x128xf32, #tpu.memory_space<vmem_shared>> -> memref<632x128xf32, #tpu.memory_space<vmem_shared>>
      %dma_start3A_32 = arith.constant 0 : i32
      %dma_start3A_33 = tpu.memref_slice %arg7[%mul3A_4, %dma_start3A_32] : memref<10112x128xf32, #tpu.memory_space<hbm>> -> memref<632x128xf32, #tpu.memory_space<hbm>>
      tpu.enqueue_dma source(%dma_start3A_33 : memref<632x128xf32, #tpu.memory_space<hbm>>) target(%dma_start3A_31 : memref<632x128xf32, #tpu.memory_space<vmem_shared>>) target_semaphore(%run_scoped3A : memref<!tpu.dma_semaphore, #tpu.memory_space<semaphore_mem>>)
      %dma_wait3A = arith.constant 0 : i32
      %dma_wait3A_34 = tpu.memref_slice %arg14[%mul3A_6, %dma_wait3A] : memref<10112x128xf32, #tpu.memory_space<vmem_shared>> -> memref<632x128xf32, #tpu.memory_space<vmem_shared>>
      %dma_wait3A_35 = arith.constant 0 : i32
      %dma_wait3A_36 = tpu.memref_slice %arg7[%mul3A_4, %dma_wait3A_35] : memref<10112x128xf32, #tpu.memory_space<hbm>> -> memref<632x128xf32, #tpu.memory_space<hbm>>
      tpu.wait_dma2 semaphore(%run_scoped3A : memref<!tpu.dma_semaphore, #tpu.memory_space<semaphore_mem>>) src(%dma_wait3A_36 : memref<632x128xf32, #tpu.memory_space<hbm>>) dst(%dma_wait3A_34 : memref<632x128xf32, #tpu.memory_space<vmem_shared>>)
      tpu.yield
    }) : () -> ()
    %barrier3A = arith.constant 0 : index
    tpu.barrier barrier_id(%barrier3A)
    %scan3A = arith.constant 0 : i32
    %scan3A_7 = arith.constant 10 : i32
    %scan3A_8 = arith.addi %scan3A, %scan3A_7 : i32
    %scan3A_9 = arith.constant 1 : i32
    scf.for %scan3A_31 = %scan3A to %scan3A_8 step %scan3A_9  : i32 {
      %mul3A_32 = arith.constant 1 : i32
      %mul3A_33 = arith.muli %scan3A_31, %mul3A_32 : i32
      %add3A_34 = arith.constant 0 : i32
      %add3A_35 = arith.addi %add3A_34, %mul3A_33 : i32
      %mul3A_36 = arith.constant 8 : i32
      %mul3A_37 = arith.muli %add3A_35, %mul3A_36 : i32
      %add3A_38 = arith.addi %mul3A_2, %mul3A_37 : i32
      "tpu.region"() ({
        %run_scoped3A_159 = tpu.sem_alloc : memref<!tpu.dma_semaphore, #tpu.memory_space<semaphore_mem>>
        %dma_start3A_160 = arith.constant 0 : i32
        %dma_start3A_161 = tpu.memref_slice %arg3[%add3A_38, %dma_start3A_160] : memref<2560x128xi32, #tpu.memory_space<hbm>> -> memref<8x128xi32, #tpu.memory_space<hbm>>
        %dma_start3A_162 = arith.constant 0 : i32
        %dma_start3A_163 = tpu.memref_slice %arg3[%add3A_38, %dma_start3A_162] : memref<2560x128xi32, #tpu.memory_space<hbm>> -> memref<8x128xi32, #tpu.memory_space<hbm>>
        tpu.enqueue_dma source(%dma_start3A_163 : memref<8x128xi32, #tpu.memory_space<hbm>>) target(%arg10 : memref<8x128xi32, #tpu.memory_space<vmem>>) target_semaphore(%run_scoped3A_159 : memref<!tpu.dma_semaphore, #tpu.memory_space<semaphore_mem>>)
        %dma_wait3A_164 = arith.constant 0 : i32
        %dma_wait3A_165 = tpu.memref_slice %arg3[%add3A_38, %dma_wait3A_164] : memref<2560x128xi32, #tpu.memory_space<hbm>> -> memref<8x128xi32, #tpu.memory_space<hbm>>
        %dma_wait3A_166 = arith.constant 0 : i32
        %dma_wait3A_167 = tpu.memref_slice %arg3[%add3A_38, %dma_wait3A_166] : memref<2560x128xi32, #tpu.memory_space<hbm>> -> memref<8x128xi32, #tpu.memory_space<hbm>>
        tpu.wait_dma2 semaphore(%run_scoped3A_159 : memref<!tpu.dma_semaphore, #tpu.memory_space<semaphore_mem>>) src(%dma_wait3A_167 : memref<8x128xi32, #tpu.memory_space<hbm>>) dst(%arg10 : memref<8x128xi32, #tpu.memory_space<vmem>>)
        tpu.yield
      }) : () -> ()
      %mul3A_39 = arith.constant 8 : i32
      %mul3A_40 = arith.muli %add3A_35, %mul3A_39 : i32
      %add3A_41 = arith.addi %mul3A_2, %mul3A_40 : i32
      "tpu.region"() ({
        %run_scoped3A_159 = tpu.sem_alloc : memref<!tpu.dma_semaphore, #tpu.memory_space<semaphore_mem>>
        %dma_start3A_160 = arith.constant 0 : i32
        %dma_start3A_161 = tpu.memref_slice %arg4[%add3A_41, %dma_start3A_160] : memref<2560x128xi32, #tpu.memory_space<hbm>> -> memref<8x128xi32, #tpu.memory_space<hbm>>
        %dma_start3A_162 = arith.constant 0 : i32
        %dma_start3A_163 = tpu.memref_slice %arg4[%add3A_41, %dma_start3A_162] : memref<2560x128xi32, #tpu.memory_space<hbm>> -> memref<8x128xi32, #tpu.memory_space<hbm>>
        tpu.enqueue_dma source(%dma_start3A_163 : memref<8x128xi32, #tpu.memory_space<hbm>>) target(%arg11 : memref<8x128xi32, #tpu.memory_space<vmem>>) target_semaphore(%run_scoped3A_159 : memref<!tpu.dma_semaphore, #tpu.memory_space<semaphore_mem>>)
        %dma_wait3A_164 = arith.constant 0 : i32
        %dma_wait3A_165 = tpu.memref_slice %arg4[%add3A_41, %dma_wait3A_164] : memref<2560x128xi32, #tpu.memory_space<hbm>> -> memref<8x128xi32, #tpu.memory_space<hbm>>
        %dma_wait3A_166 = arith.constant 0 : i32
        %dma_wait3A_167 = tpu.memref_slice %arg4[%add3A_41, %dma_wait3A_166] : memref<2560x128xi32, #tpu.memory_space<hbm>> -> memref<8x128xi32, #tpu.memory_space<hbm>>
        tpu.wait_dma2 semaphore(%run_scoped3A_159 : memref<!tpu.dma_semaphore, #tpu.memory_space<semaphore_mem>>) src(%dma_wait3A_167 : memref<8x128xi32, #tpu.memory_space<hbm>>) dst(%arg11 : memref<8x128xi32, #tpu.memory_space<vmem>>)
        tpu.yield
      }) : () -> ()
      %dma_start3A = arith.constant 0 : i32
      %dma_start3A_42 = arith.constant 0 : i32
      %dma_start3A_43 = tpu.memref_slice %arg10[%dma_start3A, %dma_start3A_42] : memref<8x128xi32, #tpu.memory_space<vmem>> -> memref<1x128xi32, #tpu.memory_space<vmem>>
      %dma_start3A_44 = tpu.memref_squeeze %dma_start3A_43 : memref<1x128xi32, #tpu.memory_space<vmem>> -> memref<128xi32, #tpu.memory_space<vmem>>
      %dma_start3A_45 = arith.constant 0 : i32
      %dma_start3A_46 = arith.constant 0 : i32
      %dma_start3A_47 = tpu.memref_slice %arg2[%dma_start3A_45, %dma_start3A_46] : memref<20224x128xf32, #tpu.memory_space<hbm>> -> memref<20224x128xf32, #tpu.memory_space<hbm>>
      tpu.enqueue_indirect_dma source(%dma_start3A_47 : memref<20224x128xf32, #tpu.memory_space<hbm>>) target(%arg12 : memref<128x128xf32, #tpu.memory_space<vmem>>) offsets(%dma_start3A_44 : memref<128xi32, #tpu.memory_space<vmem>>) semaphore(%arg15 : memref<!tpu.dma_semaphore, #tpu.memory_space<semaphore_mem>>)
      %dma_wait3A = arith.constant 0 : i32
      %dma_wait3A_48 = arith.constant 0 : i32
      %dma_wait3A_49 = tpu.memref_slice %arg10[%dma_wait3A, %dma_wait3A_48] : memref<8x128xi32, #tpu.memory_space<vmem>> -> memref<1x128xi32, #tpu.memory_space<vmem>>
      %dma_wait3A_50 = tpu.memref_squeeze %dma_wait3A_49 : memref<1x128xi32, #tpu.memory_space<vmem>> -> memref<128xi32, #tpu.memory_space<vmem>>
      %dma_wait3A_51 = arith.constant 0 : i32
      %dma_wait3A_52 = arith.constant 0 : i32
      %dma_wait3A_53 = tpu.memref_slice %arg2[%dma_wait3A_51, %dma_wait3A_52] : memref<20224x128xf32, #tpu.memory_space<hbm>> -> memref<20224x128xf32, #tpu.memory_space<hbm>>
      tpu.wait_indirect_dma semaphore(%arg15 : memref<!tpu.dma_semaphore, #tpu.memory_space<semaphore_mem>>) src(%dma_wait3A_53 : memref<20224x128xf32, #tpu.memory_space<hbm>>) dst(%arg12 : memref<128x128xf32, #tpu.memory_space<vmem>>)
      %dma_start3A_54 = arith.constant 1 : i32
      %dma_start3A_55 = arith.constant 0 : i32
      %dma_start3A_56 = tpu.memref_slice %arg10[%dma_start3A_54, %dma_start3A_55] : memref<8x128xi32, #tpu.memory_space<vmem>> -> memref<1x128xi32, #tpu.memory_space<vmem>>
      %dma_start3A_57 = tpu.memref_squeeze %dma_start3A_56 : memref<1x128xi32, #tpu.memory_space<vmem>> -> memref<128xi32, #tpu.memory_space<vmem>>
      %dma_start3A_58 = arith.constant 0 : i32
      %dma_start3A_59 = arith.constant 0 : i32
      %dma_start3A_60 = tpu.memref_slice %arg2[%dma_start3A_58, %dma_start3A_59] : memref<20224x128xf32, #tpu.memory_space<hbm>> -> memref<20224x128xf32, #tpu.memory_space<hbm>>
      tpu.enqueue_indirect_dma source(%dma_start3A_60 : memref<20224x128xf32, #tpu.memory_space<hbm>>) target(%arg13 : memref<128x128xf32, #tpu.memory_space<vmem>>) offsets(%dma_start3A_57 : memref<128xi32, #tpu.memory_space<vmem>>) semaphore(%arg16 : memref<!tpu.dma_semaphore, #tpu.memory_space<semaphore_mem>>)
      %run_scoped3A = arith.constant 0 : i32
      "tpu.region"() ({
        %run_scoped3A_159 = tpu.sem_alloc : memref<!tpu.dma_semaphore, #tpu.memory_space<semaphore_mem>>
        %dma_start3A_160 = arith.constant 0 : i32
        %dma_start3A_161 = tpu.memref_slice %arg11[%run_scoped3A, %dma_start3A_160] : memref<8x128xi32, #tpu.memory_space<vmem>> -> memref<1x128xi32, #tpu.memory_space<vmem>>
        %dma_start3A_162 = tpu.memref_squeeze %dma_start3A_161 : memref<1x128xi32, #tpu.memory_space<vmem>> -> memref<128xi32, #tpu.memory_space<vmem>>
        %dma_start3A_163 = arith.constant 0 : i32
        %dma_start3A_164 = arith.constant 0 : i32
        %dma_start3A_165 = tpu.memref_slice %arg14[%dma_start3A_163, %dma_start3A_164] : memref<10112x128xf32, #tpu.memory_space<vmem_shared>> -> memref<10112x128xf32, #tpu.memory_space<vmem_shared>>
        tpu.enqueue_indirect_dma source(%arg12 : memref<128x128xf32, #tpu.memory_space<vmem>>) target(%dma_start3A_165 : memref<10112x128xf32, #tpu.memory_space<vmem_shared>>) offsets(%dma_start3A_162 : memref<128xi32, #tpu.memory_space<vmem>>) semaphore(%run_scoped3A_159 : memref<!tpu.dma_semaphore, #tpu.memory_space<semaphore_mem>>) {add = true}
        %dma_wait3A_166 = arith.constant 0 : i32
        %dma_wait3A_167 = tpu.memref_slice %arg11[%run_scoped3A, %dma_wait3A_166] : memref<8x128xi32, #tpu.memory_space<vmem>> -> memref<1x128xi32, #tpu.memory_space<vmem>>
        %dma_wait3A_168 = tpu.memref_squeeze %dma_wait3A_167 : memref<1x128xi32, #tpu.memory_space<vmem>> -> memref<128xi32, #tpu.memory_space<vmem>>
        %dma_wait3A_169 = arith.constant 0 : i32
        %dma_wait3A_170 = arith.constant 0 : i32
        %dma_wait3A_171 = tpu.memref_slice %arg14[%dma_wait3A_169, %dma_wait3A_170] : memref<10112x128xf32, #tpu.memory_space<vmem_shared>> -> memref<10112x128xf32, #tpu.memory_space<vmem_shared>>
        tpu.wait_indirect_dma semaphore(%run_scoped3A_159 : memref<!tpu.dma_semaphore, #tpu.memory_space<semaphore_mem>>) src(%arg12 : memref<128x128xf32, #tpu.memory_space<vmem>>) dst(%dma_wait3A_171 : memref<10112x128xf32, #tpu.memory_space<vmem_shared>>)
        tpu.yield
      }) : () -> ()
      %dma_wait3A_61 = arith.constant 1 : i32
      %dma_wait3A_62 = arith.constant 0 : i32
      %dma_wait3A_63 = tpu.memref_slice %arg10[%dma_wait3A_61, %dma_wait3A_62] : memref<8x128xi32, #tpu.memory_space<vmem>> -> memref<1x128xi32, #tpu.memory_space<vmem>>
      %dma_wait3A_64 = tpu.memref_squeeze %dma_wait3A_63 : memref<1x128xi32, #tpu.memory_space<vmem>> -> memref<128xi32, #tpu.memory_space<vmem>>
      %dma_wait3A_65 = arith.constant 0 : i32
      %dma_wait3A_66 = arith.constant 0 : i32
      %dma_wait3A_67 = tpu.memref_slice %arg2[%dma_wait3A_65, %dma_wait3A_66] : memref<20224x128xf32, #tpu.memory_space<hbm>> -> memref<20224x128xf32, #tpu.memory_space<hbm>>
      tpu.wait_indirect_dma semaphore(%arg16 : memref<!tpu.dma_semaphore, #tpu.memory_space<semaphore_mem>>) src(%dma_wait3A_67 : memref<20224x128xf32, #tpu.memory_space<hbm>>) dst(%arg13 : memref<128x128xf32, #tpu.memory_space<vmem>>)
      %dma_start3A_68 = arith.constant 2 : i32
      %dma_start3A_69 = arith.constant 0 : i32
      %dma_start3A_70 = tpu.memref_slice %arg10[%dma_start3A_68, %dma_start3A_69] : memref<8x128xi32, #tpu.memory_space<vmem>> -> memref<1x128xi32, #tpu.memory_space<vmem>>
      %dma_start3A_71 = tpu.memref_squeeze %dma_start3A_70 : memref<1x128xi32, #tpu.memory_space<vmem>> -> memref<128xi32, #tpu.memory_space<vmem>>
      %dma_start3A_72 = arith.constant 0 : i32
      %dma_start3A_73 = arith.constant 0 : i32
      %dma_start3A_74 = tpu.memref_slice %arg2[%dma_start3A_72, %dma_start3A_73] : memref<20224x128xf32, #tpu.memory_space<hbm>> -> memref<20224x128xf32, #tpu.memory_space<hbm>>
      tpu.enqueue_indirect_dma source(%dma_start3A_74 : memref<20224x128xf32, #tpu.memory_space<hbm>>) target(%arg12 : memref<128x128xf32, #tpu.memory_space<vmem>>) offsets(%dma_start3A_71 : memref<128xi32, #tpu.memory_space<vmem>>) semaphore(%arg15 : memref<!tpu.dma_semaphore, #tpu.memory_space<semaphore_mem>>)
      %run_scoped3A_75 = arith.constant 1 : i32
      "tpu.region"() ({
        %run_scoped3A_159 = tpu.sem_alloc : memref<!tpu.dma_semaphore, #tpu.memory_space<semaphore_mem>>
        %dma_start3A_160 = arith.constant 0 : i32
        %dma_start3A_161 = tpu.memref_slice %arg11[%run_scoped3A_75, %dma_start3A_160] : memref<8x128xi32, #tpu.memory_space<vmem>> -> memref<1x128xi32, #tpu.memory_space<vmem>>
        %dma_start3A_162 = tpu.memref_squeeze %dma_start3A_161 : memref<1x128xi32, #tpu.memory_space<vmem>> -> memref<128xi32, #tpu.memory_space<vmem>>
        %dma_start3A_163 = arith.constant 0 : i32
        %dma_start3A_164 = arith.constant 0 : i32
        %dma_start3A_165 = tpu.memref_slice %arg14[%dma_start3A_163, %dma_start3A_164] : memref<10112x128xf32, #tpu.memory_space<vmem_shared>> -> memref<10112x128xf32, #tpu.memory_space<vmem_shared>>
        tpu.enqueue_indirect_dma source(%arg13 : memref<128x128xf32, #tpu.memory_space<vmem>>) target(%dma_start3A_165 : memref<10112x128xf32, #tpu.memory_space<vmem_shared>>) offsets(%dma_start3A_162 : memref<128xi32, #tpu.memory_space<vmem>>) semaphore(%run_scoped3A_159 : memref<!tpu.dma_semaphore, #tpu.memory_space<semaphore_mem>>) {add = true}
        %dma_wait3A_166 = arith.constant 0 : i32
        %dma_wait3A_167 = tpu.memref_slice %arg11[%run_scoped3A_75, %dma_wait3A_166] : memref<8x128xi32, #tpu.memory_space<vmem>> -> memref<1x128xi32, #tpu.memory_space<vmem>>
        %dma_wait3A_168 = tpu.memref_squeeze %dma_wait3A_167 : memref<1x128xi32, #tpu.memory_space<vmem>> -> memref<128xi32, #tpu.memory_space<vmem>>
        %dma_wait3A_169 = arith.constant 0 : i32
        %dma_wait3A_170 = arith.constant 0 : i32
        %dma_wait3A_171 = tpu.memref_slice %arg14[%dma_wait3A_169, %dma_wait3A_170] : memref<10112x128xf32, #tpu.memory_space<vmem_shared>> -> memref<10112x128xf32, #tpu.memory_space<vmem_shared>>
        tpu.wait_indirect_dma semaphore(%run_scoped3A_159 : memref<!tpu.dma_semaphore, #tpu.memory_space<semaphore_mem>>) src(%arg13 : memref<128x128xf32, #tpu.memory_space<vmem>>) dst(%dma_wait3A_171 : memref<10112x128xf32, #tpu.memory_space<vmem_shared>>)
        tpu.yield
      }) : () -> ()
      %dma_wait3A_76 = arith.constant 2 : i32
      %dma_wait3A_77 = arith.constant 0 : i32
      %dma_wait3A_78 = tpu.memref_slice %arg10[%dma_wait3A_76, %dma_wait3A_77] : memref<8x128xi32, #tpu.memory_space<vmem>> -> memref<1x128xi32, #tpu.memory_space<vmem>>
      %dma_wait3A_79 = tpu.memref_squeeze %dma_wait3A_78 : memref<1x128xi32, #tpu.memory_space<vmem>> -> memref<128xi32, #tpu.memory_space<vmem>>
      %dma_wait3A_80 = arith.constant 0 : i32
      %dma_wait3A_81 = arith.constant 0 : i32
      %dma_wait3A_82 = tpu.memref_slice %arg2[%dma_wait3A_80, %dma_wait3A_81] : memref<20224x128xf32, #tpu.memory_space<hbm>> -> memref<20224x128xf32, #tpu.memory_space<hbm>>
      tpu.wait_indirect_dma semaphore(%arg15 : memref<!tpu.dma_semaphore, #tpu.memory_space<semaphore_mem>>) src(%dma_wait3A_82 : memref<20224x128xf32, #tpu.memory_space<hbm>>) dst(%arg12 : memref<128x128xf32, #tpu.memory_space<vmem>>)
      %dma_start3A_83 = arith.constant 3 : i32
      %dma_start3A_84 = arith.constant 0 : i32
      %dma_start3A_85 = tpu.memref_slice %arg10[%dma_start3A_83, %dma_start3A_84] : memref<8x128xi32, #tpu.memory_space<vmem>> -> memref<1x128xi32, #tpu.memory_space<vmem>>
      %dma_start3A_86 = tpu.memref_squeeze %dma_start3A_85 : memref<1x128xi32, #tpu.memory_space<vmem>> -> memref<128xi32, #tpu.memory_space<vmem>>
      %dma_start3A_87 = arith.constant 0 : i32
      %dma_start3A_88 = arith.constant 0 : i32
      %dma_start3A_89 = tpu.memref_slice %arg2[%dma_start3A_87, %dma_start3A_88] : memref<20224x128xf32, #tpu.memory_space<hbm>> -> memref<20224x128xf32, #tpu.memory_space<hbm>>
      tpu.enqueue_indirect_dma source(%dma_start3A_89 : memref<20224x128xf32, #tpu.memory_space<hbm>>) target(%arg13 : memref<128x128xf32, #tpu.memory_space<vmem>>) offsets(%dma_start3A_86 : memref<128xi32, #tpu.memory_space<vmem>>) semaphore(%arg16 : memref<!tpu.dma_semaphore, #tpu.memory_space<semaphore_mem>>)
      %run_scoped3A_90 = arith.constant 2 : i32
      "tpu.region"() ({
        %run_scoped3A_159 = tpu.sem_alloc : memref<!tpu.dma_semaphore, #tpu.memory_space<semaphore_mem>>
        %dma_start3A_160 = arith.constant 0 : i32
        %dma_start3A_161 = tpu.memref_slice %arg11[%run_scoped3A_90, %dma_start3A_160] : memref<8x128xi32, #tpu.memory_space<vmem>> -> memref<1x128xi32, #tpu.memory_space<vmem>>
        %dma_start3A_162 = tpu.memref_squeeze %dma_start3A_161 : memref<1x128xi32, #tpu.memory_space<vmem>> -> memref<128xi32, #tpu.memory_space<vmem>>
        %dma_start3A_163 = arith.constant 0 : i32
        %dma_start3A_164 = arith.constant 0 : i32
        %dma_start3A_165 = tpu.memref_slice %arg14[%dma_start3A_163, %dma_start3A_164] : memref<10112x128xf32, #tpu.memory_space<vmem_shared>> -> memref<10112x128xf32, #tpu.memory_space<vmem_shared>>
        tpu.enqueue_indirect_dma source(%arg12 : memref<128x128xf32, #tpu.memory_space<vmem>>) target(%dma_start3A_165 : memref<10112x128xf32, #tpu.memory_space<vmem_shared>>) offsets(%dma_start3A_162 : memref<128xi32, #tpu.memory_space<vmem>>) semaphore(%run_scoped3A_159 : memref<!tpu.dma_semaphore, #tpu.memory_space<semaphore_mem>>) {add = true}
        %dma_wait3A_166 = arith.constant 0 : i32
        %dma_wait3A_167 = tpu.memref_slice %arg11[%run_scoped3A_90, %dma_wait3A_166] : memref<8x128xi32, #tpu.memory_space<vmem>> -> memref<1x128xi32, #tpu.memory_space<vmem>>
        %dma_wait3A_168 = tpu.memref_squeeze %dma_wait3A_167 : memref<1x128xi32, #tpu.memory_space<vmem>> -> memref<128xi32, #tpu.memory_space<vmem>>
        %dma_wait3A_169 = arith.constant 0 : i32
        %dma_wait3A_170 = arith.constant 0 : i32
        %dma_wait3A_171 = tpu.memref_slice %arg14[%dma_wait3A_169, %dma_wait3A_170] : memref<10112x128xf32, #tpu.memory_space<vmem_shared>> -> memref<10112x128xf32, #tpu.memory_space<vmem_shared>>
        tpu.wait_indirect_dma semaphore(%run_scoped3A_159 : memref<!tpu.dma_semaphore, #tpu.memory_space<semaphore_mem>>) src(%arg12 : memref<128x128xf32, #tpu.memory_space<vmem>>) dst(%dma_wait3A_171 : memref<10112x128xf32, #tpu.memory_space<vmem_shared>>)
        tpu.yield
      }) : () -> ()
      %dma_wait3A_91 = arith.constant 3 : i32
      %dma_wait3A_92 = arith.constant 0 : i32
      %dma_wait3A_93 = tpu.memref_slice %arg10[%dma_wait3A_91, %dma_wait3A_92] : memref<8x128xi32, #tpu.memory_space<vmem>> -> memref<1x128xi32, #tpu.memory_space<vmem>>
      %dma_wait3A_94 = tpu.memref_squeeze %dma_wait3A_93 : memref<1x128xi32, #tpu.memory_space<vmem>> -> memref<128xi32, #tpu.memory_space<vmem>>
      %dma_wait3A_95 = arith.constant 0 : i32
      %dma_wait3A_96 = arith.constant 0 : i32
      %dma_wait3A_97 = tpu.memref_slice %arg2[%dma_wait3A_95, %dma_wait3A_96] : memref<20224x128xf32, #tpu.memory_space<hbm>> -> memref<20224x128xf32, #tpu.memory_space<hbm>>
      tpu.wait_indirect_dma semaphore(%arg16 : memref<!tpu.dma_semaphore, #tpu.memory_space<semaphore_mem>>) src(%dma_wait3A_97 : memref<20224x128xf32, #tpu.memory_space<hbm>>) dst(%arg13 : memref<128x128xf32, #tpu.memory_space<vmem>>)
      %dma_start3A_98 = arith.constant 4 : i32
      %dma_start3A_99 = arith.constant 0 : i32
      %dma_start3A_100 = tpu.memref_slice %arg10[%dma_start3A_98, %dma_start3A_99] : memref<8x128xi32, #tpu.memory_space<vmem>> -> memref<1x128xi32, #tpu.memory_space<vmem>>
      %dma_start3A_101 = tpu.memref_squeeze %dma_start3A_100 : memref<1x128xi32, #tpu.memory_space<vmem>> -> memref<128xi32, #tpu.memory_space<vmem>>
      %dma_start3A_102 = arith.constant 0 : i32
      %dma_start3A_103 = arith.constant 0 : i32
      %dma_start3A_104 = tpu.memref_slice %arg2[%dma_start3A_102, %dma_start3A_103] : memref<20224x128xf32, #tpu.memory_space<hbm>> -> memref<20224x128xf32, #tpu.memory_space<hbm>>
      tpu.enqueue_indirect_dma source(%dma_start3A_104 : memref<20224x128xf32, #tpu.memory_space<hbm>>) target(%arg12 : memref<128x128xf32, #tpu.memory_space<vmem>>) offsets(%dma_start3A_101 : memref<128xi32, #tpu.memory_space<vmem>>) semaphore(%arg15 : memref<!tpu.dma_semaphore, #tpu.memory_space<semaphore_mem>>)
      %run_scoped3A_105 = arith.constant 3 : i32
      "tpu.region"() ({
        %run_scoped3A_159 = tpu.sem_alloc : memref<!tpu.dma_semaphore, #tpu.memory_space<semaphore_mem>>
        %dma_start3A_160 = arith.constant 0 : i32
        %dma_start3A_161 = tpu.memref_slice %arg11[%run_scoped3A_105, %dma_start3A_160] : memref<8x128xi32, #tpu.memory_space<vmem>> -> memref<1x128xi32, #tpu.memory_space<vmem>>
        %dma_start3A_162 = tpu.memref_squeeze %dma_start3A_161 : memref<1x128xi32, #tpu.memory_space<vmem>> -> memref<128xi32, #tpu.memory_space<vmem>>
        %dma_start3A_163 = arith.constant 0 : i32
        %dma_start3A_164 = arith.constant 0 : i32
        %dma_start3A_165 = tpu.memref_slice %arg14[%dma_start3A_163, %dma_start3A_164] : memref<10112x128xf32, #tpu.memory_space<vmem_shared>> -> memref<10112x128xf32, #tpu.memory_space<vmem_shared>>
        tpu.enqueue_indirect_dma source(%arg13 : memref<128x128xf32, #tpu.memory_space<vmem>>) target(%dma_start3A_165 : memref<10112x128xf32, #tpu.memory_space<vmem_shared>>) offsets(%dma_start3A_162 : memref<128xi32, #tpu.memory_space<vmem>>) semaphore(%run_scoped3A_159 : memref<!tpu.dma_semaphore, #tpu.memory_space<semaphore_mem>>) {add = true}
        %dma_wait3A_166 = arith.constant 0 : i32
        %dma_wait3A_167 = tpu.memref_slice %arg11[%run_scoped3A_105, %dma_wait3A_166] : memref<8x128xi32, #tpu.memory_space<vmem>> -> memref<1x128xi32, #tpu.memory_space<vmem>>
        %dma_wait3A_168 = tpu.memref_squeeze %dma_wait3A_167 : memref<1x128xi32, #tpu.memory_space<vmem>> -> memref<128xi32, #tpu.memory_space<vmem>>
        %dma_wait3A_169 = arith.constant 0 : i32
        %dma_wait3A_170 = arith.constant 0 : i32
        %dma_wait3A_171 = tpu.memref_slice %arg14[%dma_wait3A_169, %dma_wait3A_170] : memref<10112x128xf32, #tpu.memory_space<vmem_shared>> -> memref<10112x128xf32, #tpu.memory_space<vmem_shared>>
        tpu.wait_indirect_dma semaphore(%run_scoped3A_159 : memref<!tpu.dma_semaphore, #tpu.memory_space<semaphore_mem>>) src(%arg13 : memref<128x128xf32, #tpu.memory_space<vmem>>) dst(%dma_wait3A_171 : memref<10112x128xf32, #tpu.memory_space<vmem_shared>>)
        tpu.yield
      }) : () -> ()
      %dma_wait3A_106 = arith.constant 4 : i32
      %dma_wait3A_107 = arith.constant 0 : i32
      %dma_wait3A_108 = tpu.memref_slice %arg10[%dma_wait3A_106, %dma_wait3A_107] : memref<8x128xi32, #tpu.memory_space<vmem>> -> memref<1x128xi32, #tpu.memory_space<vmem>>
      %dma_wait3A_109 = tpu.memref_squeeze %dma_wait3A_108 : memref<1x128xi32, #tpu.memory_space<vmem>> -> memref<128xi32, #tpu.memory_space<vmem>>
      %dma_wait3A_110 = arith.constant 0 : i32
      %dma_wait3A_111 = arith.constant 0 : i32
      %dma_wait3A_112 = tpu.memref_slice %arg2[%dma_wait3A_110, %dma_wait3A_111] : memref<20224x128xf32, #tpu.memory_space<hbm>> -> memref<20224x128xf32, #tpu.memory_space<hbm>>
      tpu.wait_indirect_dma semaphore(%arg15 : memref<!tpu.dma_semaphore, #tpu.memory_space<semaphore_mem>>) src(%dma_wait3A_112 : memref<20224x128xf32, #tpu.memory_space<hbm>>) dst(%arg12 : memref<128x128xf32, #tpu.memory_space<vmem>>)
      %dma_start3A_113 = arith.constant 5 : i32
      %dma_start3A_114 = arith.constant 0 : i32
      %dma_start3A_115 = tpu.memref_slice %arg10[%dma_start3A_113, %dma_start3A_114] : memref<8x128xi32, #tpu.memory_space<vmem>> -> memref<1x128xi32, #tpu.memory_space<vmem>>
      %dma_start3A_116 = tpu.memref_squeeze %dma_start3A_115 : memref<1x128xi32, #tpu.memory_space<vmem>> -> memref<128xi32, #tpu.memory_space<vmem>>
      %dma_start3A_117 = arith.constant 0 : i32
      %dma_start3A_118 = arith.constant 0 : i32
      %dma_start3A_119 = tpu.memref_slice %arg2[%dma_start3A_117, %dma_start3A_118] : memref<20224x128xf32, #tpu.memory_space<hbm>> -> memref<20224x128xf32, #tpu.memory_space<hbm>>
      tpu.enqueue_indirect_dma source(%dma_start3A_119 : memref<20224x128xf32, #tpu.memory_space<hbm>>) target(%arg13 : memref<128x128xf32, #tpu.memory_space<vmem>>) offsets(%dma_start3A_116 : memref<128xi32, #tpu.memory_space<vmem>>) semaphore(%arg16 : memref<!tpu.dma_semaphore, #tpu.memory_space<semaphore_mem>>)
      %run_scoped3A_120 = arith.constant 4 : i32
      "tpu.region"() ({
        %run_scoped3A_159 = tpu.sem_alloc : memref<!tpu.dma_semaphore, #tpu.memory_space<semaphore_mem>>
        %dma_start3A_160 = arith.constant 0 : i32
        %dma_start3A_161 = tpu.memref_slice %arg11[%run_scoped3A_120, %dma_start3A_160] : memref<8x128xi32, #tpu.memory_space<vmem>> -> memref<1x128xi32, #tpu.memory_space<vmem>>
        %dma_start3A_162 = tpu.memref_squeeze %dma_start3A_161 : memref<1x128xi32, #tpu.memory_space<vmem>> -> memref<128xi32, #tpu.memory_space<vmem>>
        %dma_start3A_163 = arith.constant 0 : i32
        %dma_start3A_164 = arith.constant 0 : i32
        %dma_start3A_165 = tpu.memref_slice %arg14[%dma_start3A_163, %dma_start3A_164] : memref<10112x128xf32, #tpu.memory_space<vmem_shared>> -> memref<10112x128xf32, #tpu.memory_space<vmem_shared>>
        tpu.enqueue_indirect_dma source(%arg12 : memref<128x128xf32, #tpu.memory_space<vmem>>) target(%dma_start3A_165 : memref<10112x128xf32, #tpu.memory_space<vmem_shared>>) offsets(%dma_start3A_162 : memref<128xi32, #tpu.memory_space<vmem>>) semaphore(%run_scoped3A_159 : memref<!tpu.dma_semaphore, #tpu.memory_space<semaphore_mem>>) {add = true}
        %dma_wait3A_166 = arith.constant 0 : i32
        %dma_wait3A_167 = tpu.memref_slice %arg11[%run_scoped3A_120, %dma_wait3A_166] : memref<8x128xi32, #tpu.memory_space<vmem>> -> memref<1x128xi32, #tpu.memory_space<vmem>>
        %dma_wait3A_168 = tpu.memref_squeeze %dma_wait3A_167 : memref<1x128xi32, #tpu.memory_space<vmem>> -> memref<128xi32, #tpu.memory_space<vmem>>
        %dma_wait3A_169 = arith.constant 0 : i32
        %dma_wait3A_170 = arith.constant 0 : i32
        %dma_wait3A_171 = tpu.memref_slice %arg14[%dma_wait3A_169, %dma_wait3A_170] : memref<10112x128xf32, #tpu.memory_space<vmem_shared>> -> memref<10112x128xf32, #tpu.memory_space<vmem_shared>>
        tpu.wait_indirect_dma semaphore(%run_scoped3A_159 : memref<!tpu.dma_semaphore, #tpu.memory_space<semaphore_mem>>) src(%arg12 : memref<128x128xf32, #tpu.memory_space<vmem>>) dst(%dma_wait3A_171 : memref<10112x128xf32, #tpu.memory_space<vmem_shared>>)
        tpu.yield
      }) : () -> ()
      %dma_wait3A_121 = arith.constant 5 : i32
      %dma_wait3A_122 = arith.constant 0 : i32
      %dma_wait3A_123 = tpu.memref_slice %arg10[%dma_wait3A_121, %dma_wait3A_122] : memref<8x128xi32, #tpu.memory_space<vmem>> -> memref<1x128xi32, #tpu.memory_space<vmem>>
      %dma_wait3A_124 = tpu.memref_squeeze %dma_wait3A_123 : memref<1x128xi32, #tpu.memory_space<vmem>> -> memref<128xi32, #tpu.memory_space<vmem>>
      %dma_wait3A_125 = arith.constant 0 : i32
      %dma_wait3A_126 = arith.constant 0 : i32
      %dma_wait3A_127 = tpu.memref_slice %arg2[%dma_wait3A_125, %dma_wait3A_126] : memref<20224x128xf32, #tpu.memory_space<hbm>> -> memref<20224x128xf32, #tpu.memory_space<hbm>>
      tpu.wait_indirect_dma semaphore(%arg16 : memref<!tpu.dma_semaphore, #tpu.memory_space<semaphore_mem>>) src(%dma_wait3A_127 : memref<20224x128xf32, #tpu.memory_space<hbm>>) dst(%arg13 : memref<128x128xf32, #tpu.memory_space<vmem>>)
      %dma_start3A_128 = arith.constant 6 : i32
      %dma_start3A_129 = arith.constant 0 : i32
      %dma_start3A_130 = tpu.memref_slice %arg10[%dma_start3A_128, %dma_start3A_129] : memref<8x128xi32, #tpu.memory_space<vmem>> -> memref<1x128xi32, #tpu.memory_space<vmem>>
      %dma_start3A_131 = tpu.memref_squeeze %dma_start3A_130 : memref<1x128xi32, #tpu.memory_space<vmem>> -> memref<128xi32, #tpu.memory_space<vmem>>
      %dma_start3A_132 = arith.constant 0 : i32
      %dma_start3A_133 = arith.constant 0 : i32
      %dma_start3A_134 = tpu.memref_slice %arg2[%dma_start3A_132, %dma_start3A_133] : memref<20224x128xf32, #tpu.memory_space<hbm>> -> memref<20224x128xf32, #tpu.memory_space<hbm>>
      tpu.enqueue_indirect_dma source(%dma_start3A_134 : memref<20224x128xf32, #tpu.memory_space<hbm>>) target(%arg12 : memref<128x128xf32, #tpu.memory_space<vmem>>) offsets(%dma_start3A_131 : memref<128xi32, #tpu.memory_space<vmem>>) semaphore(%arg15 : memref<!tpu.dma_semaphore, #tpu.memory_space<semaphore_mem>>)
      %run_scoped3A_135 = arith.constant 5 : i32
      "tpu.region"() ({
        %run_scoped3A_159 = tpu.sem_alloc : memref<!tpu.dma_semaphore, #tpu.memory_space<semaphore_mem>>
        %dma_start3A_160 = arith.constant 0 : i32
        %dma_start3A_161 = tpu.memref_slice %arg11[%run_scoped3A_135, %dma_start3A_160] : memref<8x128xi32, #tpu.memory_space<vmem>> -> memref<1x128xi32, #tpu.memory_space<vmem>>
        %dma_start3A_162 = tpu.memref_squeeze %dma_start3A_161 : memref<1x128xi32, #tpu.memory_space<vmem>> -> memref<128xi32, #tpu.memory_space<vmem>>
        %dma_start3A_163 = arith.constant 0 : i32
        %dma_start3A_164 = arith.constant 0 : i32
        %dma_start3A_165 = tpu.memref_slice %arg14[%dma_start3A_163, %dma_start3A_164] : memref<10112x128xf32, #tpu.memory_space<vmem_shared>> -> memref<10112x128xf32, #tpu.memory_space<vmem_shared>>
        tpu.enqueue_indirect_dma source(%arg13 : memref<128x128xf32, #tpu.memory_space<vmem>>) target(%dma_start3A_165 : memref<10112x128xf32, #tpu.memory_space<vmem_shared>>) offsets(%dma_start3A_162 : memref<128xi32, #tpu.memory_space<vmem>>) semaphore(%run_scoped3A_159 : memref<!tpu.dma_semaphore, #tpu.memory_space<semaphore_mem>>) {add = true}
        %dma_wait3A_166 = arith.constant 0 : i32
        %dma_wait3A_167 = tpu.memref_slice %arg11[%run_scoped3A_135, %dma_wait3A_166] : memref<8x128xi32, #tpu.memory_space<vmem>> -> memref<1x128xi32, #tpu.memory_space<vmem>>
        %dma_wait3A_168 = tpu.memref_squeeze %dma_wait3A_167 : memref<1x128xi32, #tpu.memory_space<vmem>> -> memref<128xi32, #tpu.memory_space<vmem>>
        %dma_wait3A_169 = arith.constant 0 : i32
        %dma_wait3A_170 = arith.constant 0 : i32
        %dma_wait3A_171 = tpu.memref_slice %arg14[%dma_wait3A_169, %dma_wait3A_170] : memref<10112x128xf32, #tpu.memory_space<vmem_shared>> -> memref<10112x128xf32, #tpu.memory_space<vmem_shared>>
        tpu.wait_indirect_dma semaphore(%run_scoped3A_159 : memref<!tpu.dma_semaphore, #tpu.memory_space<semaphore_mem>>) src(%arg13 : memref<128x128xf32, #tpu.memory_space<vmem>>) dst(%dma_wait3A_171 : memref<10112x128xf32, #tpu.memory_space<vmem_shared>>)
        tpu.yield
      }) : () -> ()
      %dma_wait3A_136 = arith.constant 6 : i32
      %dma_wait3A_137 = arith.constant 0 : i32
      %dma_wait3A_138 = tpu.memref_slice %arg10[%dma_wait3A_136, %dma_wait3A_137] : memref<8x128xi32, #tpu.memory_space<vmem>> -> memref<1x128xi32, #tpu.memory_space<vmem>>
      %dma_wait3A_139 = tpu.memref_squeeze %dma_wait3A_138 : memref<1x128xi32, #tpu.memory_space<vmem>> -> memref<128xi32, #tpu.memory_space<vmem>>
      %dma_wait3A_140 = arith.constant 0 : i32
      %dma_wait3A_141 = arith.constant 0 : i32
      %dma_wait3A_142 = tpu.memref_slice %arg2[%dma_wait3A_140, %dma_wait3A_141] : memref<20224x128xf32, #tpu.memory_space<hbm>> -> memref<20224x128xf32, #tpu.memory_space<hbm>>
      tpu.wait_indirect_dma semaphore(%arg15 : memref<!tpu.dma_semaphore, #tpu.memory_space<semaphore_mem>>) src(%dma_wait3A_142 : memref<20224x128xf32, #tpu.memory_space<hbm>>) dst(%arg12 : memref<128x128xf32, #tpu.memory_space<vmem>>)
      %dma_start3A_143 = arith.constant 7 : i32
      %dma_start3A_144 = arith.constant 0 : i32
      %dma_start3A_145 = tpu.memref_slice %arg10[%dma_start3A_143, %dma_start3A_144] : memref<8x128xi32, #tpu.memory_space<vmem>> -> memref<1x128xi32, #tpu.memory_space<vmem>>
      %dma_start3A_146 = tpu.memref_squeeze %dma_start3A_145 : memref<1x128xi32, #tpu.memory_space<vmem>> -> memref<128xi32, #tpu.memory_space<vmem>>
      %dma_start3A_147 = arith.constant 0 : i32
      %dma_start3A_148 = arith.constant 0 : i32
      %dma_start3A_149 = tpu.memref_slice %arg2[%dma_start3A_147, %dma_start3A_148] : memref<20224x128xf32, #tpu.memory_space<hbm>> -> memref<20224x128xf32, #tpu.memory_space<hbm>>
      tpu.enqueue_indirect_dma source(%dma_start3A_149 : memref<20224x128xf32, #tpu.memory_space<hbm>>) target(%arg13 : memref<128x128xf32, #tpu.memory_space<vmem>>) offsets(%dma_start3A_146 : memref<128xi32, #tpu.memory_space<vmem>>) semaphore(%arg16 : memref<!tpu.dma_semaphore, #tpu.memory_space<semaphore_mem>>)
      %run_scoped3A_150 = arith.constant 6 : i32
      "tpu.region"() ({
        %run_scoped3A_159 = tpu.sem_alloc : memref<!tpu.dma_semaphore, #tpu.memory_space<semaphore_mem>>
        %dma_start3A_160 = arith.constant 0 : i32
        %dma_start3A_161 = tpu.memref_slice %arg11[%run_scoped3A_150, %dma_start3A_160] : memref<8x128xi32, #tpu.memory_space<vmem>> -> memref<1x128xi32, #tpu.memory_space<vmem>>
        %dma_start3A_162 = tpu.memref_squeeze %dma_start3A_161 : memref<1x128xi32, #tpu.memory_space<vmem>> -> memref<128xi32, #tpu.memory_space<vmem>>
        %dma_start3A_163 = arith.constant 0 : i32
        %dma_start3A_164 = arith.constant 0 : i32
        %dma_start3A_165 = tpu.memref_slice %arg14[%dma_start3A_163, %dma_start3A_164] : memref<10112x128xf32, #tpu.memory_space<vmem_shared>> -> memref<10112x128xf32, #tpu.memory_space<vmem_shared>>
        tpu.enqueue_indirect_dma source(%arg12 : memref<128x128xf32, #tpu.memory_space<vmem>>) target(%dma_start3A_165 : memref<10112x128xf32, #tpu.memory_space<vmem_shared>>) offsets(%dma_start3A_162 : memref<128xi32, #tpu.memory_space<vmem>>) semaphore(%run_scoped3A_159 : memref<!tpu.dma_semaphore, #tpu.memory_space<semaphore_mem>>) {add = true}
        %dma_wait3A_166 = arith.constant 0 : i32
        %dma_wait3A_167 = tpu.memref_slice %arg11[%run_scoped3A_150, %dma_wait3A_166] : memref<8x128xi32, #tpu.memory_space<vmem>> -> memref<1x128xi32, #tpu.memory_space<vmem>>
        %dma_wait3A_168 = tpu.memref_squeeze %dma_wait3A_167 : memref<1x128xi32, #tpu.memory_space<vmem>> -> memref<128xi32, #tpu.memory_space<vmem>>
        %dma_wait3A_169 = arith.constant 0 : i32
        %dma_wait3A_170 = arith.constant 0 : i32
        %dma_wait3A_171 = tpu.memref_slice %arg14[%dma_wait3A_169, %dma_wait3A_170] : memref<10112x128xf32, #tpu.memory_space<vmem_shared>> -> memref<10112x128xf32, #tpu.memory_space<vmem_shared>>
        tpu.wait_indirect_dma semaphore(%run_scoped3A_159 : memref<!tpu.dma_semaphore, #tpu.memory_space<semaphore_mem>>) src(%arg12 : memref<128x128xf32, #tpu.memory_space<vmem>>) dst(%dma_wait3A_171 : memref<10112x128xf32, #tpu.memory_space<vmem_shared>>)
        tpu.yield
      }) : () -> ()
      %dma_wait3A_151 = arith.constant 7 : i32
      %dma_wait3A_152 = arith.constant 0 : i32
      %dma_wait3A_153 = tpu.memref_slice %arg10[%dma_wait3A_151, %dma_wait3A_152] : memref<8x128xi32, #tpu.memory_space<vmem>> -> memref<1x128xi32, #tpu.memory_space<vmem>>
      %dma_wait3A_154 = tpu.memref_squeeze %dma_wait3A_153 : memref<1x128xi32, #tpu.memory_space<vmem>> -> memref<128xi32, #tpu.memory_space<vmem>>
      %dma_wait3A_155 = arith.constant 0 : i32
      %dma_wait3A_156 = arith.constant 0 : i32
      %dma_wait3A_157 = tpu.memref_slice %arg2[%dma_wait3A_155, %dma_wait3A_156] : memref<20224x128xf32, #tpu.memory_space<hbm>> -> memref<20224x128xf32, #tpu.memory_space<hbm>>
      tpu.wait_indirect_dma semaphore(%arg16 : memref<!tpu.dma_semaphore, #tpu.memory_space<semaphore_mem>>) src(%dma_wait3A_157 : memref<20224x128xf32, #tpu.memory_space<hbm>>) dst(%arg13 : memref<128x128xf32, #tpu.memory_space<vmem>>)
      %run_scoped3A_158 = arith.constant 7 : i32
      "tpu.region"() ({
        %run_scoped3A_159 = tpu.sem_alloc : memref<!tpu.dma_semaphore, #tpu.memory_space<semaphore_mem>>
        %dma_start3A_160 = arith.constant 0 : i32
        %dma_start3A_161 = tpu.memref_slice %arg11[%run_scoped3A_158, %dma_start3A_160] : memref<8x128xi32, #tpu.memory_space<vmem>> -> memref<1x128xi32, #tpu.memory_space<vmem>>
        %dma_start3A_162 = tpu.memref_squeeze %dma_start3A_161 : memref<1x128xi32, #tpu.memory_space<vmem>> -> memref<128xi32, #tpu.memory_space<vmem>>
        %dma_start3A_163 = arith.constant 0 : i32
        %dma_start3A_164 = arith.constant 0 : i32
        %dma_start3A_165 = tpu.memref_slice %arg14[%dma_start3A_163, %dma_start3A_164] : memref<10112x128xf32, #tpu.memory_space<vmem_shared>> -> memref<10112x128xf32, #tpu.memory_space<vmem_shared>>
        tpu.enqueue_indirect_dma source(%arg13 : memref<128x128xf32, #tpu.memory_space<vmem>>) target(%dma_start3A_165 : memref<10112x128xf32, #tpu.memory_space<vmem_shared>>) offsets(%dma_start3A_162 : memref<128xi32, #tpu.memory_space<vmem>>) semaphore(%run_scoped3A_159 : memref<!tpu.dma_semaphore, #tpu.memory_space<semaphore_mem>>) {add = true}
        %dma_wait3A_166 = arith.constant 0 : i32
        %dma_wait3A_167 = tpu.memref_slice %arg11[%run_scoped3A_158, %dma_wait3A_166] : memref<8x128xi32, #tpu.memory_space<vmem>> -> memref<1x128xi32, #tpu.memory_space<vmem>>
        %dma_wait3A_168 = tpu.memref_squeeze %dma_wait3A_167 : memref<1x128xi32, #tpu.memory_space<vmem>> -> memref<128xi32, #tpu.memory_space<vmem>>
        %dma_wait3A_169 = arith.constant 0 : i32
        %dma_wait3A_170 = arith.constant 0 : i32
        %dma_wait3A_171 = tpu.memref_slice %arg14[%dma_wait3A_169, %dma_wait3A_170] : memref<10112x128xf32, #tpu.memory_space<vmem_shared>> -> memref<10112x128xf32, #tpu.memory_space<vmem_shared>>
        tpu.wait_indirect_dma semaphore(%run_scoped3A_159 : memref<!tpu.dma_semaphore, #tpu.memory_space<semaphore_mem>>) src(%arg13 : memref<128x128xf32, #tpu.memory_space<vmem>>) dst(%dma_wait3A_171 : memref<10112x128xf32, #tpu.memory_space<vmem_shared>>)
        tpu.yield
      }) : () -> ()
    }
    %scan3A_10 = arith.constant 10 : i32
    %barrier3A_11 = arith.constant 0 : index
    tpu.barrier barrier_id(%barrier3A_11)
    %mul3A_12 = arith.constant 632 : i32
    %mul3A_13 = arith.muli %arg1, %mul3A_12 : i32
    %mul3A_14 = arith.constant 632 : i32
    %mul3A_15 = arith.muli %arg1, %mul3A_14 : i32
    "tpu.region"() ({
      %run_scoped3A = tpu.sem_alloc : memref<!tpu.dma_semaphore, #tpu.memory_space<semaphore_mem>>
      %dma_start3A = arith.constant 0 : i32
      %dma_start3A_31 = tpu.memref_slice %arg8[%arg0, %mul3A_15, %dma_start3A] : memref<2x10112x128xf32, #tpu.memory_space<hbm>> -> memref<1x632x128xf32, #tpu.memory_space<hbm>>
      %dma_start3A_32 = tpu.memref_squeeze %dma_start3A_31 : memref<1x632x128xf32, #tpu.memory_space<hbm>> -> memref<632x128xf32, #tpu.memory_space<hbm>>
      %dma_start3A_33 = arith.constant 0 : i32
      %dma_start3A_34 = tpu.memref_slice %arg14[%mul3A_13, %dma_start3A_33] : memref<10112x128xf32, #tpu.memory_space<vmem_shared>> -> memref<632x128xf32, #tpu.memory_space<vmem_shared>>
      tpu.enqueue_dma source(%dma_start3A_34 : memref<632x128xf32, #tpu.memory_space<vmem_shared>>) target(%dma_start3A_32 : memref<632x128xf32, #tpu.memory_space<hbm>>) target_semaphore(%run_scoped3A : memref<!tpu.dma_semaphore, #tpu.memory_space<semaphore_mem>>)
      %dma_wait3A = arith.constant 0 : i32
      %dma_wait3A_35 = tpu.memref_slice %arg8[%arg0, %mul3A_15, %dma_wait3A] : memref<2x10112x128xf32, #tpu.memory_space<hbm>> -> memref<1x632x128xf32, #tpu.memory_space<hbm>>
      %dma_wait3A_36 = tpu.memref_squeeze %dma_wait3A_35 : memref<1x632x128xf32, #tpu.memory_space<hbm>> -> memref<632x128xf32, #tpu.memory_space<hbm>>
      %dma_wait3A_37 = arith.constant 0 : i32
      %dma_wait3A_38 = tpu.memref_slice %arg14[%mul3A_13, %dma_wait3A_37] : memref<10112x128xf32, #tpu.memory_space<vmem_shared>> -> memref<632x128xf32, #tpu.memory_space<vmem_shared>>
      tpu.wait_dma2 semaphore(%run_scoped3A : memref<!tpu.dma_semaphore, #tpu.memory_space<semaphore_mem>>) src(%dma_wait3A_38 : memref<632x128xf32, #tpu.memory_space<vmem_shared>>) dst(%dma_wait3A_36 : memref<632x128xf32, #tpu.memory_space<hbm>>)
      tpu.yield
    }) : () -> ()
    %mul3A_16 = arith.constant 632 : i32
    %mul3A_17 = arith.muli %arg1, %mul3A_16 : i32
    %mul3A_18 = arith.constant 632 : i32
    %mul3A_19 = arith.muli %arg1, %mul3A_18 : i32
    "tpu.region"() ({
      %run_scoped3A = tpu.sem_alloc : memref<!tpu.dma_semaphore, #tpu.memory_space<semaphore_mem>>
      %dma_start3A = arith.constant 0 : i32
      %dma_start3A_31 = tpu.memref_slice %arg14[%mul3A_19, %dma_start3A] : memref<10112x128xf32, #tpu.memory_space<vmem_shared>> -> memref<632x128xf32, #tpu.memory_space<vmem_shared>>
      %dma_start3A_32 = arith.constant 0 : i32
      %dma_start3A_33 = tpu.memref_slice %arg7[%mul3A_17, %dma_start3A_32] : memref<10112x128xf32, #tpu.memory_space<hbm>> -> memref<632x128xf32, #tpu.memory_space<hbm>>
      tpu.enqueue_dma source(%dma_start3A_33 : memref<632x128xf32, #tpu.memory_space<hbm>>) target(%dma_start3A_31 : memref<632x128xf32, #tpu.memory_space<vmem_shared>>) target_semaphore(%run_scoped3A : memref<!tpu.dma_semaphore, #tpu.memory_space<semaphore_mem>>)
      %dma_wait3A = arith.constant 0 : i32
      %dma_wait3A_34 = tpu.memref_slice %arg14[%mul3A_19, %dma_wait3A] : memref<10112x128xf32, #tpu.memory_space<vmem_shared>> -> memref<632x128xf32, #tpu.memory_space<vmem_shared>>
      %dma_wait3A_35 = arith.constant 0 : i32
      %dma_wait3A_36 = tpu.memref_slice %arg7[%mul3A_17, %dma_wait3A_35] : memref<10112x128xf32, #tpu.memory_space<hbm>> -> memref<632x128xf32, #tpu.memory_space<hbm>>
      tpu.wait_dma2 semaphore(%run_scoped3A : memref<!tpu.dma_semaphore, #tpu.memory_space<semaphore_mem>>) src(%dma_wait3A_36 : memref<632x128xf32, #tpu.memory_space<hbm>>) dst(%dma_wait3A_34 : memref<632x128xf32, #tpu.memory_space<vmem_shared>>)
      tpu.yield
    }) : () -> ()
    %barrier3A_20 = arith.constant 0 : index
    tpu.barrier barrier_id(%barrier3A_20)
    %scan3A_21 = arith.constant 0 : i32
    %scan3A_22 = arith.constant 10 : i32
    %scan3A_23 = arith.addi %scan3A_21, %scan3A_22 : i32
    %scan3A_24 = arith.constant 1 : i32
    scf.for %scan3A_31 = %scan3A_21 to %scan3A_23 step %scan3A_24  : i32 {
      %mul3A_32 = arith.constant 1 : i32
      %mul3A_33 = arith.muli %scan3A_31, %mul3A_32 : i32
      %add3A_34 = arith.constant 0 : i32
      %add3A_35 = arith.addi %add3A_34, %mul3A_33 : i32
      %mul3A_36 = arith.constant 8 : i32
      %mul3A_37 = arith.muli %add3A_35, %mul3A_36 : i32
      %add3A_38 = arith.addi %mul3A_2, %mul3A_37 : i32
      "tpu.region"() ({
        %run_scoped3A_220 = tpu.sem_alloc : memref<!tpu.dma_semaphore, #tpu.memory_space<semaphore_mem>>
        %dma_start3A_221 = arith.constant 0 : i32
        %dma_start3A_222 = tpu.memref_slice %arg5[%add3A_38, %dma_start3A_221] : memref<2560x128xi32, #tpu.memory_space<hbm>> -> memref<8x128xi32, #tpu.memory_space<hbm>>
        %dma_start3A_223 = arith.constant 0 : i32
        %dma_start3A_224 = tpu.memref_slice %arg5[%add3A_38, %dma_start3A_223] : memref<2560x128xi32, #tpu.memory_space<hbm>> -> memref<8x128xi32, #tpu.memory_space<hbm>>
        tpu.enqueue_dma source(%dma_start3A_224 : memref<8x128xi32, #tpu.memory_space<hbm>>) target(%arg11 : memref<8x128xi32, #tpu.memory_space<vmem>>) target_semaphore(%run_scoped3A_220 : memref<!tpu.dma_semaphore, #tpu.memory_space<semaphore_mem>>)
        %dma_wait3A_225 = arith.constant 0 : i32
        %dma_wait3A_226 = tpu.memref_slice %arg5[%add3A_38, %dma_wait3A_225] : memref<2560x128xi32, #tpu.memory_space<hbm>> -> memref<8x128xi32, #tpu.memory_space<hbm>>
        %dma_wait3A_227 = arith.constant 0 : i32
        %dma_wait3A_228 = tpu.memref_slice %arg5[%add3A_38, %dma_wait3A_227] : memref<2560x128xi32, #tpu.memory_space<hbm>> -> memref<8x128xi32, #tpu.memory_space<hbm>>
        tpu.wait_dma2 semaphore(%run_scoped3A_220 : memref<!tpu.dma_semaphore, #tpu.memory_space<semaphore_mem>>) src(%dma_wait3A_228 : memref<8x128xi32, #tpu.memory_space<hbm>>) dst(%arg11 : memref<8x128xi32, #tpu.memory_space<vmem>>)
        tpu.yield
      }) : () -> ()
      %mul3A_39 = arith.constant 8 : i32
      %mul3A_40 = arith.muli %add3A_35, %mul3A_39 : i32
      %add3A_41 = arith.addi %mul3A_2, %mul3A_40 : i32
      %add3A_42 = arith.constant 0 : i32
      %add3A_43 = arith.addi %add3A_41, %add3A_42 : i32
      %mul3A_44 = arith.constant 128 : i32
      %mul3A_45 = arith.muli %add3A_43, %mul3A_44 : i32
      %dma_start3A = arith.constant 0 : i32
      %dma_start3A_46 = tpu.memref_slice %arg6[%mul3A_45, %dma_start3A] : memref<327680x128xf32, #tpu.memory_space<hbm>> -> memref<128x128xf32, #tpu.memory_space<hbm>>
      %dma_start3A_47 = arith.constant 0 : i32
      %dma_start3A_48 = tpu.memref_slice %arg6[%mul3A_45, %dma_start3A_47] : memref<327680x128xf32, #tpu.memory_space<hbm>> -> memref<128x128xf32, #tpu.memory_space<hbm>>
      tpu.enqueue_dma source(%dma_start3A_48 : memref<128x128xf32, #tpu.memory_space<hbm>>) target(%arg12 : memref<128x128xf32, #tpu.memory_space<vmem>>) target_semaphore(%arg15 : memref<!tpu.dma_semaphore, #tpu.memory_space<semaphore_mem>>)
      %mul3A_49 = arith.constant 8 : i32
      %mul3A_50 = arith.muli %add3A_35, %mul3A_49 : i32
      %add3A_51 = arith.addi %mul3A_2, %mul3A_50 : i32
      %add3A_52 = arith.constant 0 : i32
      %add3A_53 = arith.addi %add3A_51, %add3A_52 : i32
      %mul3A_54 = arith.constant 128 : i32
      %mul3A_55 = arith.muli %add3A_53, %mul3A_54 : i32
      %dma_wait3A = arith.constant 0 : i32
      %dma_wait3A_56 = tpu.memref_slice %arg6[%mul3A_55, %dma_wait3A] : memref<327680x128xf32, #tpu.memory_space<hbm>> -> memref<128x128xf32, #tpu.memory_space<hbm>>
      %dma_wait3A_57 = arith.constant 0 : i32
      %dma_wait3A_58 = tpu.memref_slice %arg6[%mul3A_55, %dma_wait3A_57] : memref<327680x128xf32, #tpu.memory_space<hbm>> -> memref<128x128xf32, #tpu.memory_space<hbm>>
      tpu.wait_dma2 semaphore(%arg15 : memref<!tpu.dma_semaphore, #tpu.memory_space<semaphore_mem>>) src(%dma_wait3A_58 : memref<128x128xf32, #tpu.memory_space<hbm>>) dst(%arg12 : memref<128x128xf32, #tpu.memory_space<vmem>>)
      %mul3A_59 = arith.constant 8 : i32
      %mul3A_60 = arith.muli %add3A_35, %mul3A_59 : i32
      %add3A_61 = arith.addi %mul3A_2, %mul3A_60 : i32
      %add3A_62 = arith.constant 1 : i32
      %add3A_63 = arith.addi %add3A_61, %add3A_62 : i32
      %mul3A_64 = arith.constant 128 : i32
      %mul3A_65 = arith.muli %add3A_63, %mul3A_64 : i32
      %dma_start3A_66 = arith.constant 0 : i32
      %dma_start3A_67 = tpu.memref_slice %arg6[%mul3A_65, %dma_start3A_66] : memref<327680x128xf32, #tpu.memory_space<hbm>> -> memref<128x128xf32, #tpu.memory_space<hbm>>
      %dma_start3A_68 = arith.constant 0 : i32
      %dma_start3A_69 = tpu.memref_slice %arg6[%mul3A_65, %dma_start3A_68] : memref<327680x128xf32, #tpu.memory_space<hbm>> -> memref<128x128xf32, #tpu.memory_space<hbm>>
      tpu.enqueue_dma source(%dma_start3A_69 : memref<128x128xf32, #tpu.memory_space<hbm>>) target(%arg13 : memref<128x128xf32, #tpu.memory_space<vmem>>) target_semaphore(%arg16 : memref<!tpu.dma_semaphore, #tpu.memory_space<semaphore_mem>>)
      %run_scoped3A = arith.constant 0 : i32
      "tpu.region"() ({
        %run_scoped3A_220 = tpu.sem_alloc : memref<!tpu.dma_semaphore, #tpu.memory_space<semaphore_mem>>
        %dma_start3A_221 = arith.constant 0 : i32
        %dma_start3A_222 = tpu.memref_slice %arg11[%run_scoped3A, %dma_start3A_221] : memref<8x128xi32, #tpu.memory_space<vmem>> -> memref<1x128xi32, #tpu.memory_space<vmem>>
        %dma_start3A_223 = tpu.memref_squeeze %dma_start3A_222 : memref<1x128xi32, #tpu.memory_space<vmem>> -> memref<128xi32, #tpu.memory_space<vmem>>
        %dma_start3A_224 = arith.constant 0 : i32
        %dma_start3A_225 = arith.constant 0 : i32
        %dma_start3A_226 = tpu.memref_slice %arg14[%dma_start3A_224, %dma_start3A_225] : memref<10112x128xf32, #tpu.memory_space<vmem_shared>> -> memref<10112x128xf32, #tpu.memory_space<vmem_shared>>
        tpu.enqueue_indirect_dma source(%arg12 : memref<128x128xf32, #tpu.memory_space<vmem>>) target(%dma_start3A_226 : memref<10112x128xf32, #tpu.memory_space<vmem_shared>>) offsets(%dma_start3A_223 : memref<128xi32, #tpu.memory_space<vmem>>) semaphore(%run_scoped3A_220 : memref<!tpu.dma_semaphore, #tpu.memory_space<semaphore_mem>>) {add = true}
        %dma_wait3A_227 = arith.constant 0 : i32
        %dma_wait3A_228 = tpu.memref_slice %arg11[%run_scoped3A, %dma_wait3A_227] : memref<8x128xi32, #tpu.memory_space<vmem>> -> memref<1x128xi32, #tpu.memory_space<vmem>>
        %dma_wait3A_229 = tpu.memref_squeeze %dma_wait3A_228 : memref<1x128xi32, #tpu.memory_space<vmem>> -> memref<128xi32, #tpu.memory_space<vmem>>
        %dma_wait3A_230 = arith.constant 0 : i32
        %dma_wait3A_231 = arith.constant 0 : i32
        %dma_wait3A_232 = tpu.memref_slice %arg14[%dma_wait3A_230, %dma_wait3A_231] : memref<10112x128xf32, #tpu.memory_space<vmem_shared>> -> memref<10112x128xf32, #tpu.memory_space<vmem_shared>>
        tpu.wait_indirect_dma semaphore(%run_scoped3A_220 : memref<!tpu.dma_semaphore, #tpu.memory_space<semaphore_mem>>) src(%arg12 : memref<128x128xf32, #tpu.memory_space<vmem>>) dst(%dma_wait3A_232 : memref<10112x128xf32, #tpu.memory_space<vmem_shared>>)
        tpu.yield
      }) : () -> ()
      %mul3A_70 = arith.constant 8 : i32
      %mul3A_71 = arith.muli %add3A_35, %mul3A_70 : i32
      %add3A_72 = arith.addi %mul3A_2, %mul3A_71 : i32
      %add3A_73 = arith.constant 1 : i32
      %add3A_74 = arith.addi %add3A_72, %add3A_73 : i32
      %mul3A_75 = arith.constant 128 : i32
      %mul3A_76 = arith.muli %add3A_74, %mul3A_75 : i32
      %dma_wait3A_77 = arith.constant 0 : i32
      %dma_wait3A_78 = tpu.memref_slice %arg6[%mul3A_76, %dma_wait3A_77] : memref<327680x128xf32, #tpu.memory_space<hbm>> -> memref<128x128xf32, #tpu.memory_space<hbm>>
      %dma_wait3A_79 = arith.constant 0 : i32
      %dma_wait3A_80 = tpu.memref_slice %arg6[%mul3A_76, %dma_wait3A_79] : memref<327680x128xf32, #tpu.memory_space<hbm>> -> memref<128x128xf32, #tpu.memory_space<hbm>>
      tpu.wait_dma2 semaphore(%arg16 : memref<!tpu.dma_semaphore, #tpu.memory_space<semaphore_mem>>) src(%dma_wait3A_80 : memref<128x128xf32, #tpu.memory_space<hbm>>) dst(%arg13 : memref<128x128xf32, #tpu.memory_space<vmem>>)
      %mul3A_81 = arith.constant 8 : i32
      %mul3A_82 = arith.muli %add3A_35, %mul3A_81 : i32
      %add3A_83 = arith.addi %mul3A_2, %mul3A_82 : i32
      %add3A_84 = arith.constant 2 : i32
      %add3A_85 = arith.addi %add3A_83, %add3A_84 : i32
      %mul3A_86 = arith.constant 128 : i32
      %mul3A_87 = arith.muli %add3A_85, %mul3A_86 : i32
      %dma_start3A_88 = arith.constant 0 : i32
      %dma_start3A_89 = tpu.memref_slice %arg6[%mul3A_87, %dma_start3A_88] : memref<327680x128xf32, #tpu.memory_space<hbm>> -> memref<128x128xf32, #tpu.memory_space<hbm>>
      %dma_start3A_90 = arith.constant 0 : i32
      %dma_start3A_91 = tpu.memref_slice %arg6[%mul3A_87, %dma_start3A_90] : memref<327680x128xf32, #tpu.memory_space<hbm>> -> memref<128x128xf32, #tpu.memory_space<hbm>>
      tpu.enqueue_dma source(%dma_start3A_91 : memref<128x128xf32, #tpu.memory_space<hbm>>) target(%arg12 : memref<128x128xf32, #tpu.memory_space<vmem>>) target_semaphore(%arg15 : memref<!tpu.dma_semaphore, #tpu.memory_space<semaphore_mem>>)
      %run_scoped3A_92 = arith.constant 1 : i32
      "tpu.region"() ({
        %run_scoped3A_220 = tpu.sem_alloc : memref<!tpu.dma_semaphore, #tpu.memory_space<semaphore_mem>>
        %dma_start3A_221 = arith.constant 0 : i32
        %dma_start3A_222 = tpu.memref_slice %arg11[%run_scoped3A_92, %dma_start3A_221] : memref<8x128xi32, #tpu.memory_space<vmem>> -> memref<1x128xi32, #tpu.memory_space<vmem>>
        %dma_start3A_223 = tpu.memref_squeeze %dma_start3A_222 : memref<1x128xi32, #tpu.memory_space<vmem>> -> memref<128xi32, #tpu.memory_space<vmem>>
        %dma_start3A_224 = arith.constant 0 : i32
        %dma_start3A_225 = arith.constant 0 : i32
        %dma_start3A_226 = tpu.memref_slice %arg14[%dma_start3A_224, %dma_start3A_225] : memref<10112x128xf32, #tpu.memory_space<vmem_shared>> -> memref<10112x128xf32, #tpu.memory_space<vmem_shared>>
        tpu.enqueue_indirect_dma source(%arg13 : memref<128x128xf32, #tpu.memory_space<vmem>>) target(%dma_start3A_226 : memref<10112x128xf32, #tpu.memory_space<vmem_shared>>) offsets(%dma_start3A_223 : memref<128xi32, #tpu.memory_space<vmem>>) semaphore(%run_scoped3A_220 : memref<!tpu.dma_semaphore, #tpu.memory_space<semaphore_mem>>) {add = true}
        %dma_wait3A_227 = arith.constant 0 : i32
        %dma_wait3A_228 = tpu.memref_slice %arg11[%run_scoped3A_92, %dma_wait3A_227] : memref<8x128xi32, #tpu.memory_space<vmem>> -> memref<1x128xi32, #tpu.memory_space<vmem>>
        %dma_wait3A_229 = tpu.memref_squeeze %dma_wait3A_228 : memref<1x128xi32, #tpu.memory_space<vmem>> -> memref<128xi32, #tpu.memory_space<vmem>>
        %dma_wait3A_230 = arith.constant 0 : i32
        %dma_wait3A_231 = arith.constant 0 : i32
        %dma_wait3A_232 = tpu.memref_slice %arg14[%dma_wait3A_230, %dma_wait3A_231] : memref<10112x128xf32, #tpu.memory_space<vmem_shared>> -> memref<10112x128xf32, #tpu.memory_space<vmem_shared>>
        tpu.wait_indirect_dma semaphore(%run_scoped3A_220 : memref<!tpu.dma_semaphore, #tpu.memory_space<semaphore_mem>>) src(%arg13 : memref<128x128xf32, #tpu.memory_space<vmem>>) dst(%dma_wait3A_232 : memref<10112x128xf32, #tpu.memory_space<vmem_shared>>)
        tpu.yield
      }) : () -> ()
      %mul3A_93 = arith.constant 8 : i32
      %mul3A_94 = arith.muli %add3A_35, %mul3A_93 : i32
      %add3A_95 = arith.addi %mul3A_2, %mul3A_94 : i32
      %add3A_96 = arith.constant 2 : i32
      %add3A_97 = arith.addi %add3A_95, %add3A_96 : i32
      %mul3A_98 = arith.constant 128 : i32
      %mul3A_99 = arith.muli %add3A_97, %mul3A_98 : i32
      %dma_wait3A_100 = arith.constant 0 : i32
      %dma_wait3A_101 = tpu.memref_slice %arg6[%mul3A_99, %dma_wait3A_100] : memref<327680x128xf32, #tpu.memory_space<hbm>> -> memref<128x128xf32, #tpu.memory_space<hbm>>
      %dma_wait3A_102 = arith.constant 0 : i32
      %dma_wait3A_103 = tpu.memref_slice %arg6[%mul3A_99, %dma_wait3A_102] : memref<327680x128xf32, #tpu.memory_space<hbm>> -> memref<128x128xf32, #tpu.memory_space<hbm>>
      tpu.wait_dma2 semaphore(%arg15 : memref<!tpu.dma_semaphore, #tpu.memory_space<semaphore_mem>>) src(%dma_wait3A_103 : memref<128x128xf32, #tpu.memory_space<hbm>>) dst(%arg12 : memref<128x128xf32, #tpu.memory_space<vmem>>)
      %mul3A_104 = arith.constant 8 : i32
      %mul3A_105 = arith.muli %add3A_35, %mul3A_104 : i32
      %add3A_106 = arith.addi %mul3A_2, %mul3A_105 : i32
      %add3A_107 = arith.constant 3 : i32
      %add3A_108 = arith.addi %add3A_106, %add3A_107 : i32
      %mul3A_109 = arith.constant 128 : i32
      %mul3A_110 = arith.muli %add3A_108, %mul3A_109 : i32
      %dma_start3A_111 = arith.constant 0 : i32
      %dma_start3A_112 = tpu.memref_slice %arg6[%mul3A_110, %dma_start3A_111] : memref<327680x128xf32, #tpu.memory_space<hbm>> -> memref<128x128xf32, #tpu.memory_space<hbm>>
      %dma_start3A_113 = arith.constant 0 : i32
      %dma_start3A_114 = tpu.memref_slice %arg6[%mul3A_110, %dma_start3A_113] : memref<327680x128xf32, #tpu.memory_space<hbm>> -> memref<128x128xf32, #tpu.memory_space<hbm>>
      tpu.enqueue_dma source(%dma_start3A_114 : memref<128x128xf32, #tpu.memory_space<hbm>>) target(%arg13 : memref<128x128xf32, #tpu.memory_space<vmem>>) target_semaphore(%arg16 : memref<!tpu.dma_semaphore, #tpu.memory_space<semaphore_mem>>)
      %run_scoped3A_115 = arith.constant 2 : i32
      "tpu.region"() ({
        %run_scoped3A_220 = tpu.sem_alloc : memref<!tpu.dma_semaphore, #tpu.memory_space<semaphore_mem>>
        %dma_start3A_221 = arith.constant 0 : i32
        %dma_start3A_222 = tpu.memref_slice %arg11[%run_scoped3A_115, %dma_start3A_221] : memref<8x128xi32, #tpu.memory_space<vmem>> -> memref<1x128xi32, #tpu.memory_space<vmem>>
        %dma_start3A_223 = tpu.memref_squeeze %dma_start3A_222 : memref<1x128xi32, #tpu.memory_space<vmem>> -> memref<128xi32, #tpu.memory_space<vmem>>
        %dma_start3A_224 = arith.constant 0 : i32
        %dma_start3A_225 = arith.constant 0 : i32
        %dma_start3A_226 = tpu.memref_slice %arg14[%dma_start3A_224, %dma_start3A_225] : memref<10112x128xf32, #tpu.memory_space<vmem_shared>> -> memref<10112x128xf32, #tpu.memory_space<vmem_shared>>
        tpu.enqueue_indirect_dma source(%arg12 : memref<128x128xf32, #tpu.memory_space<vmem>>) target(%dma_start3A_226 : memref<10112x128xf32, #tpu.memory_space<vmem_shared>>) offsets(%dma_start3A_223 : memref<128xi32, #tpu.memory_space<vmem>>) semaphore(%run_scoped3A_220 : memref<!tpu.dma_semaphore, #tpu.memory_space<semaphore_mem>>) {add = true}
        %dma_wait3A_227 = arith.constant 0 : i32
        %dma_wait3A_228 = tpu.memref_slice %arg11[%run_scoped3A_115, %dma_wait3A_227] : memref<8x128xi32, #tpu.memory_space<vmem>> -> memref<1x128xi32, #tpu.memory_space<vmem>>
        %dma_wait3A_229 = tpu.memref_squeeze %dma_wait3A_228 : memref<1x128xi32, #tpu.memory_space<vmem>> -> memref<128xi32, #tpu.memory_space<vmem>>
        %dma_wait3A_230 = arith.constant 0 : i32
        %dma_wait3A_231 = arith.constant 0 : i32
        %dma_wait3A_232 = tpu.memref_slice %arg14[%dma_wait3A_230, %dma_wait3A_231] : memref<10112x128xf32, #tpu.memory_space<vmem_shared>> -> memref<10112x128xf32, #tpu.memory_space<vmem_shared>>
        tpu.wait_indirect_dma semaphore(%run_scoped3A_220 : memref<!tpu.dma_semaphore, #tpu.memory_space<semaphore_mem>>) src(%arg12 : memref<128x128xf32, #tpu.memory_space<vmem>>) dst(%dma_wait3A_232 : memref<10112x128xf32, #tpu.memory_space<vmem_shared>>)
        tpu.yield
      }) : () -> ()
      %mul3A_116 = arith.constant 8 : i32
      %mul3A_117 = arith.muli %add3A_35, %mul3A_116 : i32
      %add3A_118 = arith.addi %mul3A_2, %mul3A_117 : i32
      %add3A_119 = arith.constant 3 : i32
      %add3A_120 = arith.addi %add3A_118, %add3A_119 : i32
      %mul3A_121 = arith.constant 128 : i32
      %mul3A_122 = arith.muli %add3A_120, %mul3A_121 : i32
      %dma_wait3A_123 = arith.constant 0 : i32
      %dma_wait3A_124 = tpu.memref_slice %arg6[%mul3A_122, %dma_wait3A_123] : memref<327680x128xf32, #tpu.memory_space<hbm>> -> memref<128x128xf32, #tpu.memory_space<hbm>>
      %dma_wait3A_125 = arith.constant 0 : i32
      %dma_wait3A_126 = tpu.memref_slice %arg6[%mul3A_122, %dma_wait3A_125] : memref<327680x128xf32, #tpu.memory_space<hbm>> -> memref<128x128xf32, #tpu.memory_space<hbm>>
      tpu.wait_dma2 semaphore(%arg16 : memref<!tpu.dma_semaphore, #tpu.memory_space<semaphore_mem>>) src(%dma_wait3A_126 : memref<128x128xf32, #tpu.memory_space<hbm>>) dst(%arg13 : memref<128x128xf32, #tpu.memory_space<vmem>>)
      %mul3A_127 = arith.constant 8 : i32
      %mul3A_128 = arith.muli %add3A_35, %mul3A_127 : i32
      %add3A_129 = arith.addi %mul3A_2, %mul3A_128 : i32
      %add3A_130 = arith.constant 4 : i32
      %add3A_131 = arith.addi %add3A_129, %add3A_130 : i32
      %mul3A_132 = arith.constant 128 : i32
      %mul3A_133 = arith.muli %add3A_131, %mul3A_132 : i32
      %dma_start3A_134 = arith.constant 0 : i32
      %dma_start3A_135 = tpu.memref_slice %arg6[%mul3A_133, %dma_start3A_134] : memref<327680x128xf32, #tpu.memory_space<hbm>> -> memref<128x128xf32, #tpu.memory_space<hbm>>
      %dma_start3A_136 = arith.constant 0 : i32
      %dma_start3A_137 = tpu.memref_slice %arg6[%mul3A_133, %dma_start3A_136] : memref<327680x128xf32, #tpu.memory_space<hbm>> -> memref<128x128xf32, #tpu.memory_space<hbm>>
      tpu.enqueue_dma source(%dma_start3A_137 : memref<128x128xf32, #tpu.memory_space<hbm>>) target(%arg12 : memref<128x128xf32, #tpu.memory_space<vmem>>) target_semaphore(%arg15 : memref<!tpu.dma_semaphore, #tpu.memory_space<semaphore_mem>>)
      %run_scoped3A_138 = arith.constant 3 : i32
      "tpu.region"() ({
        %run_scoped3A_220 = tpu.sem_alloc : memref<!tpu.dma_semaphore, #tpu.memory_space<semaphore_mem>>
        %dma_start3A_221 = arith.constant 0 : i32
        %dma_start3A_222 = tpu.memref_slice %arg11[%run_scoped3A_138, %dma_start3A_221] : memref<8x128xi32, #tpu.memory_space<vmem>> -> memref<1x128xi32, #tpu.memory_space<vmem>>
        %dma_start3A_223 = tpu.memref_squeeze %dma_start3A_222 : memref<1x128xi32, #tpu.memory_space<vmem>> -> memref<128xi32, #tpu.memory_space<vmem>>
        %dma_start3A_224 = arith.constant 0 : i32
        %dma_start3A_225 = arith.constant 0 : i32
        %dma_start3A_226 = tpu.memref_slice %arg14[%dma_start3A_224, %dma_start3A_225] : memref<10112x128xf32, #tpu.memory_space<vmem_shared>> -> memref<10112x128xf32, #tpu.memory_space<vmem_shared>>
        tpu.enqueue_indirect_dma source(%arg13 : memref<128x128xf32, #tpu.memory_space<vmem>>) target(%dma_start3A_226 : memref<10112x128xf32, #tpu.memory_space<vmem_shared>>) offsets(%dma_start3A_223 : memref<128xi32, #tpu.memory_space<vmem>>) semaphore(%run_scoped3A_220 : memref<!tpu.dma_semaphore, #tpu.memory_space<semaphore_mem>>) {add = true}
        %dma_wait3A_227 = arith.constant 0 : i32
        %dma_wait3A_228 = tpu.memref_slice %arg11[%run_scoped3A_138, %dma_wait3A_227] : memref<8x128xi32, #tpu.memory_space<vmem>> -> memref<1x128xi32, #tpu.memory_space<vmem>>
        %dma_wait3A_229 = tpu.memref_squeeze %dma_wait3A_228 : memref<1x128xi32, #tpu.memory_space<vmem>> -> memref<128xi32, #tpu.memory_space<vmem>>
        %dma_wait3A_230 = arith.constant 0 : i32
        %dma_wait3A_231 = arith.constant 0 : i32
        %dma_wait3A_232 = tpu.memref_slice %arg14[%dma_wait3A_230, %dma_wait3A_231] : memref<10112x128xf32, #tpu.memory_space<vmem_shared>> -> memref<10112x128xf32, #tpu.memory_space<vmem_shared>>
        tpu.wait_indirect_dma semaphore(%run_scoped3A_220 : memref<!tpu.dma_semaphore, #tpu.memory_space<semaphore_mem>>) src(%arg13 : memref<128x128xf32, #tpu.memory_space<vmem>>) dst(%dma_wait3A_232 : memref<10112x128xf32, #tpu.memory_space<vmem_shared>>)
        tpu.yield
      }) : () -> ()
      %mul3A_139 = arith.constant 8 : i32
      %mul3A_140 = arith.muli %add3A_35, %mul3A_139 : i32
      %add3A_141 = arith.addi %mul3A_2, %mul3A_140 : i32
      %add3A_142 = arith.constant 4 : i32
      %add3A_143 = arith.addi %add3A_141, %add3A_142 : i32
      %mul3A_144 = arith.constant 128 : i32
      %mul3A_145 = arith.muli %add3A_143, %mul3A_144 : i32
      %dma_wait3A_146 = arith.constant 0 : i32
      %dma_wait3A_147 = tpu.memref_slice %arg6[%mul3A_145, %dma_wait3A_146] : memref<327680x128xf32, #tpu.memory_space<hbm>> -> memref<128x128xf32, #tpu.memory_space<hbm>>
      %dma_wait3A_148 = arith.constant 0 : i32
      %dma_wait3A_149 = tpu.memref_slice %arg6[%mul3A_145, %dma_wait3A_148] : memref<327680x128xf32, #tpu.memory_space<hbm>> -> memref<128x128xf32, #tpu.memory_space<hbm>>
      tpu.wait_dma2 semaphore(%arg15 : memref<!tpu.dma_semaphore, #tpu.memory_space<semaphore_mem>>) src(%dma_wait3A_149 : memref<128x128xf32, #tpu.memory_space<hbm>>) dst(%arg12 : memref<128x128xf32, #tpu.memory_space<vmem>>)
      %mul3A_150 = arith.constant 8 : i32
      %mul3A_151 = arith.muli %add3A_35, %mul3A_150 : i32
      %add3A_152 = arith.addi %mul3A_2, %mul3A_151 : i32
      %add3A_153 = arith.constant 5 : i32
      %add3A_154 = arith.addi %add3A_152, %add3A_153 : i32
      %mul3A_155 = arith.constant 128 : i32
      %mul3A_156 = arith.muli %add3A_154, %mul3A_155 : i32
      %dma_start3A_157 = arith.constant 0 : i32
      %dma_start3A_158 = tpu.memref_slice %arg6[%mul3A_156, %dma_start3A_157] : memref<327680x128xf32, #tpu.memory_space<hbm>> -> memref<128x128xf32, #tpu.memory_space<hbm>>
      %dma_start3A_159 = arith.constant 0 : i32
      %dma_start3A_160 = tpu.memref_slice %arg6[%mul3A_156, %dma_start3A_159] : memref<327680x128xf32, #tpu.memory_space<hbm>> -> memref<128x128xf32, #tpu.memory_space<hbm>>
      tpu.enqueue_dma source(%dma_start3A_160 : memref<128x128xf32, #tpu.memory_space<hbm>>) target(%arg13 : memref<128x128xf32, #tpu.memory_space<vmem>>) target_semaphore(%arg16 : memref<!tpu.dma_semaphore, #tpu.memory_space<semaphore_mem>>)
      %run_scoped3A_161 = arith.constant 4 : i32
      "tpu.region"() ({
        %run_scoped3A_220 = tpu.sem_alloc : memref<!tpu.dma_semaphore, #tpu.memory_space<semaphore_mem>>
        %dma_start3A_221 = arith.constant 0 : i32
        %dma_start3A_222 = tpu.memref_slice %arg11[%run_scoped3A_161, %dma_start3A_221] : memref<8x128xi32, #tpu.memory_space<vmem>> -> memref<1x128xi32, #tpu.memory_space<vmem>>
        %dma_start3A_223 = tpu.memref_squeeze %dma_start3A_222 : memref<1x128xi32, #tpu.memory_space<vmem>> -> memref<128xi32, #tpu.memory_space<vmem>>
        %dma_start3A_224 = arith.constant 0 : i32
        %dma_start3A_225 = arith.constant 0 : i32
        %dma_start3A_226 = tpu.memref_slice %arg14[%dma_start3A_224, %dma_start3A_225] : memref<10112x128xf32, #tpu.memory_space<vmem_shared>> -> memref<10112x128xf32, #tpu.memory_space<vmem_shared>>
        tpu.enqueue_indirect_dma source(%arg12 : memref<128x128xf32, #tpu.memory_space<vmem>>) target(%dma_start3A_226 : memref<10112x128xf32, #tpu.memory_space<vmem_shared>>) offsets(%dma_start3A_223 : memref<128xi32, #tpu.memory_space<vmem>>) semaphore(%run_scoped3A_220 : memref<!tpu.dma_semaphore, #tpu.memory_space<semaphore_mem>>) {add = true}
        %dma_wait3A_227 = arith.constant 0 : i32
        %dma_wait3A_228 = tpu.memref_slice %arg11[%run_scoped3A_161, %dma_wait3A_227] : memref<8x128xi32, #tpu.memory_space<vmem>> -> memref<1x128xi32, #tpu.memory_space<vmem>>
        %dma_wait3A_229 = tpu.memref_squeeze %dma_wait3A_228 : memref<1x128xi32, #tpu.memory_space<vmem>> -> memref<128xi32, #tpu.memory_space<vmem>>
        %dma_wait3A_230 = arith.constant 0 : i32
        %dma_wait3A_231 = arith.constant 0 : i32
        %dma_wait3A_232 = tpu.memref_slice %arg14[%dma_wait3A_230, %dma_wait3A_231] : memref<10112x128xf32, #tpu.memory_space<vmem_shared>> -> memref<10112x128xf32, #tpu.memory_space<vmem_shared>>
        tpu.wait_indirect_dma semaphore(%run_scoped3A_220 : memref<!tpu.dma_semaphore, #tpu.memory_space<semaphore_mem>>) src(%arg12 : memref<128x128xf32, #tpu.memory_space<vmem>>) dst(%dma_wait3A_232 : memref<10112x128xf32, #tpu.memory_space<vmem_shared>>)
        tpu.yield
      }) : () -> ()
      %mul3A_162 = arith.constant 8 : i32
      %mul3A_163 = arith.muli %add3A_35, %mul3A_162 : i32
      %add3A_164 = arith.addi %mul3A_2, %mul3A_163 : i32
      %add3A_165 = arith.constant 5 : i32
      %add3A_166 = arith.addi %add3A_164, %add3A_165 : i32
      %mul3A_167 = arith.constant 128 : i32
      %mul3A_168 = arith.muli %add3A_166, %mul3A_167 : i32
      %dma_wait3A_169 = arith.constant 0 : i32
      %dma_wait3A_170 = tpu.memref_slice %arg6[%mul3A_168, %dma_wait3A_169] : memref<327680x128xf32, #tpu.memory_space<hbm>> -> memref<128x128xf32, #tpu.memory_space<hbm>>
      %dma_wait3A_171 = arith.constant 0 : i32
      %dma_wait3A_172 = tpu.memref_slice %arg6[%mul3A_168, %dma_wait3A_171] : memref<327680x128xf32, #tpu.memory_space<hbm>> -> memref<128x128xf32, #tpu.memory_space<hbm>>
      tpu.wait_dma2 semaphore(%arg16 : memref<!tpu.dma_semaphore, #tpu.memory_space<semaphore_mem>>) src(%dma_wait3A_172 : memref<128x128xf32, #tpu.memory_space<hbm>>) dst(%arg13 : memref<128x128xf32, #tpu.memory_space<vmem>>)
      %mul3A_173 = arith.constant 8 : i32
      %mul3A_174 = arith.muli %add3A_35, %mul3A_173 : i32
      %add3A_175 = arith.addi %mul3A_2, %mul3A_174 : i32
      %add3A_176 = arith.constant 6 : i32
      %add3A_177 = arith.addi %add3A_175, %add3A_176 : i32
      %mul3A_178 = arith.constant 128 : i32
      %mul3A_179 = arith.muli %add3A_177, %mul3A_178 : i32
      %dma_start3A_180 = arith.constant 0 : i32
      %dma_start3A_181 = tpu.memref_slice %arg6[%mul3A_179, %dma_start3A_180] : memref<327680x128xf32, #tpu.memory_space<hbm>> -> memref<128x128xf32, #tpu.memory_space<hbm>>
      %dma_start3A_182 = arith.constant 0 : i32
      %dma_start3A_183 = tpu.memref_slice %arg6[%mul3A_179, %dma_start3A_182] : memref<327680x128xf32, #tpu.memory_space<hbm>> -> memref<128x128xf32, #tpu.memory_space<hbm>>
      tpu.enqueue_dma source(%dma_start3A_183 : memref<128x128xf32, #tpu.memory_space<hbm>>) target(%arg12 : memref<128x128xf32, #tpu.memory_space<vmem>>) target_semaphore(%arg15 : memref<!tpu.dma_semaphore, #tpu.memory_space<semaphore_mem>>)
      %run_scoped3A_184 = arith.constant 5 : i32
      "tpu.region"() ({
        %run_scoped3A_220 = tpu.sem_alloc : memref<!tpu.dma_semaphore, #tpu.memory_space<semaphore_mem>>
        %dma_start3A_221 = arith.constant 0 : i32
        %dma_start3A_222 = tpu.memref_slice %arg11[%run_scoped3A_184, %dma_start3A_221] : memref<8x128xi32, #tpu.memory_space<vmem>> -> memref<1x128xi32, #tpu.memory_space<vmem>>
        %dma_start3A_223 = tpu.memref_squeeze %dma_start3A_222 : memref<1x128xi32, #tpu.memory_space<vmem>> -> memref<128xi32, #tpu.memory_space<vmem>>
        %dma_start3A_224 = arith.constant 0 : i32
        %dma_start3A_225 = arith.constant 0 : i32
        %dma_start3A_226 = tpu.memref_slice %arg14[%dma_start3A_224, %dma_start3A_225] : memref<10112x128xf32, #tpu.memory_space<vmem_shared>> -> memref<10112x128xf32, #tpu.memory_space<vmem_shared>>
        tpu.enqueue_indirect_dma source(%arg13 : memref<128x128xf32, #tpu.memory_space<vmem>>) target(%dma_start3A_226 : memref<10112x128xf32, #tpu.memory_space<vmem_shared>>) offsets(%dma_start3A_223 : memref<128xi32, #tpu.memory_space<vmem>>) semaphore(%run_scoped3A_220 : memref<!tpu.dma_semaphore, #tpu.memory_space<semaphore_mem>>) {add = true}
        %dma_wait3A_227 = arith.constant 0 : i32
        %dma_wait3A_228 = tpu.memref_slice %arg11[%run_scoped3A_184, %dma_wait3A_227] : memref<8x128xi32, #tpu.memory_space<vmem>> -> memref<1x128xi32, #tpu.memory_space<vmem>>
        %dma_wait3A_229 = tpu.memref_squeeze %dma_wait3A_228 : memref<1x128xi32, #tpu.memory_space<vmem>> -> memref<128xi32, #tpu.memory_space<vmem>>
        %dma_wait3A_230 = arith.constant 0 : i32
        %dma_wait3A_231 = arith.constant 0 : i32
        %dma_wait3A_232 = tpu.memref_slice %arg14[%dma_wait3A_230, %dma_wait3A_231] : memref<10112x128xf32, #tpu.memory_space<vmem_shared>> -> memref<10112x128xf32, #tpu.memory_space<vmem_shared>>
        tpu.wait_indirect_dma semaphore(%run_scoped3A_220 : memref<!tpu.dma_semaphore, #tpu.memory_space<semaphore_mem>>) src(%arg13 : memref<128x128xf32, #tpu.memory_space<vmem>>) dst(%dma_wait3A_232 : memref<10112x128xf32, #tpu.memory_space<vmem_shared>>)
        tpu.yield
      }) : () -> ()
      %mul3A_185 = arith.constant 8 : i32
      %mul3A_186 = arith.muli %add3A_35, %mul3A_185 : i32
      %add3A_187 = arith.addi %mul3A_2, %mul3A_186 : i32
      %add3A_188 = arith.constant 6 : i32
      %add3A_189 = arith.addi %add3A_187, %add3A_188 : i32
      %mul3A_190 = arith.constant 128 : i32
      %mul3A_191 = arith.muli %add3A_189, %mul3A_190 : i32
      %dma_wait3A_192 = arith.constant 0 : i32
      %dma_wait3A_193 = tpu.memref_slice %arg6[%mul3A_191, %dma_wait3A_192] : memref<327680x128xf32, #tpu.memory_space<hbm>> -> memref<128x128xf32, #tpu.memory_space<hbm>>
      %dma_wait3A_194 = arith.constant 0 : i32
      %dma_wait3A_195 = tpu.memref_slice %arg6[%mul3A_191, %dma_wait3A_194] : memref<327680x128xf32, #tpu.memory_space<hbm>> -> memref<128x128xf32, #tpu.memory_space<hbm>>
      tpu.wait_dma2 semaphore(%arg15 : memref<!tpu.dma_semaphore, #tpu.memory_space<semaphore_mem>>) src(%dma_wait3A_195 : memref<128x128xf32, #tpu.memory_space<hbm>>) dst(%arg12 : memref<128x128xf32, #tpu.memory_space<vmem>>)
      %mul3A_196 = arith.constant 8 : i32
      %mul3A_197 = arith.muli %add3A_35, %mul3A_196 : i32
      %add3A_198 = arith.addi %mul3A_2, %mul3A_197 : i32
      %add3A_199 = arith.constant 7 : i32
      %add3A_200 = arith.addi %add3A_198, %add3A_199 : i32
      %mul3A_201 = arith.constant 128 : i32
      %mul3A_202 = arith.muli %add3A_200, %mul3A_201 : i32
      %dma_start3A_203 = arith.constant 0 : i32
      %dma_start3A_204 = tpu.memref_slice %arg6[%mul3A_202, %dma_start3A_203] : memref<327680x128xf32, #tpu.memory_space<hbm>> -> memref<128x128xf32, #tpu.memory_space<hbm>>
      %dma_start3A_205 = arith.constant 0 : i32
      %dma_start3A_206 = tpu.memref_slice %arg6[%mul3A_202, %dma_start3A_205] : memref<327680x128xf32, #tpu.memory_space<hbm>> -> memref<128x128xf32, #tpu.memory_space<hbm>>
      tpu.enqueue_dma source(%dma_start3A_206 : memref<128x128xf32, #tpu.memory_space<hbm>>) target(%arg13 : memref<128x128xf32, #tpu.memory_space<vmem>>) target_semaphore(%arg16 : memref<!tpu.dma_semaphore, #tpu.memory_space<semaphore_mem>>)
      %run_scoped3A_207 = arith.constant 6 : i32
      "tpu.region"() ({
        %run_scoped3A_220 = tpu.sem_alloc : memref<!tpu.dma_semaphore, #tpu.memory_space<semaphore_mem>>
        %dma_start3A_221 = arith.constant 0 : i32
        %dma_start3A_222 = tpu.memref_slice %arg11[%run_scoped3A_207, %dma_start3A_221] : memref<8x128xi32, #tpu.memory_space<vmem>> -> memref<1x128xi32, #tpu.memory_space<vmem>>
        %dma_start3A_223 = tpu.memref_squeeze %dma_start3A_222 : memref<1x128xi32, #tpu.memory_space<vmem>> -> memref<128xi32, #tpu.memory_space<vmem>>
        %dma_start3A_224 = arith.constant 0 : i32
        %dma_start3A_225 = arith.constant 0 : i32
        %dma_start3A_226 = tpu.memref_slice %arg14[%dma_start3A_224, %dma_start3A_225] : memref<10112x128xf32, #tpu.memory_space<vmem_shared>> -> memref<10112x128xf32, #tpu.memory_space<vmem_shared>>
        tpu.enqueue_indirect_dma source(%arg12 : memref<128x128xf32, #tpu.memory_space<vmem>>) target(%dma_start3A_226 : memref<10112x128xf32, #tpu.memory_space<vmem_shared>>) offsets(%dma_start3A_223 : memref<128xi32, #tpu.memory_space<vmem>>) semaphore(%run_scoped3A_220 : memref<!tpu.dma_semaphore, #tpu.memory_space<semaphore_mem>>) {add = true}
        %dma_wait3A_227 = arith.constant 0 : i32
        %dma_wait3A_228 = tpu.memref_slice %arg11[%run_scoped3A_207, %dma_wait3A_227] : memref<8x128xi32, #tpu.memory_space<vmem>> -> memref<1x128xi32, #tpu.memory_space<vmem>>
        %dma_wait3A_229 = tpu.memref_squeeze %dma_wait3A_228 : memref<1x128xi32, #tpu.memory_space<vmem>> -> memref<128xi32, #tpu.memory_space<vmem>>
        %dma_wait3A_230 = arith.constant 0 : i32
        %dma_wait3A_231 = arith.constant 0 : i32
        %dma_wait3A_232 = tpu.memref_slice %arg14[%dma_wait3A_230, %dma_wait3A_231] : memref<10112x128xf32, #tpu.memory_space<vmem_shared>> -> memref<10112x128xf32, #tpu.memory_space<vmem_shared>>
        tpu.wait_indirect_dma semaphore(%run_scoped3A_220 : memref<!tpu.dma_semaphore, #tpu.memory_space<semaphore_mem>>) src(%arg12 : memref<128x128xf32, #tpu.memory_space<vmem>>) dst(%dma_wait3A_232 : memref<10112x128xf32, #tpu.memory_space<vmem_shared>>)
        tpu.yield
      }) : () -> ()
      %mul3A_208 = arith.constant 8 : i32
      %mul3A_209 = arith.muli %add3A_35, %mul3A_208 : i32
      %add3A_210 = arith.addi %mul3A_2, %mul3A_209 : i32
      %add3A_211 = arith.constant 7 : i32
      %add3A_212 = arith.addi %add3A_210, %add3A_211 : i32
      %mul3A_213 = arith.constant 128 : i32
      %mul3A_214 = arith.muli %add3A_212, %mul3A_213 : i32
      %dma_wait3A_215 = arith.constant 0 : i32
      %dma_wait3A_216 = tpu.memref_slice %arg6[%mul3A_214, %dma_wait3A_215] : memref<327680x128xf32, #tpu.memory_space<hbm>> -> memref<128x128xf32, #tpu.memory_space<hbm>>
      %dma_wait3A_217 = arith.constant 0 : i32
      %dma_wait3A_218 = tpu.memref_slice %arg6[%mul3A_214, %dma_wait3A_217] : memref<327680x128xf32, #tpu.memory_space<hbm>> -> memref<128x128xf32, #tpu.memory_space<hbm>>
      tpu.wait_dma2 semaphore(%arg16 : memref<!tpu.dma_semaphore, #tpu.memory_space<semaphore_mem>>) src(%dma_wait3A_218 : memref<128x128xf32, #tpu.memory_space<hbm>>) dst(%arg13 : memref<128x128xf32, #tpu.memory_space<vmem>>)
      %run_scoped3A_219 = arith.constant 7 : i32
      "tpu.region"() ({
        %run_scoped3A_220 = tpu.sem_alloc : memref<!tpu.dma_semaphore, #tpu.memory_space<semaphore_mem>>
        %dma_start3A_221 = arith.constant 0 : i32
        %dma_start3A_222 = tpu.memref_slice %arg11[%run_scoped3A_219, %dma_start3A_221] : memref<8x128xi32, #tpu.memory_space<vmem>> -> memref<1x128xi32, #tpu.memory_space<vmem>>
        %dma_start3A_223 = tpu.memref_squeeze %dma_start3A_222 : memref<1x128xi32, #tpu.memory_space<vmem>> -> memref<128xi32, #tpu.memory_space<vmem>>
        %dma_start3A_224 = arith.constant 0 : i32
        %dma_start3A_225 = arith.constant 0 : i32
        %dma_start3A_226 = tpu.memref_slice %arg14[%dma_start3A_224, %dma_start3A_225] : memref<10112x128xf32, #tpu.memory_space<vmem_shared>> -> memref<10112x128xf32, #tpu.memory_space<vmem_shared>>
        tpu.enqueue_indirect_dma source(%arg13 : memref<128x128xf32, #tpu.memory_space<vmem>>) target(%dma_start3A_226 : memref<10112x128xf32, #tpu.memory_space<vmem_shared>>) offsets(%dma_start3A_223 : memref<128xi32, #tpu.memory_space<vmem>>) semaphore(%run_scoped3A_220 : memref<!tpu.dma_semaphore, #tpu.memory_space<semaphore_mem>>) {add = true}
        %dma_wait3A_227 = arith.constant 0 : i32
        %dma_wait3A_228 = tpu.memref_slice %arg11[%run_scoped3A_219, %dma_wait3A_227] : memref<8x128xi32, #tpu.memory_space<vmem>> -> memref<1x128xi32, #tpu.memory_space<vmem>>
        %dma_wait3A_229 = tpu.memref_squeeze %dma_wait3A_228 : memref<1x128xi32, #tpu.memory_space<vmem>> -> memref<128xi32, #tpu.memory_space<vmem>>
        %dma_wait3A_230 = arith.constant 0 : i32
        %dma_wait3A_231 = arith.constant 0 : i32
        %dma_wait3A_232 = tpu.memref_slice %arg14[%dma_wait3A_230, %dma_wait3A_231] : memref<10112x128xf32, #tpu.memory_space<vmem_shared>> -> memref<10112x128xf32, #tpu.memory_space<vmem_shared>>
        tpu.wait_indirect_dma semaphore(%run_scoped3A_220 : memref<!tpu.dma_semaphore, #tpu.memory_space<semaphore_mem>>) src(%arg13 : memref<128x128xf32, #tpu.memory_space<vmem>>) dst(%dma_wait3A_232 : memref<10112x128xf32, #tpu.memory_space<vmem_shared>>)
        tpu.yield
      }) : () -> ()
    }
    %scan3A_25 = arith.constant 10 : i32
    %barrier3A_26 = arith.constant 0 : index
    tpu.barrier barrier_id(%barrier3A_26)
    %mul3A_27 = arith.constant 632 : i32
    %mul3A_28 = arith.muli %arg1, %mul3A_27 : i32
    %mul3A_29 = arith.constant 632 : i32
    %mul3A_30 = arith.muli %arg1, %mul3A_29 : i32
    "tpu.region"() ({
      %run_scoped3A = tpu.sem_alloc : memref<!tpu.dma_semaphore, #tpu.memory_space<semaphore_mem>>
      %dma_start3A = arith.constant 0 : i32
      %dma_start3A_31 = tpu.memref_slice %arg9[%arg0, %mul3A_30, %dma_start3A] : memref<2x10112x128xf32, #tpu.memory_space<hbm>> -> memref<1x632x128xf32, #tpu.memory_space<hbm>>
      %dma_start3A_32 = tpu.memref_squeeze %dma_start3A_31 : memref<1x632x128xf32, #tpu.memory_space<hbm>> -> memref<632x128xf32, #tpu.memory_space<hbm>>
      %dma_start3A_33 = arith.constant 0 : i32
      %dma_start3A_34 = tpu.memref_slice %arg14[%mul3A_28, %dma_start3A_33] : memref<10112x128xf32, #tpu.memory_space<vmem_shared>> -> memref<632x128xf32, #tpu.memory_space<vmem_shared>>
      tpu.enqueue_dma source(%dma_start3A_34 : memref<632x128xf32, #tpu.memory_space<vmem_shared>>) target(%dma_start3A_32 : memref<632x128xf32, #tpu.memory_space<hbm>>) target_semaphore(%run_scoped3A : memref<!tpu.dma_semaphore, #tpu.memory_space<semaphore_mem>>)
      %dma_wait3A = arith.constant 0 : i32
      %dma_wait3A_35 = tpu.memref_slice %arg9[%arg0, %mul3A_30, %dma_wait3A] : memref<2x10112x128xf32, #tpu.memory_space<hbm>> -> memref<1x632x128xf32, #tpu.memory_space<hbm>>
      %dma_wait3A_36 = tpu.memref_squeeze %dma_wait3A_35 : memref<1x632x128xf32, #tpu.memory_space<hbm>> -> memref<632x128xf32, #tpu.memory_space<hbm>>
      %dma_wait3A_37 = arith.constant 0 : i32
      %dma_wait3A_38 = tpu.memref_slice %arg14[%mul3A_28, %dma_wait3A_37] : memref<10112x128xf32, #tpu.memory_space<vmem_shared>> -> memref<632x128xf32, #tpu.memory_space<vmem_shared>>
      tpu.wait_dma2 semaphore(%run_scoped3A : memref<!tpu.dma_semaphore, #tpu.memory_space<semaphore_mem>>) src(%dma_wait3A_38 : memref<632x128xf32, #tpu.memory_space<vmem_shared>>) dst(%dma_wait3A_36 : memref<632x128xf32, #tpu.memory_space<hbm>>)
      tpu.yield
    }) : () -> ()
    return
  }
}

#map = affine_map<(d0, d1) -> (0, 0)>
#map1 = affine_map<(d0, d1) -> (0, 0, 0)>
module attributes {stable_mosaic.version = 14 : i64} {
  func.func @body(%arg0: i32, %arg1: i32, %arg2: memref<20224x128xf32, #tpu.memory_space<hbm>>, %arg3: memref<2560x128xi32, #tpu.memory_space<hbm>>, %arg4: memref<2560x128xi32, #tpu.memory_space<hbm>>, %arg5: memref<10112x128xf32, #tpu.memory_space<hbm>>, %arg6: memref<2x10112x128xf32, #tpu.memory_space<hbm>>, %arg7: memref<8x128xi32, #tpu.memory_space<vmem>>, %arg8: memref<8x128xi32, #tpu.memory_space<vmem>>, %arg9: memref<128x128xf32, #tpu.memory_space<vmem>>, %arg10: memref<128x128xf32, #tpu.memory_space<vmem>>, %arg11: memref<10112x128xf32, #tpu.memory_space<vmem_shared>>, %arg12: memref<!tpu.dma_semaphore, #tpu.memory_space<semaphore_mem>>, %arg13: memref<!tpu.dma_semaphore, #tpu.memory_space<semaphore_mem>>) attributes {dimension_semantics = [#tpu.dimension_semantics<core_parallel>, #tpu.dimension_semantics<subcore_parallel>], iteration_bounds = array<i64: 2, 16>, scalar_prefetch = 0 : i64, scratch_operands = 7 : i64, tpu.core_type = #tpu.core_type<sc_vector_subcore>, window_params = [{transform_indices = #map}, {transform_indices = #map}, {transform_indices = #map}, {transform_indices = #map}, {transform_indices = #map1}]} {
    %mul3A = arith.constant 16 : i32
    %mul3A_0 = arith.muli %arg0, %mul3A : i32
    %add3A = arith.addi %mul3A_0, %arg1 : i32
    %mul3A_1 = arith.constant 80 : i32
    %mul3A_2 = arith.muli %add3A, %mul3A_1 : i32
    %mul3A_3 = arith.constant 632 : i32
    %mul3A_4 = arith.muli %arg1, %mul3A_3 : i32
    %mul3A_5 = arith.constant 632 : i32
    %mul3A_6 = arith.muli %arg1, %mul3A_5 : i32
    "tpu.region"() ({
      %run_scoped3A = tpu.sem_alloc : memref<!tpu.dma_semaphore, #tpu.memory_space<semaphore_mem>>
      %dma_start3A = arith.constant 0 : i32
      %dma_start3A_16 = tpu.memref_slice %arg11[%mul3A_6, %dma_start3A] : memref<10112x128xf32, #tpu.memory_space<vmem_shared>> -> memref<632x128xf32, #tpu.memory_space<vmem_shared>>
      %dma_start3A_17 = arith.constant 0 : i32
      %dma_start3A_18 = tpu.memref_slice %arg5[%mul3A_4, %dma_start3A_17] : memref<10112x128xf32, #tpu.memory_space<hbm>> -> memref<632x128xf32, #tpu.memory_space<hbm>>
      tpu.enqueue_dma source(%dma_start3A_18 : memref<632x128xf32, #tpu.memory_space<hbm>>) target(%dma_start3A_16 : memref<632x128xf32, #tpu.memory_space<vmem_shared>>) target_semaphore(%run_scoped3A : memref<!tpu.dma_semaphore, #tpu.memory_space<semaphore_mem>>)
      %dma_wait3A = arith.constant 0 : i32
      %dma_wait3A_19 = tpu.memref_slice %arg11[%mul3A_6, %dma_wait3A] : memref<10112x128xf32, #tpu.memory_space<vmem_shared>> -> memref<632x128xf32, #tpu.memory_space<vmem_shared>>
      %dma_wait3A_20 = arith.constant 0 : i32
      %dma_wait3A_21 = tpu.memref_slice %arg5[%mul3A_4, %dma_wait3A_20] : memref<10112x128xf32, #tpu.memory_space<hbm>> -> memref<632x128xf32, #tpu.memory_space<hbm>>
      tpu.wait_dma2 semaphore(%run_scoped3A : memref<!tpu.dma_semaphore, #tpu.memory_space<semaphore_mem>>) src(%dma_wait3A_21 : memref<632x128xf32, #tpu.memory_space<hbm>>) dst(%dma_wait3A_19 : memref<632x128xf32, #tpu.memory_space<vmem_shared>>)
      tpu.yield
    }) : () -> ()
    %barrier3A = arith.constant 0 : index
    tpu.barrier barrier_id(%barrier3A)
    %scan3A = arith.constant 0 : i32
    %scan3A_7 = arith.constant 10 : i32
    %scan3A_8 = arith.addi %scan3A, %scan3A_7 : i32
    %scan3A_9 = arith.constant 1 : i32
    scf.for %scan3A_16 = %scan3A to %scan3A_8 step %scan3A_9  : i32 {
      %mul3A_17 = arith.constant 1 : i32
      %mul3A_18 = arith.muli %scan3A_16, %mul3A_17 : i32
      %add3A_19 = arith.constant 0 : i32
      %add3A_20 = arith.addi %add3A_19, %mul3A_18 : i32
      %mul3A_21 = arith.constant 8 : i32
      %mul3A_22 = arith.muli %add3A_20, %mul3A_21 : i32
      %add3A_23 = arith.addi %mul3A_2, %mul3A_22 : i32
      "tpu.region"() ({
        %run_scoped3A_144 = tpu.sem_alloc : memref<!tpu.dma_semaphore, #tpu.memory_space<semaphore_mem>>
        %dma_start3A_145 = arith.constant 0 : i32
        %dma_start3A_146 = tpu.memref_slice %arg3[%add3A_23, %dma_start3A_145] : memref<2560x128xi32, #tpu.memory_space<hbm>> -> memref<8x128xi32, #tpu.memory_space<hbm>>
        %dma_start3A_147 = arith.constant 0 : i32
        %dma_start3A_148 = tpu.memref_slice %arg3[%add3A_23, %dma_start3A_147] : memref<2560x128xi32, #tpu.memory_space<hbm>> -> memref<8x128xi32, #tpu.memory_space<hbm>>
        tpu.enqueue_dma source(%dma_start3A_148 : memref<8x128xi32, #tpu.memory_space<hbm>>) target(%arg7 : memref<8x128xi32, #tpu.memory_space<vmem>>) target_semaphore(%run_scoped3A_144 : memref<!tpu.dma_semaphore, #tpu.memory_space<semaphore_mem>>)
        %dma_wait3A_149 = arith.constant 0 : i32
        %dma_wait3A_150 = tpu.memref_slice %arg3[%add3A_23, %dma_wait3A_149] : memref<2560x128xi32, #tpu.memory_space<hbm>> -> memref<8x128xi32, #tpu.memory_space<hbm>>
        %dma_wait3A_151 = arith.constant 0 : i32
        %dma_wait3A_152 = tpu.memref_slice %arg3[%add3A_23, %dma_wait3A_151] : memref<2560x128xi32, #tpu.memory_space<hbm>> -> memref<8x128xi32, #tpu.memory_space<hbm>>
        tpu.wait_dma2 semaphore(%run_scoped3A_144 : memref<!tpu.dma_semaphore, #tpu.memory_space<semaphore_mem>>) src(%dma_wait3A_152 : memref<8x128xi32, #tpu.memory_space<hbm>>) dst(%arg7 : memref<8x128xi32, #tpu.memory_space<vmem>>)
        tpu.yield
      }) : () -> ()
      %mul3A_24 = arith.constant 8 : i32
      %mul3A_25 = arith.muli %add3A_20, %mul3A_24 : i32
      %add3A_26 = arith.addi %mul3A_2, %mul3A_25 : i32
      "tpu.region"() ({
        %run_scoped3A_144 = tpu.sem_alloc : memref<!tpu.dma_semaphore, #tpu.memory_space<semaphore_mem>>
        %dma_start3A_145 = arith.constant 0 : i32
        %dma_start3A_146 = tpu.memref_slice %arg4[%add3A_26, %dma_start3A_145] : memref<2560x128xi32, #tpu.memory_space<hbm>> -> memref<8x128xi32, #tpu.memory_space<hbm>>
        %dma_start3A_147 = arith.constant 0 : i32
        %dma_start3A_148 = tpu.memref_slice %arg4[%add3A_26, %dma_start3A_147] : memref<2560x128xi32, #tpu.memory_space<hbm>> -> memref<8x128xi32, #tpu.memory_space<hbm>>
        tpu.enqueue_dma source(%dma_start3A_148 : memref<8x128xi32, #tpu.memory_space<hbm>>) target(%arg8 : memref<8x128xi32, #tpu.memory_space<vmem>>) target_semaphore(%run_scoped3A_144 : memref<!tpu.dma_semaphore, #tpu.memory_space<semaphore_mem>>)
        %dma_wait3A_149 = arith.constant 0 : i32
        %dma_wait3A_150 = tpu.memref_slice %arg4[%add3A_26, %dma_wait3A_149] : memref<2560x128xi32, #tpu.memory_space<hbm>> -> memref<8x128xi32, #tpu.memory_space<hbm>>
        %dma_wait3A_151 = arith.constant 0 : i32
        %dma_wait3A_152 = tpu.memref_slice %arg4[%add3A_26, %dma_wait3A_151] : memref<2560x128xi32, #tpu.memory_space<hbm>> -> memref<8x128xi32, #tpu.memory_space<hbm>>
        tpu.wait_dma2 semaphore(%run_scoped3A_144 : memref<!tpu.dma_semaphore, #tpu.memory_space<semaphore_mem>>) src(%dma_wait3A_152 : memref<8x128xi32, #tpu.memory_space<hbm>>) dst(%arg8 : memref<8x128xi32, #tpu.memory_space<vmem>>)
        tpu.yield
      }) : () -> ()
      %dma_start3A = arith.constant 0 : i32
      %dma_start3A_27 = arith.constant 0 : i32
      %dma_start3A_28 = tpu.memref_slice %arg7[%dma_start3A, %dma_start3A_27] : memref<8x128xi32, #tpu.memory_space<vmem>> -> memref<1x128xi32, #tpu.memory_space<vmem>>
      %dma_start3A_29 = tpu.memref_squeeze %dma_start3A_28 : memref<1x128xi32, #tpu.memory_space<vmem>> -> memref<128xi32, #tpu.memory_space<vmem>>
      %dma_start3A_30 = arith.constant 0 : i32
      %dma_start3A_31 = arith.constant 0 : i32
      %dma_start3A_32 = tpu.memref_slice %arg2[%dma_start3A_30, %dma_start3A_31] : memref<20224x128xf32, #tpu.memory_space<hbm>> -> memref<20224x128xf32, #tpu.memory_space<hbm>>
      tpu.enqueue_indirect_dma source(%dma_start3A_32 : memref<20224x128xf32, #tpu.memory_space<hbm>>) target(%arg9 : memref<128x128xf32, #tpu.memory_space<vmem>>) offsets(%dma_start3A_29 : memref<128xi32, #tpu.memory_space<vmem>>) semaphore(%arg12 : memref<!tpu.dma_semaphore, #tpu.memory_space<semaphore_mem>>)
      %dma_wait3A = arith.constant 0 : i32
      %dma_wait3A_33 = arith.constant 0 : i32
      %dma_wait3A_34 = tpu.memref_slice %arg7[%dma_wait3A, %dma_wait3A_33] : memref<8x128xi32, #tpu.memory_space<vmem>> -> memref<1x128xi32, #tpu.memory_space<vmem>>
      %dma_wait3A_35 = tpu.memref_squeeze %dma_wait3A_34 : memref<1x128xi32, #tpu.memory_space<vmem>> -> memref<128xi32, #tpu.memory_space<vmem>>
      %dma_wait3A_36 = arith.constant 0 : i32
      %dma_wait3A_37 = arith.constant 0 : i32
      %dma_wait3A_38 = tpu.memref_slice %arg2[%dma_wait3A_36, %dma_wait3A_37] : memref<20224x128xf32, #tpu.memory_space<hbm>> -> memref<20224x128xf32, #tpu.memory_space<hbm>>
      tpu.wait_indirect_dma semaphore(%arg12 : memref<!tpu.dma_semaphore, #tpu.memory_space<semaphore_mem>>) src(%dma_wait3A_38 : memref<20224x128xf32, #tpu.memory_space<hbm>>) dst(%arg9 : memref<128x128xf32, #tpu.memory_space<vmem>>)
      %dma_start3A_39 = arith.constant 1 : i32
      %dma_start3A_40 = arith.constant 0 : i32
      %dma_start3A_41 = tpu.memref_slice %arg7[%dma_start3A_39, %dma_start3A_40] : memref<8x128xi32, #tpu.memory_space<vmem>> -> memref<1x128xi32, #tpu.memory_space<vmem>>
      %dma_start3A_42 = tpu.memref_squeeze %dma_start3A_41 : memref<1x128xi32, #tpu.memory_space<vmem>> -> memref<128xi32, #tpu.memory_space<vmem>>
      %dma_start3A_43 = arith.constant 0 : i32
      %dma_start3A_44 = arith.constant 0 : i32
      %dma_start3A_45 = tpu.memref_slice %arg2[%dma_start3A_43, %dma_start3A_44] : memref<20224x128xf32, #tpu.memory_space<hbm>> -> memref<20224x128xf32, #tpu.memory_space<hbm>>
      tpu.enqueue_indirect_dma source(%dma_start3A_45 : memref<20224x128xf32, #tpu.memory_space<hbm>>) target(%arg10 : memref<128x128xf32, #tpu.memory_space<vmem>>) offsets(%dma_start3A_42 : memref<128xi32, #tpu.memory_space<vmem>>) semaphore(%arg13 : memref<!tpu.dma_semaphore, #tpu.memory_space<semaphore_mem>>)
      %run_scoped3A = arith.constant 0 : i32
      "tpu.region"() ({
        %run_scoped3A_144 = tpu.sem_alloc : memref<!tpu.dma_semaphore, #tpu.memory_space<semaphore_mem>>
        %dma_start3A_145 = arith.constant 0 : i32
        %dma_start3A_146 = tpu.memref_slice %arg8[%run_scoped3A, %dma_start3A_145] : memref<8x128xi32, #tpu.memory_space<vmem>> -> memref<1x128xi32, #tpu.memory_space<vmem>>
        %dma_start3A_147 = tpu.memref_squeeze %dma_start3A_146 : memref<1x128xi32, #tpu.memory_space<vmem>> -> memref<128xi32, #tpu.memory_space<vmem>>
        %dma_start3A_148 = arith.constant 0 : i32
        %dma_start3A_149 = arith.constant 0 : i32
        %dma_start3A_150 = tpu.memref_slice %arg11[%dma_start3A_148, %dma_start3A_149] : memref<10112x128xf32, #tpu.memory_space<vmem_shared>> -> memref<10112x128xf32, #tpu.memory_space<vmem_shared>>
        tpu.enqueue_indirect_dma source(%arg9 : memref<128x128xf32, #tpu.memory_space<vmem>>) target(%dma_start3A_150 : memref<10112x128xf32, #tpu.memory_space<vmem_shared>>) offsets(%dma_start3A_147 : memref<128xi32, #tpu.memory_space<vmem>>) semaphore(%run_scoped3A_144 : memref<!tpu.dma_semaphore, #tpu.memory_space<semaphore_mem>>) {add = true}
        %dma_wait3A_151 = arith.constant 0 : i32
        %dma_wait3A_152 = tpu.memref_slice %arg8[%run_scoped3A, %dma_wait3A_151] : memref<8x128xi32, #tpu.memory_space<vmem>> -> memref<1x128xi32, #tpu.memory_space<vmem>>
        %dma_wait3A_153 = tpu.memref_squeeze %dma_wait3A_152 : memref<1x128xi32, #tpu.memory_space<vmem>> -> memref<128xi32, #tpu.memory_space<vmem>>
        %dma_wait3A_154 = arith.constant 0 : i32
        %dma_wait3A_155 = arith.constant 0 : i32
        %dma_wait3A_156 = tpu.memref_slice %arg11[%dma_wait3A_154, %dma_wait3A_155] : memref<10112x128xf32, #tpu.memory_space<vmem_shared>> -> memref<10112x128xf32, #tpu.memory_space<vmem_shared>>
        tpu.wait_indirect_dma semaphore(%run_scoped3A_144 : memref<!tpu.dma_semaphore, #tpu.memory_space<semaphore_mem>>) src(%arg9 : memref<128x128xf32, #tpu.memory_space<vmem>>) dst(%dma_wait3A_156 : memref<10112x128xf32, #tpu.memory_space<vmem_shared>>)
        tpu.yield
      }) : () -> ()
      %dma_wait3A_46 = arith.constant 1 : i32
      %dma_wait3A_47 = arith.constant 0 : i32
      %dma_wait3A_48 = tpu.memref_slice %arg7[%dma_wait3A_46, %dma_wait3A_47] : memref<8x128xi32, #tpu.memory_space<vmem>> -> memref<1x128xi32, #tpu.memory_space<vmem>>
      %dma_wait3A_49 = tpu.memref_squeeze %dma_wait3A_48 : memref<1x128xi32, #tpu.memory_space<vmem>> -> memref<128xi32, #tpu.memory_space<vmem>>
      %dma_wait3A_50 = arith.constant 0 : i32
      %dma_wait3A_51 = arith.constant 0 : i32
      %dma_wait3A_52 = tpu.memref_slice %arg2[%dma_wait3A_50, %dma_wait3A_51] : memref<20224x128xf32, #tpu.memory_space<hbm>> -> memref<20224x128xf32, #tpu.memory_space<hbm>>
      tpu.wait_indirect_dma semaphore(%arg13 : memref<!tpu.dma_semaphore, #tpu.memory_space<semaphore_mem>>) src(%dma_wait3A_52 : memref<20224x128xf32, #tpu.memory_space<hbm>>) dst(%arg10 : memref<128x128xf32, #tpu.memory_space<vmem>>)
      %dma_start3A_53 = arith.constant 2 : i32
      %dma_start3A_54 = arith.constant 0 : i32
      %dma_start3A_55 = tpu.memref_slice %arg7[%dma_start3A_53, %dma_start3A_54] : memref<8x128xi32, #tpu.memory_space<vmem>> -> memref<1x128xi32, #tpu.memory_space<vmem>>
      %dma_start3A_56 = tpu.memref_squeeze %dma_start3A_55 : memref<1x128xi32, #tpu.memory_space<vmem>> -> memref<128xi32, #tpu.memory_space<vmem>>
      %dma_start3A_57 = arith.constant 0 : i32
      %dma_start3A_58 = arith.constant 0 : i32
      %dma_start3A_59 = tpu.memref_slice %arg2[%dma_start3A_57, %dma_start3A_58] : memref<20224x128xf32, #tpu.memory_space<hbm>> -> memref<20224x128xf32, #tpu.memory_space<hbm>>
      tpu.enqueue_indirect_dma source(%dma_start3A_59 : memref<20224x128xf32, #tpu.memory_space<hbm>>) target(%arg9 : memref<128x128xf32, #tpu.memory_space<vmem>>) offsets(%dma_start3A_56 : memref<128xi32, #tpu.memory_space<vmem>>) semaphore(%arg12 : memref<!tpu.dma_semaphore, #tpu.memory_space<semaphore_mem>>)
      %run_scoped3A_60 = arith.constant 1 : i32
      "tpu.region"() ({
        %run_scoped3A_144 = tpu.sem_alloc : memref<!tpu.dma_semaphore, #tpu.memory_space<semaphore_mem>>
        %dma_start3A_145 = arith.constant 0 : i32
        %dma_start3A_146 = tpu.memref_slice %arg8[%run_scoped3A_60, %dma_start3A_145] : memref<8x128xi32, #tpu.memory_space<vmem>> -> memref<1x128xi32, #tpu.memory_space<vmem>>
        %dma_start3A_147 = tpu.memref_squeeze %dma_start3A_146 : memref<1x128xi32, #tpu.memory_space<vmem>> -> memref<128xi32, #tpu.memory_space<vmem>>
        %dma_start3A_148 = arith.constant 0 : i32
        %dma_start3A_149 = arith.constant 0 : i32
        %dma_start3A_150 = tpu.memref_slice %arg11[%dma_start3A_148, %dma_start3A_149] : memref<10112x128xf32, #tpu.memory_space<vmem_shared>> -> memref<10112x128xf32, #tpu.memory_space<vmem_shared>>
        tpu.enqueue_indirect_dma source(%arg10 : memref<128x128xf32, #tpu.memory_space<vmem>>) target(%dma_start3A_150 : memref<10112x128xf32, #tpu.memory_space<vmem_shared>>) offsets(%dma_start3A_147 : memref<128xi32, #tpu.memory_space<vmem>>) semaphore(%run_scoped3A_144 : memref<!tpu.dma_semaphore, #tpu.memory_space<semaphore_mem>>) {add = true}
        %dma_wait3A_151 = arith.constant 0 : i32
        %dma_wait3A_152 = tpu.memref_slice %arg8[%run_scoped3A_60, %dma_wait3A_151] : memref<8x128xi32, #tpu.memory_space<vmem>> -> memref<1x128xi32, #tpu.memory_space<vmem>>
        %dma_wait3A_153 = tpu.memref_squeeze %dma_wait3A_152 : memref<1x128xi32, #tpu.memory_space<vmem>> -> memref<128xi32, #tpu.memory_space<vmem>>
        %dma_wait3A_154 = arith.constant 0 : i32
        %dma_wait3A_155 = arith.constant 0 : i32
        %dma_wait3A_156 = tpu.memref_slice %arg11[%dma_wait3A_154, %dma_wait3A_155] : memref<10112x128xf32, #tpu.memory_space<vmem_shared>> -> memref<10112x128xf32, #tpu.memory_space<vmem_shared>>
        tpu.wait_indirect_dma semaphore(%run_scoped3A_144 : memref<!tpu.dma_semaphore, #tpu.memory_space<semaphore_mem>>) src(%arg10 : memref<128x128xf32, #tpu.memory_space<vmem>>) dst(%dma_wait3A_156 : memref<10112x128xf32, #tpu.memory_space<vmem_shared>>)
        tpu.yield
      }) : () -> ()
      %dma_wait3A_61 = arith.constant 2 : i32
      %dma_wait3A_62 = arith.constant 0 : i32
      %dma_wait3A_63 = tpu.memref_slice %arg7[%dma_wait3A_61, %dma_wait3A_62] : memref<8x128xi32, #tpu.memory_space<vmem>> -> memref<1x128xi32, #tpu.memory_space<vmem>>
      %dma_wait3A_64 = tpu.memref_squeeze %dma_wait3A_63 : memref<1x128xi32, #tpu.memory_space<vmem>> -> memref<128xi32, #tpu.memory_space<vmem>>
      %dma_wait3A_65 = arith.constant 0 : i32
      %dma_wait3A_66 = arith.constant 0 : i32
      %dma_wait3A_67 = tpu.memref_slice %arg2[%dma_wait3A_65, %dma_wait3A_66] : memref<20224x128xf32, #tpu.memory_space<hbm>> -> memref<20224x128xf32, #tpu.memory_space<hbm>>
      tpu.wait_indirect_dma semaphore(%arg12 : memref<!tpu.dma_semaphore, #tpu.memory_space<semaphore_mem>>) src(%dma_wait3A_67 : memref<20224x128xf32, #tpu.memory_space<hbm>>) dst(%arg9 : memref<128x128xf32, #tpu.memory_space<vmem>>)
      %dma_start3A_68 = arith.constant 3 : i32
      %dma_start3A_69 = arith.constant 0 : i32
      %dma_start3A_70 = tpu.memref_slice %arg7[%dma_start3A_68, %dma_start3A_69] : memref<8x128xi32, #tpu.memory_space<vmem>> -> memref<1x128xi32, #tpu.memory_space<vmem>>
      %dma_start3A_71 = tpu.memref_squeeze %dma_start3A_70 : memref<1x128xi32, #tpu.memory_space<vmem>> -> memref<128xi32, #tpu.memory_space<vmem>>
      %dma_start3A_72 = arith.constant 0 : i32
      %dma_start3A_73 = arith.constant 0 : i32
      %dma_start3A_74 = tpu.memref_slice %arg2[%dma_start3A_72, %dma_start3A_73] : memref<20224x128xf32, #tpu.memory_space<hbm>> -> memref<20224x128xf32, #tpu.memory_space<hbm>>
      tpu.enqueue_indirect_dma source(%dma_start3A_74 : memref<20224x128xf32, #tpu.memory_space<hbm>>) target(%arg10 : memref<128x128xf32, #tpu.memory_space<vmem>>) offsets(%dma_start3A_71 : memref<128xi32, #tpu.memory_space<vmem>>) semaphore(%arg13 : memref<!tpu.dma_semaphore, #tpu.memory_space<semaphore_mem>>)
      %run_scoped3A_75 = arith.constant 2 : i32
      "tpu.region"() ({
        %run_scoped3A_144 = tpu.sem_alloc : memref<!tpu.dma_semaphore, #tpu.memory_space<semaphore_mem>>
        %dma_start3A_145 = arith.constant 0 : i32
        %dma_start3A_146 = tpu.memref_slice %arg8[%run_scoped3A_75, %dma_start3A_145] : memref<8x128xi32, #tpu.memory_space<vmem>> -> memref<1x128xi32, #tpu.memory_space<vmem>>
        %dma_start3A_147 = tpu.memref_squeeze %dma_start3A_146 : memref<1x128xi32, #tpu.memory_space<vmem>> -> memref<128xi32, #tpu.memory_space<vmem>>
        %dma_start3A_148 = arith.constant 0 : i32
        %dma_start3A_149 = arith.constant 0 : i32
        %dma_start3A_150 = tpu.memref_slice %arg11[%dma_start3A_148, %dma_start3A_149] : memref<10112x128xf32, #tpu.memory_space<vmem_shared>> -> memref<10112x128xf32, #tpu.memory_space<vmem_shared>>
        tpu.enqueue_indirect_dma source(%arg9 : memref<128x128xf32, #tpu.memory_space<vmem>>) target(%dma_start3A_150 : memref<10112x128xf32, #tpu.memory_space<vmem_shared>>) offsets(%dma_start3A_147 : memref<128xi32, #tpu.memory_space<vmem>>) semaphore(%run_scoped3A_144 : memref<!tpu.dma_semaphore, #tpu.memory_space<semaphore_mem>>) {add = true}
        %dma_wait3A_151 = arith.constant 0 : i32
        %dma_wait3A_152 = tpu.memref_slice %arg8[%run_scoped3A_75, %dma_wait3A_151] : memref<8x128xi32, #tpu.memory_space<vmem>> -> memref<1x128xi32, #tpu.memory_space<vmem>>
        %dma_wait3A_153 = tpu.memref_squeeze %dma_wait3A_152 : memref<1x128xi32, #tpu.memory_space<vmem>> -> memref<128xi32, #tpu.memory_space<vmem>>
        %dma_wait3A_154 = arith.constant 0 : i32
        %dma_wait3A_155 = arith.constant 0 : i32
        %dma_wait3A_156 = tpu.memref_slice %arg11[%dma_wait3A_154, %dma_wait3A_155] : memref<10112x128xf32, #tpu.memory_space<vmem_shared>> -> memref<10112x128xf32, #tpu.memory_space<vmem_shared>>
        tpu.wait_indirect_dma semaphore(%run_scoped3A_144 : memref<!tpu.dma_semaphore, #tpu.memory_space<semaphore_mem>>) src(%arg9 : memref<128x128xf32, #tpu.memory_space<vmem>>) dst(%dma_wait3A_156 : memref<10112x128xf32, #tpu.memory_space<vmem_shared>>)
        tpu.yield
      }) : () -> ()
      %dma_wait3A_76 = arith.constant 3 : i32
      %dma_wait3A_77 = arith.constant 0 : i32
      %dma_wait3A_78 = tpu.memref_slice %arg7[%dma_wait3A_76, %dma_wait3A_77] : memref<8x128xi32, #tpu.memory_space<vmem>> -> memref<1x128xi32, #tpu.memory_space<vmem>>
      %dma_wait3A_79 = tpu.memref_squeeze %dma_wait3A_78 : memref<1x128xi32, #tpu.memory_space<vmem>> -> memref<128xi32, #tpu.memory_space<vmem>>
      %dma_wait3A_80 = arith.constant 0 : i32
      %dma_wait3A_81 = arith.constant 0 : i32
      %dma_wait3A_82 = tpu.memref_slice %arg2[%dma_wait3A_80, %dma_wait3A_81] : memref<20224x128xf32, #tpu.memory_space<hbm>> -> memref<20224x128xf32, #tpu.memory_space<hbm>>
      tpu.wait_indirect_dma semaphore(%arg13 : memref<!tpu.dma_semaphore, #tpu.memory_space<semaphore_mem>>) src(%dma_wait3A_82 : memref<20224x128xf32, #tpu.memory_space<hbm>>) dst(%arg10 : memref<128x128xf32, #tpu.memory_space<vmem>>)
      %dma_start3A_83 = arith.constant 4 : i32
      %dma_start3A_84 = arith.constant 0 : i32
      %dma_start3A_85 = tpu.memref_slice %arg7[%dma_start3A_83, %dma_start3A_84] : memref<8x128xi32, #tpu.memory_space<vmem>> -> memref<1x128xi32, #tpu.memory_space<vmem>>
      %dma_start3A_86 = tpu.memref_squeeze %dma_start3A_85 : memref<1x128xi32, #tpu.memory_space<vmem>> -> memref<128xi32, #tpu.memory_space<vmem>>
      %dma_start3A_87 = arith.constant 0 : i32
      %dma_start3A_88 = arith.constant 0 : i32
      %dma_start3A_89 = tpu.memref_slice %arg2[%dma_start3A_87, %dma_start3A_88] : memref<20224x128xf32, #tpu.memory_space<hbm>> -> memref<20224x128xf32, #tpu.memory_space<hbm>>
      tpu.enqueue_indirect_dma source(%dma_start3A_89 : memref<20224x128xf32, #tpu.memory_space<hbm>>) target(%arg9 : memref<128x128xf32, #tpu.memory_space<vmem>>) offsets(%dma_start3A_86 : memref<128xi32, #tpu.memory_space<vmem>>) semaphore(%arg12 : memref<!tpu.dma_semaphore, #tpu.memory_space<semaphore_mem>>)
      %run_scoped3A_90 = arith.constant 3 : i32
      "tpu.region"() ({
        %run_scoped3A_144 = tpu.sem_alloc : memref<!tpu.dma_semaphore, #tpu.memory_space<semaphore_mem>>
        %dma_start3A_145 = arith.constant 0 : i32
        %dma_start3A_146 = tpu.memref_slice %arg8[%run_scoped3A_90, %dma_start3A_145] : memref<8x128xi32, #tpu.memory_space<vmem>> -> memref<1x128xi32, #tpu.memory_space<vmem>>
        %dma_start3A_147 = tpu.memref_squeeze %dma_start3A_146 : memref<1x128xi32, #tpu.memory_space<vmem>> -> memref<128xi32, #tpu.memory_space<vmem>>
        %dma_start3A_148 = arith.constant 0 : i32
        %dma_start3A_149 = arith.constant 0 : i32
        %dma_start3A_150 = tpu.memref_slice %arg11[%dma_start3A_148, %dma_start3A_149] : memref<10112x128xf32, #tpu.memory_space<vmem_shared>> -> memref<10112x128xf32, #tpu.memory_space<vmem_shared>>
        tpu.enqueue_indirect_dma source(%arg10 : memref<128x128xf32, #tpu.memory_space<vmem>>) target(%dma_start3A_150 : memref<10112x128xf32, #tpu.memory_space<vmem_shared>>) offsets(%dma_start3A_147 : memref<128xi32, #tpu.memory_space<vmem>>) semaphore(%run_scoped3A_144 : memref<!tpu.dma_semaphore, #tpu.memory_space<semaphore_mem>>) {add = true}
        %dma_wait3A_151 = arith.constant 0 : i32
        %dma_wait3A_152 = tpu.memref_slice %arg8[%run_scoped3A_90, %dma_wait3A_151] : memref<8x128xi32, #tpu.memory_space<vmem>> -> memref<1x128xi32, #tpu.memory_space<vmem>>
        %dma_wait3A_153 = tpu.memref_squeeze %dma_wait3A_152 : memref<1x128xi32, #tpu.memory_space<vmem>> -> memref<128xi32, #tpu.memory_space<vmem>>
        %dma_wait3A_154 = arith.constant 0 : i32
        %dma_wait3A_155 = arith.constant 0 : i32
        %dma_wait3A_156 = tpu.memref_slice %arg11[%dma_wait3A_154, %dma_wait3A_155] : memref<10112x128xf32, #tpu.memory_space<vmem_shared>> -> memref<10112x128xf32, #tpu.memory_space<vmem_shared>>
        tpu.wait_indirect_dma semaphore(%run_scoped3A_144 : memref<!tpu.dma_semaphore, #tpu.memory_space<semaphore_mem>>) src(%arg10 : memref<128x128xf32, #tpu.memory_space<vmem>>) dst(%dma_wait3A_156 : memref<10112x128xf32, #tpu.memory_space<vmem_shared>>)
        tpu.yield
      }) : () -> ()
      %dma_wait3A_91 = arith.constant 4 : i32
      %dma_wait3A_92 = arith.constant 0 : i32
      %dma_wait3A_93 = tpu.memref_slice %arg7[%dma_wait3A_91, %dma_wait3A_92] : memref<8x128xi32, #tpu.memory_space<vmem>> -> memref<1x128xi32, #tpu.memory_space<vmem>>
      %dma_wait3A_94 = tpu.memref_squeeze %dma_wait3A_93 : memref<1x128xi32, #tpu.memory_space<vmem>> -> memref<128xi32, #tpu.memory_space<vmem>>
      %dma_wait3A_95 = arith.constant 0 : i32
      %dma_wait3A_96 = arith.constant 0 : i32
      %dma_wait3A_97 = tpu.memref_slice %arg2[%dma_wait3A_95, %dma_wait3A_96] : memref<20224x128xf32, #tpu.memory_space<hbm>> -> memref<20224x128xf32, #tpu.memory_space<hbm>>
      tpu.wait_indirect_dma semaphore(%arg12 : memref<!tpu.dma_semaphore, #tpu.memory_space<semaphore_mem>>) src(%dma_wait3A_97 : memref<20224x128xf32, #tpu.memory_space<hbm>>) dst(%arg9 : memref<128x128xf32, #tpu.memory_space<vmem>>)
      %dma_start3A_98 = arith.constant 5 : i32
      %dma_start3A_99 = arith.constant 0 : i32
      %dma_start3A_100 = tpu.memref_slice %arg7[%dma_start3A_98, %dma_start3A_99] : memref<8x128xi32, #tpu.memory_space<vmem>> -> memref<1x128xi32, #tpu.memory_space<vmem>>
      %dma_start3A_101 = tpu.memref_squeeze %dma_start3A_100 : memref<1x128xi32, #tpu.memory_space<vmem>> -> memref<128xi32, #tpu.memory_space<vmem>>
      %dma_start3A_102 = arith.constant 0 : i32
      %dma_start3A_103 = arith.constant 0 : i32
      %dma_start3A_104 = tpu.memref_slice %arg2[%dma_start3A_102, %dma_start3A_103] : memref<20224x128xf32, #tpu.memory_space<hbm>> -> memref<20224x128xf32, #tpu.memory_space<hbm>>
      tpu.enqueue_indirect_dma source(%dma_start3A_104 : memref<20224x128xf32, #tpu.memory_space<hbm>>) target(%arg10 : memref<128x128xf32, #tpu.memory_space<vmem>>) offsets(%dma_start3A_101 : memref<128xi32, #tpu.memory_space<vmem>>) semaphore(%arg13 : memref<!tpu.dma_semaphore, #tpu.memory_space<semaphore_mem>>)
      %run_scoped3A_105 = arith.constant 4 : i32
      "tpu.region"() ({
        %run_scoped3A_144 = tpu.sem_alloc : memref<!tpu.dma_semaphore, #tpu.memory_space<semaphore_mem>>
        %dma_start3A_145 = arith.constant 0 : i32
        %dma_start3A_146 = tpu.memref_slice %arg8[%run_scoped3A_105, %dma_start3A_145] : memref<8x128xi32, #tpu.memory_space<vmem>> -> memref<1x128xi32, #tpu.memory_space<vmem>>
        %dma_start3A_147 = tpu.memref_squeeze %dma_start3A_146 : memref<1x128xi32, #tpu.memory_space<vmem>> -> memref<128xi32, #tpu.memory_space<vmem>>
        %dma_start3A_148 = arith.constant 0 : i32
        %dma_start3A_149 = arith.constant 0 : i32
        %dma_start3A_150 = tpu.memref_slice %arg11[%dma_start3A_148, %dma_start3A_149] : memref<10112x128xf32, #tpu.memory_space<vmem_shared>> -> memref<10112x128xf32, #tpu.memory_space<vmem_shared>>
        tpu.enqueue_indirect_dma source(%arg9 : memref<128x128xf32, #tpu.memory_space<vmem>>) target(%dma_start3A_150 : memref<10112x128xf32, #tpu.memory_space<vmem_shared>>) offsets(%dma_start3A_147 : memref<128xi32, #tpu.memory_space<vmem>>) semaphore(%run_scoped3A_144 : memref<!tpu.dma_semaphore, #tpu.memory_space<semaphore_mem>>) {add = true}
        %dma_wait3A_151 = arith.constant 0 : i32
        %dma_wait3A_152 = tpu.memref_slice %arg8[%run_scoped3A_105, %dma_wait3A_151] : memref<8x128xi32, #tpu.memory_space<vmem>> -> memref<1x128xi32, #tpu.memory_space<vmem>>
        %dma_wait3A_153 = tpu.memref_squeeze %dma_wait3A_152 : memref<1x128xi32, #tpu.memory_space<vmem>> -> memref<128xi32, #tpu.memory_space<vmem>>
        %dma_wait3A_154 = arith.constant 0 : i32
        %dma_wait3A_155 = arith.constant 0 : i32
        %dma_wait3A_156 = tpu.memref_slice %arg11[%dma_wait3A_154, %dma_wait3A_155] : memref<10112x128xf32, #tpu.memory_space<vmem_shared>> -> memref<10112x128xf32, #tpu.memory_space<vmem_shared>>
        tpu.wait_indirect_dma semaphore(%run_scoped3A_144 : memref<!tpu.dma_semaphore, #tpu.memory_space<semaphore_mem>>) src(%arg9 : memref<128x128xf32, #tpu.memory_space<vmem>>) dst(%dma_wait3A_156 : memref<10112x128xf32, #tpu.memory_space<vmem_shared>>)
        tpu.yield
      }) : () -> ()
      %dma_wait3A_106 = arith.constant 5 : i32
      %dma_wait3A_107 = arith.constant 0 : i32
      %dma_wait3A_108 = tpu.memref_slice %arg7[%dma_wait3A_106, %dma_wait3A_107] : memref<8x128xi32, #tpu.memory_space<vmem>> -> memref<1x128xi32, #tpu.memory_space<vmem>>
      %dma_wait3A_109 = tpu.memref_squeeze %dma_wait3A_108 : memref<1x128xi32, #tpu.memory_space<vmem>> -> memref<128xi32, #tpu.memory_space<vmem>>
      %dma_wait3A_110 = arith.constant 0 : i32
      %dma_wait3A_111 = arith.constant 0 : i32
      %dma_wait3A_112 = tpu.memref_slice %arg2[%dma_wait3A_110, %dma_wait3A_111] : memref<20224x128xf32, #tpu.memory_space<hbm>> -> memref<20224x128xf32, #tpu.memory_space<hbm>>
      tpu.wait_indirect_dma semaphore(%arg13 : memref<!tpu.dma_semaphore, #tpu.memory_space<semaphore_mem>>) src(%dma_wait3A_112 : memref<20224x128xf32, #tpu.memory_space<hbm>>) dst(%arg10 : memref<128x128xf32, #tpu.memory_space<vmem>>)
      %dma_start3A_113 = arith.constant 6 : i32
      %dma_start3A_114 = arith.constant 0 : i32
      %dma_start3A_115 = tpu.memref_slice %arg7[%dma_start3A_113, %dma_start3A_114] : memref<8x128xi32, #tpu.memory_space<vmem>> -> memref<1x128xi32, #tpu.memory_space<vmem>>
      %dma_start3A_116 = tpu.memref_squeeze %dma_start3A_115 : memref<1x128xi32, #tpu.memory_space<vmem>> -> memref<128xi32, #tpu.memory_space<vmem>>
      %dma_start3A_117 = arith.constant 0 : i32
      %dma_start3A_118 = arith.constant 0 : i32
      %dma_start3A_119 = tpu.memref_slice %arg2[%dma_start3A_117, %dma_start3A_118] : memref<20224x128xf32, #tpu.memory_space<hbm>> -> memref<20224x128xf32, #tpu.memory_space<hbm>>
      tpu.enqueue_indirect_dma source(%dma_start3A_119 : memref<20224x128xf32, #tpu.memory_space<hbm>>) target(%arg9 : memref<128x128xf32, #tpu.memory_space<vmem>>) offsets(%dma_start3A_116 : memref<128xi32, #tpu.memory_space<vmem>>) semaphore(%arg12 : memref<!tpu.dma_semaphore, #tpu.memory_space<semaphore_mem>>)
      %run_scoped3A_120 = arith.constant 5 : i32
      "tpu.region"() ({
        %run_scoped3A_144 = tpu.sem_alloc : memref<!tpu.dma_semaphore, #tpu.memory_space<semaphore_mem>>
        %dma_start3A_145 = arith.constant 0 : i32
        %dma_start3A_146 = tpu.memref_slice %arg8[%run_scoped3A_120, %dma_start3A_145] : memref<8x128xi32, #tpu.memory_space<vmem>> -> memref<1x128xi32, #tpu.memory_space<vmem>>
        %dma_start3A_147 = tpu.memref_squeeze %dma_start3A_146 : memref<1x128xi32, #tpu.memory_space<vmem>> -> memref<128xi32, #tpu.memory_space<vmem>>
        %dma_start3A_148 = arith.constant 0 : i32
        %dma_start3A_149 = arith.constant 0 : i32
        %dma_start3A_150 = tpu.memref_slice %arg11[%dma_start3A_148, %dma_start3A_149] : memref<10112x128xf32, #tpu.memory_space<vmem_shared>> -> memref<10112x128xf32, #tpu.memory_space<vmem_shared>>
        tpu.enqueue_indirect_dma source(%arg10 : memref<128x128xf32, #tpu.memory_space<vmem>>) target(%dma_start3A_150 : memref<10112x128xf32, #tpu.memory_space<vmem_shared>>) offsets(%dma_start3A_147 : memref<128xi32, #tpu.memory_space<vmem>>) semaphore(%run_scoped3A_144 : memref<!tpu.dma_semaphore, #tpu.memory_space<semaphore_mem>>) {add = true}
        %dma_wait3A_151 = arith.constant 0 : i32
        %dma_wait3A_152 = tpu.memref_slice %arg8[%run_scoped3A_120, %dma_wait3A_151] : memref<8x128xi32, #tpu.memory_space<vmem>> -> memref<1x128xi32, #tpu.memory_space<vmem>>
        %dma_wait3A_153 = tpu.memref_squeeze %dma_wait3A_152 : memref<1x128xi32, #tpu.memory_space<vmem>> -> memref<128xi32, #tpu.memory_space<vmem>>
        %dma_wait3A_154 = arith.constant 0 : i32
        %dma_wait3A_155 = arith.constant 0 : i32
        %dma_wait3A_156 = tpu.memref_slice %arg11[%dma_wait3A_154, %dma_wait3A_155] : memref<10112x128xf32, #tpu.memory_space<vmem_shared>> -> memref<10112x128xf32, #tpu.memory_space<vmem_shared>>
        tpu.wait_indirect_dma semaphore(%run_scoped3A_144 : memref<!tpu.dma_semaphore, #tpu.memory_space<semaphore_mem>>) src(%arg10 : memref<128x128xf32, #tpu.memory_space<vmem>>) dst(%dma_wait3A_156 : memref<10112x128xf32, #tpu.memory_space<vmem_shared>>)
        tpu.yield
      }) : () -> ()
      %dma_wait3A_121 = arith.constant 6 : i32
      %dma_wait3A_122 = arith.constant 0 : i32
      %dma_wait3A_123 = tpu.memref_slice %arg7[%dma_wait3A_121, %dma_wait3A_122] : memref<8x128xi32, #tpu.memory_space<vmem>> -> memref<1x128xi32, #tpu.memory_space<vmem>>
      %dma_wait3A_124 = tpu.memref_squeeze %dma_wait3A_123 : memref<1x128xi32, #tpu.memory_space<vmem>> -> memref<128xi32, #tpu.memory_space<vmem>>
      %dma_wait3A_125 = arith.constant 0 : i32
      %dma_wait3A_126 = arith.constant 0 : i32
      %dma_wait3A_127 = tpu.memref_slice %arg2[%dma_wait3A_125, %dma_wait3A_126] : memref<20224x128xf32, #tpu.memory_space<hbm>> -> memref<20224x128xf32, #tpu.memory_space<hbm>>
      tpu.wait_indirect_dma semaphore(%arg12 : memref<!tpu.dma_semaphore, #tpu.memory_space<semaphore_mem>>) src(%dma_wait3A_127 : memref<20224x128xf32, #tpu.memory_space<hbm>>) dst(%arg9 : memref<128x128xf32, #tpu.memory_space<vmem>>)
      %dma_start3A_128 = arith.constant 7 : i32
      %dma_start3A_129 = arith.constant 0 : i32
      %dma_start3A_130 = tpu.memref_slice %arg7[%dma_start3A_128, %dma_start3A_129] : memref<8x128xi32, #tpu.memory_space<vmem>> -> memref<1x128xi32, #tpu.memory_space<vmem>>
      %dma_start3A_131 = tpu.memref_squeeze %dma_start3A_130 : memref<1x128xi32, #tpu.memory_space<vmem>> -> memref<128xi32, #tpu.memory_space<vmem>>
      %dma_start3A_132 = arith.constant 0 : i32
      %dma_start3A_133 = arith.constant 0 : i32
      %dma_start3A_134 = tpu.memref_slice %arg2[%dma_start3A_132, %dma_start3A_133] : memref<20224x128xf32, #tpu.memory_space<hbm>> -> memref<20224x128xf32, #tpu.memory_space<hbm>>
      tpu.enqueue_indirect_dma source(%dma_start3A_134 : memref<20224x128xf32, #tpu.memory_space<hbm>>) target(%arg10 : memref<128x128xf32, #tpu.memory_space<vmem>>) offsets(%dma_start3A_131 : memref<128xi32, #tpu.memory_space<vmem>>) semaphore(%arg13 : memref<!tpu.dma_semaphore, #tpu.memory_space<semaphore_mem>>)
      %run_scoped3A_135 = arith.constant 6 : i32
      "tpu.region"() ({
        %run_scoped3A_144 = tpu.sem_alloc : memref<!tpu.dma_semaphore, #tpu.memory_space<semaphore_mem>>
        %dma_start3A_145 = arith.constant 0 : i32
        %dma_start3A_146 = tpu.memref_slice %arg8[%run_scoped3A_135, %dma_start3A_145] : memref<8x128xi32, #tpu.memory_space<vmem>> -> memref<1x128xi32, #tpu.memory_space<vmem>>
        %dma_start3A_147 = tpu.memref_squeeze %dma_start3A_146 : memref<1x128xi32, #tpu.memory_space<vmem>> -> memref<128xi32, #tpu.memory_space<vmem>>
        %dma_start3A_148 = arith.constant 0 : i32
        %dma_start3A_149 = arith.constant 0 : i32
        %dma_start3A_150 = tpu.memref_slice %arg11[%dma_start3A_148, %dma_start3A_149] : memref<10112x128xf32, #tpu.memory_space<vmem_shared>> -> memref<10112x128xf32, #tpu.memory_space<vmem_shared>>
        tpu.enqueue_indirect_dma source(%arg9 : memref<128x128xf32, #tpu.memory_space<vmem>>) target(%dma_start3A_150 : memref<10112x128xf32, #tpu.memory_space<vmem_shared>>) offsets(%dma_start3A_147 : memref<128xi32, #tpu.memory_space<vmem>>) semaphore(%run_scoped3A_144 : memref<!tpu.dma_semaphore, #tpu.memory_space<semaphore_mem>>) {add = true}
        %dma_wait3A_151 = arith.constant 0 : i32
        %dma_wait3A_152 = tpu.memref_slice %arg8[%run_scoped3A_135, %dma_wait3A_151] : memref<8x128xi32, #tpu.memory_space<vmem>> -> memref<1x128xi32, #tpu.memory_space<vmem>>
        %dma_wait3A_153 = tpu.memref_squeeze %dma_wait3A_152 : memref<1x128xi32, #tpu.memory_space<vmem>> -> memref<128xi32, #tpu.memory_space<vmem>>
        %dma_wait3A_154 = arith.constant 0 : i32
        %dma_wait3A_155 = arith.constant 0 : i32
        %dma_wait3A_156 = tpu.memref_slice %arg11[%dma_wait3A_154, %dma_wait3A_155] : memref<10112x128xf32, #tpu.memory_space<vmem_shared>> -> memref<10112x128xf32, #tpu.memory_space<vmem_shared>>
        tpu.wait_indirect_dma semaphore(%run_scoped3A_144 : memref<!tpu.dma_semaphore, #tpu.memory_space<semaphore_mem>>) src(%arg9 : memref<128x128xf32, #tpu.memory_space<vmem>>) dst(%dma_wait3A_156 : memref<10112x128xf32, #tpu.memory_space<vmem_shared>>)
        tpu.yield
      }) : () -> ()
      %dma_wait3A_136 = arith.constant 7 : i32
      %dma_wait3A_137 = arith.constant 0 : i32
      %dma_wait3A_138 = tpu.memref_slice %arg7[%dma_wait3A_136, %dma_wait3A_137] : memref<8x128xi32, #tpu.memory_space<vmem>> -> memref<1x128xi32, #tpu.memory_space<vmem>>
      %dma_wait3A_139 = tpu.memref_squeeze %dma_wait3A_138 : memref<1x128xi32, #tpu.memory_space<vmem>> -> memref<128xi32, #tpu.memory_space<vmem>>
      %dma_wait3A_140 = arith.constant 0 : i32
      %dma_wait3A_141 = arith.constant 0 : i32
      %dma_wait3A_142 = tpu.memref_slice %arg2[%dma_wait3A_140, %dma_wait3A_141] : memref<20224x128xf32, #tpu.memory_space<hbm>> -> memref<20224x128xf32, #tpu.memory_space<hbm>>
      tpu.wait_indirect_dma semaphore(%arg13 : memref<!tpu.dma_semaphore, #tpu.memory_space<semaphore_mem>>) src(%dma_wait3A_142 : memref<20224x128xf32, #tpu.memory_space<hbm>>) dst(%arg10 : memref<128x128xf32, #tpu.memory_space<vmem>>)
      %run_scoped3A_143 = arith.constant 7 : i32
      "tpu.region"() ({
        %run_scoped3A_144 = tpu.sem_alloc : memref<!tpu.dma_semaphore, #tpu.memory_space<semaphore_mem>>
        %dma_start3A_145 = arith.constant 0 : i32
        %dma_start3A_146 = tpu.memref_slice %arg8[%run_scoped3A_143, %dma_start3A_145] : memref<8x128xi32, #tpu.memory_space<vmem>> -> memref<1x128xi32, #tpu.memory_space<vmem>>
        %dma_start3A_147 = tpu.memref_squeeze %dma_start3A_146 : memref<1x128xi32, #tpu.memory_space<vmem>> -> memref<128xi32, #tpu.memory_space<vmem>>
        %dma_start3A_148 = arith.constant 0 : i32
        %dma_start3A_149 = arith.constant 0 : i32
        %dma_start3A_150 = tpu.memref_slice %arg11[%dma_start3A_148, %dma_start3A_149] : memref<10112x128xf32, #tpu.memory_space<vmem_shared>> -> memref<10112x128xf32, #tpu.memory_space<vmem_shared>>
        tpu.enqueue_indirect_dma source(%arg10 : memref<128x128xf32, #tpu.memory_space<vmem>>) target(%dma_start3A_150 : memref<10112x128xf32, #tpu.memory_space<vmem_shared>>) offsets(%dma_start3A_147 : memref<128xi32, #tpu.memory_space<vmem>>) semaphore(%run_scoped3A_144 : memref<!tpu.dma_semaphore, #tpu.memory_space<semaphore_mem>>) {add = true}
        %dma_wait3A_151 = arith.constant 0 : i32
        %dma_wait3A_152 = tpu.memref_slice %arg8[%run_scoped3A_143, %dma_wait3A_151] : memref<8x128xi32, #tpu.memory_space<vmem>> -> memref<1x128xi32, #tpu.memory_space<vmem>>
        %dma_wait3A_153 = tpu.memref_squeeze %dma_wait3A_152 : memref<1x128xi32, #tpu.memory_space<vmem>> -> memref<128xi32, #tpu.memory_space<vmem>>
        %dma_wait3A_154 = arith.constant 0 : i32
        %dma_wait3A_155 = arith.constant 0 : i32
        %dma_wait3A_156 = tpu.memref_slice %arg11[%dma_wait3A_154, %dma_wait3A_155] : memref<10112x128xf32, #tpu.memory_space<vmem_shared>> -> memref<10112x128xf32, #tpu.memory_space<vmem_shared>>
        tpu.wait_indirect_dma semaphore(%run_scoped3A_144 : memref<!tpu.dma_semaphore, #tpu.memory_space<semaphore_mem>>) src(%arg10 : memref<128x128xf32, #tpu.memory_space<vmem>>) dst(%dma_wait3A_156 : memref<10112x128xf32, #tpu.memory_space<vmem_shared>>)
        tpu.yield
      }) : () -> ()
    }
    %scan3A_10 = arith.constant 10 : i32
    %barrier3A_11 = arith.constant 0 : index
    tpu.barrier barrier_id(%barrier3A_11)
    %mul3A_12 = arith.constant 632 : i32
    %mul3A_13 = arith.muli %arg1, %mul3A_12 : i32
    %mul3A_14 = arith.constant 632 : i32
    %mul3A_15 = arith.muli %arg1, %mul3A_14 : i32
    "tpu.region"() ({
      %run_scoped3A = tpu.sem_alloc : memref<!tpu.dma_semaphore, #tpu.memory_space<semaphore_mem>>
      %dma_start3A = arith.constant 0 : i32
      %dma_start3A_16 = tpu.memref_slice %arg6[%arg0, %mul3A_15, %dma_start3A] : memref<2x10112x128xf32, #tpu.memory_space<hbm>> -> memref<1x632x128xf32, #tpu.memory_space<hbm>>
      %dma_start3A_17 = tpu.memref_squeeze %dma_start3A_16 : memref<1x632x128xf32, #tpu.memory_space<hbm>> -> memref<632x128xf32, #tpu.memory_space<hbm>>
      %dma_start3A_18 = arith.constant 0 : i32
      %dma_start3A_19 = tpu.memref_slice %arg11[%mul3A_13, %dma_start3A_18] : memref<10112x128xf32, #tpu.memory_space<vmem_shared>> -> memref<632x128xf32, #tpu.memory_space<vmem_shared>>
      tpu.enqueue_dma source(%dma_start3A_19 : memref<632x128xf32, #tpu.memory_space<vmem_shared>>) target(%dma_start3A_17 : memref<632x128xf32, #tpu.memory_space<hbm>>) target_semaphore(%run_scoped3A : memref<!tpu.dma_semaphore, #tpu.memory_space<semaphore_mem>>)
      %dma_wait3A = arith.constant 0 : i32
      %dma_wait3A_20 = tpu.memref_slice %arg6[%arg0, %mul3A_15, %dma_wait3A] : memref<2x10112x128xf32, #tpu.memory_space<hbm>> -> memref<1x632x128xf32, #tpu.memory_space<hbm>>
      %dma_wait3A_21 = tpu.memref_squeeze %dma_wait3A_20 : memref<1x632x128xf32, #tpu.memory_space<hbm>> -> memref<632x128xf32, #tpu.memory_space<hbm>>
      %dma_wait3A_22 = arith.constant 0 : i32
      %dma_wait3A_23 = tpu.memref_slice %arg11[%mul3A_13, %dma_wait3A_22] : memref<10112x128xf32, #tpu.memory_space<vmem_shared>> -> memref<632x128xf32, #tpu.memory_space<vmem_shared>>
      tpu.wait_dma2 semaphore(%run_scoped3A : memref<!tpu.dma_semaphore, #tpu.memory_space<semaphore_mem>>) src(%dma_wait3A_23 : memref<632x128xf32, #tpu.memory_space<vmem_shared>>) dst(%dma_wait3A_21 : memref<632x128xf32, #tpu.memory_space<hbm>>)
      tpu.yield
    }) : () -> ()
    return
  }
}

module attributes {stable_mosaic.version = 14 : i64} {
  func.func @_dup_body(%arg0: i32, %arg1: memref<128x128xf32, #tpu.memory_space<vmem>>, %arg2: memref<2x128x128xf32, #tpu.memory_space<vmem>>) attributes {dimension_semantics = [#tpu.dimension_semantics<arbitrary>], iteration_bounds = array<i64: 79>, scalar_prefetch = 0 : i64, scratch_operands = 0 : i64, tpu.core_type = #tpu.core_type<tc>, window_params = [{transform_indices = @transform_0, window_bounds = array<i64: 128, 128>}, {transform_indices = @transform_1, window_bounds = array<i64: 2, 128, 128>}]} {
    %get3A = arith.constant 0 : index
    %get3A_0 = arith.constant 0 : index
    %get3A_1 = vector.load %arg1[%get3A, %get3A_0] : memref<128x128xf32, #tpu.memory_space<vmem>>, vector<128x128xf32>
    %broadcast_in_dim3A = vector.shape_cast %get3A_1 : vector<128x128xf32> to vector<1x128x128xf32>
    %broadcast_in_dim3A_2 = vector.broadcast %broadcast_in_dim3A : vector<1x128x128xf32> to vector<2x128x128xf32>
    %swap3A = arith.constant 0 : index
    %swap3A_3 = arith.constant 0 : index
    %swap3A_4 = arith.constant 0 : index
    %swap3A_5 = vector.load %arg2[%swap3A, %swap3A_3, %swap3A_4] : memref<2x128x128xf32, #tpu.memory_space<vmem>>, vector<2x128x128xf32>
    tpu.vector_store %arg2[%swap3A, %swap3A_3, %swap3A_4], %broadcast_in_dim3A_2 {strides = array<i32>} : memref<2x128x128xf32, #tpu.memory_space<vmem>>, vector<2x128x128xf32>,
    return
  }
  func.func @transform_0(%arg0: i32) -> (i32, i32) {
    %c0_i32 = arith.constant 0 : i32
    %c0_i32_0 = arith.constant 0 : i32
    return %arg0, %c0_i32 : i32, i32
  }
  func.func @transform_1(%arg0: i32) -> (i32, i32, i32) {
    %c0_i32 = arith.constant 0 : i32
    %c0_i32_0 = arith.constant 0 : i32
    %c0_i32_1 = arith.constant 0 : i32
    return %c0_i32, %arg0, %c0_i32_0 : i32, i32, i32
  }
}

module attributes {stable_mosaic.version = 14 : i64} {
  func.func @_est_body(%arg0: i32, %arg1: memref<128x128xf32, #tpu.memory_space<vmem>>, %arg2: memref<128x128xf32, #tpu.memory_space<vmem>>, %arg3: memref<128x8x128xf32, #tpu.memory_space<vmem>>) attributes {dimension_semantics = [#tpu.dimension_semantics<arbitrary>], iteration_bounds = array<i64: 320>, scalar_prefetch = 0 : i64, scratch_operands = 0 : i64, tpu.core_type = #tpu.core_type<tc>, window_params = [{transform_indices = @transform_0, window_bounds = array<i64: 128, 128>}, {transform_indices = @transform_1, window_bounds = array<i64: 128, 128>}, {transform_indices = @transform_2, window_bounds = array<i64: 128, 8, 128>}]} {
    %iota3A = tpu.iota {dimensions = array<i32: 1>} : vector<128x128xi32>
    %get3A = arith.constant 0 : index
    %get3A_0 = arith.constant 0 : index
    %get3A_1 = vector.load %arg1[%get3A, %get3A_0] : memref<128x128xf32, #tpu.memory_space<vmem>>, vector<128x128xf32>
    %get3A_2 = arith.constant 0 : index
    %get3A_3 = arith.constant 0 : index
    %get3A_4 = vector.load %arg2[%get3A_2, %get3A_3] : memref<128x128xf32, #tpu.memory_space<vmem>>, vector<128x128xf32>
    %convert_element_type3A = arith.sitofp %iota3A : vector<128x128xi32> to vector<128x128xf32>
    %roll3A = arith.constant 0 : i32
    %roll3A_5 = tpu.dynamic_rotate %get3A_1 by %roll3A dim 1 : vector<128x128xf32>, i32 -> vector<128x128xf32>
    %roll3A_6 = arith.constant 16 : i32
    %roll3A_7 = tpu.dynamic_rotate %get3A_4 by %roll3A_6 dim 1 : vector<128x128xf32>, i32 -> vector<128x128xf32>
    %eq3A = arith.constant 0 : i32
    %eq3A_8 = vector.broadcast %eq3A : i32 to vector<128x128xi32>
    %eq3A_9 = arith.cmpi eq, %iota3A, %eq3A_8 : vector<128x128xi32>
    %ge3A = arith.constant 1 : i32
    %ge3A_10 = vector.broadcast %ge3A : i32 to vector<128x128xi32>
    %ge3A_11 = arith.cmpi sge, %iota3A, %ge3A_10 : vector<128x128xi32>
    %le3A = arith.constant 4 : i32
    %le3A_12 = vector.broadcast %le3A : i32 to vector<128x128xi32>
    %le3A_13 = arith.cmpi sle, %iota3A, %le3A_12 : vector<128x128xi32>
    %and3A = arith.andi %ge3A_11, %le3A_13 : vector<128x128xi1>
    %sub3A = arith.constant 1.000000e+00 : f32
    %sub3A_14 = vector.broadcast %sub3A : f32 to vector<128x128xf32>
    %sub3A_15 = arith.subf %convert_element_type3A, %sub3A_14 : vector<128x128xf32>
    %eq3A_16 = arith.cmpf oeq, %roll3A_5, %sub3A_15 : vector<128x128xf32>
    %convert_element_type3A_17 = arith.extui %eq3A_16 : vector<128x128xi1> to vector<128x128xi32>
    %convert_element_type3A_18 = arith.sitofp %convert_element_type3A_17 : vector<128x128xi32> to vector<128x128xf32>
    %jit3A = arith.constant 0.000000e+00 : f32
    %broadcast_in_dim3A = vector.broadcast %jit3A : f32 to vector<128x128xf32>
    %select_n3A = arith.select %and3A, %convert_element_type3A_18, %broadcast_in_dim3A : vector<128x128xi1>, vector<128x128xf32>
    %jit3A_19 = arith.constant 1.000000e+00 : f32
    %broadcast_in_dim3A_20 = vector.broadcast %jit3A_19 : f32 to vector<128x128xf32>
    %select_n3A_21 = arith.select %eq3A_9, %broadcast_in_dim3A_20, %select_n3A : vector<128x128xi1>, vector<128x128xf32>
    %ge3A_22 = arith.constant 16 : i32
    %ge3A_23 = vector.broadcast %ge3A_22 : i32 to vector<128x128xi32>
    %ge3A_24 = arith.cmpi sge, %iota3A, %ge3A_23 : vector<128x128xi32>
    %lt3A = arith.constant 32 : i32
    %lt3A_25 = vector.broadcast %lt3A : i32 to vector<128x128xi32>
    %lt3A_26 = arith.cmpi slt, %iota3A, %lt3A_25 : vector<128x128xi32>
    %and3A_27 = arith.andi %ge3A_24, %lt3A_26 : vector<128x128xi1>
    %select_n3A_28 = arith.select %and3A_27, %roll3A_7, %select_n3A_21 : vector<128x128xi1>, vector<128x128xf32>
    %swap3A = arith.constant 0 : index
    %swap3A_29 = arith.constant 0 : index
    %swap3A_30 = arith.constant 0 : index
    %swap3A_31 = vector.load %arg3[%swap3A, %swap3A_29, %swap3A_30] : memref<128x8x128xf32, #tpu.memory_space<vmem>>, vector<128x1x128xf32>
    %swap3A_32 = vector.shape_cast %swap3A_31 : vector<128x1x128xf32> to vector<128x128xf32>
    %swap3A_33 = vector.shape_cast %select_n3A_28 : vector<128x128xf32> to vector<128x1x128xf32>
    tpu.vector_store %arg3[%swap3A, %swap3A_29, %swap3A_30], %swap3A_33 {strides = array<i32>} : memref<128x8x128xf32, #tpu.memory_space<vmem>>, vector<128x1x128xf32>,
    %roll3A_34 = arith.constant 112 : i32
    %roll3A_35 = tpu.dynamic_rotate %get3A_1 by %roll3A_34 dim 1 : vector<128x128xf32>, i32 -> vector<128x128xf32>
    %roll3A_36 = arith.constant 0 : i32
    %roll3A_37 = tpu.dynamic_rotate %get3A_4 by %roll3A_36 dim 1 : vector<128x128xf32>, i32 -> vector<128x128xf32>
    %eq3A_38 = arith.constant 0 : i32
    %eq3A_39 = vector.broadcast %eq3A_38 : i32 to vector<128x128xi32>
    %eq3A_40 = arith.cmpi eq, %iota3A, %eq3A_39 : vector<128x128xi32>
    %ge3A_41 = arith.constant 1 : i32
    %ge3A_42 = vector.broadcast %ge3A_41 : i32 to vector<128x128xi32>
    %ge3A_43 = arith.cmpi sge, %iota3A, %ge3A_42 : vector<128x128xi32>
    %le3A_44 = arith.constant 4 : i32
    %le3A_45 = vector.broadcast %le3A_44 : i32 to vector<128x128xi32>
    %le3A_46 = arith.cmpi sle, %iota3A, %le3A_45 : vector<128x128xi32>
    %and3A_47 = arith.andi %ge3A_43, %le3A_46 : vector<128x128xi1>
    %sub3A_48 = arith.constant 1.000000e+00 : f32
    %sub3A_49 = vector.broadcast %sub3A_48 : f32 to vector<128x128xf32>
    %sub3A_50 = arith.subf %convert_element_type3A, %sub3A_49 : vector<128x128xf32>
    %eq3A_51 = arith.cmpf oeq, %roll3A_35, %sub3A_50 : vector<128x128xf32>
    %convert_element_type3A_52 = arith.extui %eq3A_51 : vector<128x128xi1> to vector<128x128xi32>
    %convert_element_type3A_53 = arith.sitofp %convert_element_type3A_52 : vector<128x128xi32> to vector<128x128xf32>
    %jit3A_54 = arith.constant 0.000000e+00 : f32
    %broadcast_in_dim3A_55 = vector.broadcast %jit3A_54 : f32 to vector<128x128xf32>
    %select_n3A_56 = arith.select %and3A_47, %convert_element_type3A_53, %broadcast_in_dim3A_55 : vector<128x128xi1>, vector<128x128xf32>
    %jit3A_57 = arith.constant 1.000000e+00 : f32
    %broadcast_in_dim3A_58 = vector.broadcast %jit3A_57 : f32 to vector<128x128xf32>
    %select_n3A_59 = arith.select %eq3A_40, %broadcast_in_dim3A_58, %select_n3A_56 : vector<128x128xi1>, vector<128x128xf32>
    %ge3A_60 = arith.constant 16 : i32
    %ge3A_61 = vector.broadcast %ge3A_60 : i32 to vector<128x128xi32>
    %ge3A_62 = arith.cmpi sge, %iota3A, %ge3A_61 : vector<128x128xi32>
    %lt3A_63 = arith.constant 32 : i32
    %lt3A_64 = vector.broadcast %lt3A_63 : i32 to vector<128x128xi32>
    %lt3A_65 = arith.cmpi slt, %iota3A, %lt3A_64 : vector<128x128xi32>
    %and3A_66 = arith.andi %ge3A_62, %lt3A_65 : vector<128x128xi1>
    %select_n3A_67 = arith.select %and3A_66, %roll3A_37, %select_n3A_59 : vector<128x128xi1>, vector<128x128xf32>
    %swap3A_68 = arith.constant 0 : index
    %swap3A_69 = arith.constant 1 : index
    %swap3A_70 = arith.constant 0 : index
    %swap3A_71 = vector.load %arg3[%swap3A_68, %swap3A_69, %swap3A_70] : memref<128x8x128xf32, #tpu.memory_space<vmem>>, vector<128x1x128xf32>
    %swap3A_72 = vector.shape_cast %swap3A_71 : vector<128x1x128xf32> to vector<128x128xf32>
    %swap3A_73 = vector.shape_cast %select_n3A_67 : vector<128x128xf32> to vector<128x1x128xf32>
    tpu.vector_store %arg3[%swap3A_68, %swap3A_69, %swap3A_70], %swap3A_73 {strides = array<i32>} : memref<128x8x128xf32, #tpu.memory_space<vmem>>, vector<128x1x128xf32>,
    %roll3A_74 = arith.constant 96 : i32
    %roll3A_75 = tpu.dynamic_rotate %get3A_1 by %roll3A_74 dim 1 : vector<128x128xf32>, i32 -> vector<128x128xf32>
    %roll3A_76 = arith.constant 112 : i32
    %roll3A_77 = tpu.dynamic_rotate %get3A_4 by %roll3A_76 dim 1 : vector<128x128xf32>, i32 -> vector<128x128xf32>
    %eq3A_78 = arith.constant 0 : i32
    %eq3A_79 = vector.broadcast %eq3A_78 : i32 to vector<128x128xi32>
    %eq3A_80 = arith.cmpi eq, %iota3A, %eq3A_79 : vector<128x128xi32>
    %ge3A_81 = arith.constant 1 : i32
    %ge3A_82 = vector.broadcast %ge3A_81 : i32 to vector<128x128xi32>
    %ge3A_83 = arith.cmpi sge, %iota3A, %ge3A_82 : vector<128x128xi32>
    %le3A_84 = arith.constant 4 : i32
    %le3A_85 = vector.broadcast %le3A_84 : i32 to vector<128x128xi32>
    %le3A_86 = arith.cmpi sle, %iota3A, %le3A_85 : vector<128x128xi32>
    %and3A_87 = arith.andi %ge3A_83, %le3A_86 : vector<128x128xi1>
    %sub3A_88 = arith.constant 1.000000e+00 : f32
    %sub3A_89 = vector.broadcast %sub3A_88 : f32 to vector<128x128xf32>
    %sub3A_90 = arith.subf %convert_element_type3A, %sub3A_89 : vector<128x128xf32>
    %eq3A_91 = arith.cmpf oeq, %roll3A_75, %sub3A_90 : vector<128x128xf32>
    %convert_element_type3A_92 = arith.extui %eq3A_91 : vector<128x128xi1> to vector<128x128xi32>
    %convert_element_type3A_93 = arith.sitofp %convert_element_type3A_92 : vector<128x128xi32> to vector<128x128xf32>
    %jit3A_94 = arith.constant 0.000000e+00 : f32
    %broadcast_in_dim3A_95 = vector.broadcast %jit3A_94 : f32 to vector<128x128xf32>
    %select_n3A_96 = arith.select %and3A_87, %convert_element_type3A_93, %broadcast_in_dim3A_95 : vector<128x128xi1>, vector<128x128xf32>
    %jit3A_97 = arith.constant 1.000000e+00 : f32
    %broadcast_in_dim3A_98 = vector.broadcast %jit3A_97 : f32 to vector<128x128xf32>
    %select_n3A_99 = arith.select %eq3A_80, %broadcast_in_dim3A_98, %select_n3A_96 : vector<128x128xi1>, vector<128x128xf32>
    %ge3A_100 = arith.constant 16 : i32
    %ge3A_101 = vector.broadcast %ge3A_100 : i32 to vector<128x128xi32>
    %ge3A_102 = arith.cmpi sge, %iota3A, %ge3A_101 : vector<128x128xi32>
    %lt3A_103 = arith.constant 32 : i32
    %lt3A_104 = vector.broadcast %lt3A_103 : i32 to vector<128x128xi32>
    %lt3A_105 = arith.cmpi slt, %iota3A, %lt3A_104 : vector<128x128xi32>
    %and3A_106 = arith.andi %ge3A_102, %lt3A_105 : vector<128x128xi1>
    %select_n3A_107 = arith.select %and3A_106, %roll3A_77, %select_n3A_99 : vector<128x128xi1>, vector<128x128xf32>
    %swap3A_108 = arith.constant 0 : index
    %swap3A_109 = arith.constant 2 : index
    %swap3A_110 = arith.constant 0 : index
    %swap3A_111 = vector.load %arg3[%swap3A_108, %swap3A_109, %swap3A_110] : memref<128x8x128xf32, #tpu.memory_space<vmem>>, vector<128x1x128xf32>
    %swap3A_112 = vector.shape_cast %swap3A_111 : vector<128x1x128xf32> to vector<128x128xf32>
    %swap3A_113 = vector.shape_cast %select_n3A_107 : vector<128x128xf32> to vector<128x1x128xf32>
    tpu.vector_store %arg3[%swap3A_108, %swap3A_109, %swap3A_110], %swap3A_113 {strides = array<i32>} : memref<128x8x128xf32, #tpu.memory_space<vmem>>, vector<128x1x128xf32>,
    %roll3A_114 = arith.constant 80 : i32
    %roll3A_115 = tpu.dynamic_rotate %get3A_1 by %roll3A_114 dim 1 : vector<128x128xf32>, i32 -> vector<128x128xf32>
    %roll3A_116 = arith.constant 96 : i32
    %roll3A_117 = tpu.dynamic_rotate %get3A_4 by %roll3A_116 dim 1 : vector<128x128xf32>, i32 -> vector<128x128xf32>
    %eq3A_118 = arith.constant 0 : i32
    %eq3A_119 = vector.broadcast %eq3A_118 : i32 to vector<128x128xi32>
    %eq3A_120 = arith.cmpi eq, %iota3A, %eq3A_119 : vector<128x128xi32>
    %ge3A_121 = arith.constant 1 : i32
    %ge3A_122 = vector.broadcast %ge3A_121 : i32 to vector<128x128xi32>
    %ge3A_123 = arith.cmpi sge, %iota3A, %ge3A_122 : vector<128x128xi32>
    %le3A_124 = arith.constant 4 : i32
    %le3A_125 = vector.broadcast %le3A_124 : i32 to vector<128x128xi32>
    %le3A_126 = arith.cmpi sle, %iota3A, %le3A_125 : vector<128x128xi32>
    %and3A_127 = arith.andi %ge3A_123, %le3A_126 : vector<128x128xi1>
    %sub3A_128 = arith.constant 1.000000e+00 : f32
    %sub3A_129 = vector.broadcast %sub3A_128 : f32 to vector<128x128xf32>
    %sub3A_130 = arith.subf %convert_element_type3A, %sub3A_129 : vector<128x128xf32>
    %eq3A_131 = arith.cmpf oeq, %roll3A_115, %sub3A_130 : vector<128x128xf32>
    %convert_element_type3A_132 = arith.extui %eq3A_131 : vector<128x128xi1> to vector<128x128xi32>
    %convert_element_type3A_133 = arith.sitofp %convert_element_type3A_132 : vector<128x128xi32> to vector<128x128xf32>
    %jit3A_134 = arith.constant 0.000000e+00 : f32
    %broadcast_in_dim3A_135 = vector.broadcast %jit3A_134 : f32 to vector<128x128xf32>
    %select_n3A_136 = arith.select %and3A_127, %convert_element_type3A_133, %broadcast_in_dim3A_135 : vector<128x128xi1>, vector<128x128xf32>
    %jit3A_137 = arith.constant 1.000000e+00 : f32
    %broadcast_in_dim3A_138 = vector.broadcast %jit3A_137 : f32 to vector<128x128xf32>
    %select_n3A_139 = arith.select %eq3A_120, %broadcast_in_dim3A_138, %select_n3A_136 : vector<128x128xi1>, vector<128x128xf32>
    %ge3A_140 = arith.constant 16 : i32
    %ge3A_141 = vector.broadcast %ge3A_140 : i32 to vector<128x128xi32>
    %ge3A_142 = arith.cmpi sge, %iota3A, %ge3A_141 : vector<128x128xi32>
    %lt3A_143 = arith.constant 32 : i32
    %lt3A_144 = vector.broadcast %lt3A_143 : i32 to vector<128x128xi32>
    %lt3A_145 = arith.cmpi slt, %iota3A, %lt3A_144 : vector<128x128xi32>
    %and3A_146 = arith.andi %ge3A_142, %lt3A_145 : vector<128x128xi1>
    %select_n3A_147 = arith.select %and3A_146, %roll3A_117, %select_n3A_139 : vector<128x128xi1>, vector<128x128xf32>
    %swap3A_148 = arith.constant 0 : index
    %swap3A_149 = arith.constant 3 : index
    %swap3A_150 = arith.constant 0 : index
    %swap3A_151 = vector.load %arg3[%swap3A_148, %swap3A_149, %swap3A_150] : memref<128x8x128xf32, #tpu.memory_space<vmem>>, vector<128x1x128xf32>
    %swap3A_152 = vector.shape_cast %swap3A_151 : vector<128x1x128xf32> to vector<128x128xf32>
    %swap3A_153 = vector.shape_cast %select_n3A_147 : vector<128x128xf32> to vector<128x1x128xf32>
    tpu.vector_store %arg3[%swap3A_148, %swap3A_149, %swap3A_150], %swap3A_153 {strides = array<i32>} : memref<128x8x128xf32, #tpu.memory_space<vmem>>, vector<128x1x128xf32>,
    %roll3A_154 = arith.constant 64 : i32
    %roll3A_155 = tpu.dynamic_rotate %get3A_1 by %roll3A_154 dim 1 : vector<128x128xf32>, i32 -> vector<128x128xf32>
    %roll3A_156 = arith.constant 80 : i32
    %roll3A_157 = tpu.dynamic_rotate %get3A_4 by %roll3A_156 dim 1 : vector<128x128xf32>, i32 -> vector<128x128xf32>
    %eq3A_158 = arith.constant 0 : i32
    %eq3A_159 = vector.broadcast %eq3A_158 : i32 to vector<128x128xi32>
    %eq3A_160 = arith.cmpi eq, %iota3A, %eq3A_159 : vector<128x128xi32>
    %ge3A_161 = arith.constant 1 : i32
    %ge3A_162 = vector.broadcast %ge3A_161 : i32 to vector<128x128xi32>
    %ge3A_163 = arith.cmpi sge, %iota3A, %ge3A_162 : vector<128x128xi32>
    %le3A_164 = arith.constant 4 : i32
    %le3A_165 = vector.broadcast %le3A_164 : i32 to vector<128x128xi32>
    %le3A_166 = arith.cmpi sle, %iota3A, %le3A_165 : vector<128x128xi32>
    %and3A_167 = arith.andi %ge3A_163, %le3A_166 : vector<128x128xi1>
    %sub3A_168 = arith.constant 1.000000e+00 : f32
    %sub3A_169 = vector.broadcast %sub3A_168 : f32 to vector<128x128xf32>
    %sub3A_170 = arith.subf %convert_element_type3A, %sub3A_169 : vector<128x128xf32>
    %eq3A_171 = arith.cmpf oeq, %roll3A_155, %sub3A_170 : vector<128x128xf32>
    %convert_element_type3A_172 = arith.extui %eq3A_171 : vector<128x128xi1> to vector<128x128xi32>
    %convert_element_type3A_173 = arith.sitofp %convert_element_type3A_172 : vector<128x128xi32> to vector<128x128xf32>
    %jit3A_174 = arith.constant 0.000000e+00 : f32
    %broadcast_in_dim3A_175 = vector.broadcast %jit3A_174 : f32 to vector<128x128xf32>
    %select_n3A_176 = arith.select %and3A_167, %convert_element_type3A_173, %broadcast_in_dim3A_175 : vector<128x128xi1>, vector<128x128xf32>
    %jit3A_177 = arith.constant 1.000000e+00 : f32
    %broadcast_in_dim3A_178 = vector.broadcast %jit3A_177 : f32 to vector<128x128xf32>
    %select_n3A_179 = arith.select %eq3A_160, %broadcast_in_dim3A_178, %select_n3A_176 : vector<128x128xi1>, vector<128x128xf32>
    %ge3A_180 = arith.constant 16 : i32
    %ge3A_181 = vector.broadcast %ge3A_180 : i32 to vector<128x128xi32>
    %ge3A_182 = arith.cmpi sge, %iota3A, %ge3A_181 : vector<128x128xi32>
    %lt3A_183 = arith.constant 32 : i32
    %lt3A_184 = vector.broadcast %lt3A_183 : i32 to vector<128x128xi32>
    %lt3A_185 = arith.cmpi slt, %iota3A, %lt3A_184 : vector<128x128xi32>
    %and3A_186 = arith.andi %ge3A_182, %lt3A_185 : vector<128x128xi1>
    %select_n3A_187 = arith.select %and3A_186, %roll3A_157, %select_n3A_179 : vector<128x128xi1>, vector<128x128xf32>
    %swap3A_188 = arith.constant 0 : index
    %swap3A_189 = arith.constant 4 : index
    %swap3A_190 = arith.constant 0 : index
    %swap3A_191 = vector.load %arg3[%swap3A_188, %swap3A_189, %swap3A_190] : memref<128x8x128xf32, #tpu.memory_space<vmem>>, vector<128x1x128xf32>
    %swap3A_192 = vector.shape_cast %swap3A_191 : vector<128x1x128xf32> to vector<128x128xf32>
    %swap3A_193 = vector.shape_cast %select_n3A_187 : vector<128x128xf32> to vector<128x1x128xf32>
    tpu.vector_store %arg3[%swap3A_188, %swap3A_189, %swap3A_190], %swap3A_193 {strides = array<i32>} : memref<128x8x128xf32, #tpu.memory_space<vmem>>, vector<128x1x128xf32>,
    %roll3A_194 = arith.constant 48 : i32
    %roll3A_195 = tpu.dynamic_rotate %get3A_1 by %roll3A_194 dim 1 : vector<128x128xf32>, i32 -> vector<128x128xf32>
    %roll3A_196 = arith.constant 64 : i32
    %roll3A_197 = tpu.dynamic_rotate %get3A_4 by %roll3A_196 dim 1 : vector<128x128xf32>, i32 -> vector<128x128xf32>
    %eq3A_198 = arith.constant 0 : i32
    %eq3A_199 = vector.broadcast %eq3A_198 : i32 to vector<128x128xi32>
    %eq3A_200 = arith.cmpi eq, %iota3A, %eq3A_199 : vector<128x128xi32>
    %ge3A_201 = arith.constant 1 : i32
    %ge3A_202 = vector.broadcast %ge3A_201 : i32 to vector<128x128xi32>
    %ge3A_203 = arith.cmpi sge, %iota3A, %ge3A_202 : vector<128x128xi32>
    %le3A_204 = arith.constant 4 : i32
    %le3A_205 = vector.broadcast %le3A_204 : i32 to vector<128x128xi32>
    %le3A_206 = arith.cmpi sle, %iota3A, %le3A_205 : vector<128x128xi32>
    %and3A_207 = arith.andi %ge3A_203, %le3A_206 : vector<128x128xi1>
    %sub3A_208 = arith.constant 1.000000e+00 : f32
    %sub3A_209 = vector.broadcast %sub3A_208 : f32 to vector<128x128xf32>
    %sub3A_210 = arith.subf %convert_element_type3A, %sub3A_209 : vector<128x128xf32>
    %eq3A_211 = arith.cmpf oeq, %roll3A_195, %sub3A_210 : vector<128x128xf32>
    %convert_element_type3A_212 = arith.extui %eq3A_211 : vector<128x128xi1> to vector<128x128xi32>
    %convert_element_type3A_213 = arith.sitofp %convert_element_type3A_212 : vector<128x128xi32> to vector<128x128xf32>
    %jit3A_214 = arith.constant 0.000000e+00 : f32
    %broadcast_in_dim3A_215 = vector.broadcast %jit3A_214 : f32 to vector<128x128xf32>
    %select_n3A_216 = arith.select %and3A_207, %convert_element_type3A_213, %broadcast_in_dim3A_215 : vector<128x128xi1>, vector<128x128xf32>
    %jit3A_217 = arith.constant 1.000000e+00 : f32
    %broadcast_in_dim3A_218 = vector.broadcast %jit3A_217 : f32 to vector<128x128xf32>
    %select_n3A_219 = arith.select %eq3A_200, %broadcast_in_dim3A_218, %select_n3A_216 : vector<128x128xi1>, vector<128x128xf32>
    %ge3A_220 = arith.constant 16 : i32
    %ge3A_221 = vector.broadcast %ge3A_220 : i32 to vector<128x128xi32>
    %ge3A_222 = arith.cmpi sge, %iota3A, %ge3A_221 : vector<128x128xi32>
    %lt3A_223 = arith.constant 32 : i32
    %lt3A_224 = vector.broadcast %lt3A_223 : i32 to vector<128x128xi32>
    %lt3A_225 = arith.cmpi slt, %iota3A, %lt3A_224 : vector<128x128xi32>
    %and3A_226 = arith.andi %ge3A_222, %lt3A_225 : vector<128x128xi1>
    %select_n3A_227 = arith.select %and3A_226, %roll3A_197, %select_n3A_219 : vector<128x128xi1>, vector<128x128xf32>
    %swap3A_228 = arith.constant 0 : index
    %swap3A_229 = arith.constant 5 : index
    %swap3A_230 = arith.constant 0 : index
    %swap3A_231 = vector.load %arg3[%swap3A_228, %swap3A_229, %swap3A_230] : memref<128x8x128xf32, #tpu.memory_space<vmem>>, vector<128x1x128xf32>
    %swap3A_232 = vector.shape_cast %swap3A_231 : vector<128x1x128xf32> to vector<128x128xf32>
    %swap3A_233 = vector.shape_cast %select_n3A_227 : vector<128x128xf32> to vector<128x1x128xf32>
    tpu.vector_store %arg3[%swap3A_228, %swap3A_229, %swap3A_230], %swap3A_233 {strides = array<i32>} : memref<128x8x128xf32, #tpu.memory_space<vmem>>, vector<128x1x128xf32>,
    %roll3A_234 = arith.constant 32 : i32
    %roll3A_235 = tpu.dynamic_rotate %get3A_1 by %roll3A_234 dim 1 : vector<128x128xf32>, i32 -> vector<128x128xf32>
    %roll3A_236 = arith.constant 48 : i32
    %roll3A_237 = tpu.dynamic_rotate %get3A_4 by %roll3A_236 dim 1 : vector<128x128xf32>, i32 -> vector<128x128xf32>
    %eq3A_238 = arith.constant 0 : i32
    %eq3A_239 = vector.broadcast %eq3A_238 : i32 to vector<128x128xi32>
    %eq3A_240 = arith.cmpi eq, %iota3A, %eq3A_239 : vector<128x128xi32>
    %ge3A_241 = arith.constant 1 : i32
    %ge3A_242 = vector.broadcast %ge3A_241 : i32 to vector<128x128xi32>
    %ge3A_243 = arith.cmpi sge, %iota3A, %ge3A_242 : vector<128x128xi32>
    %le3A_244 = arith.constant 4 : i32
    %le3A_245 = vector.broadcast %le3A_244 : i32 to vector<128x128xi32>
    %le3A_246 = arith.cmpi sle, %iota3A, %le3A_245 : vector<128x128xi32>
    %and3A_247 = arith.andi %ge3A_243, %le3A_246 : vector<128x128xi1>
    %sub3A_248 = arith.constant 1.000000e+00 : f32
    %sub3A_249 = vector.broadcast %sub3A_248 : f32 to vector<128x128xf32>
    %sub3A_250 = arith.subf %convert_element_type3A, %sub3A_249 : vector<128x128xf32>
    %eq3A_251 = arith.cmpf oeq, %roll3A_235, %sub3A_250 : vector<128x128xf32>
    %convert_element_type3A_252 = arith.extui %eq3A_251 : vector<128x128xi1> to vector<128x128xi32>
    %convert_element_type3A_253 = arith.sitofp %convert_element_type3A_252 : vector<128x128xi32> to vector<128x128xf32>
    %jit3A_254 = arith.constant 0.000000e+00 : f32
    %broadcast_in_dim3A_255 = vector.broadcast %jit3A_254 : f32 to vector<128x128xf32>
    %select_n3A_256 = arith.select %and3A_247, %convert_element_type3A_253, %broadcast_in_dim3A_255 : vector<128x128xi1>, vector<128x128xf32>
    %jit3A_257 = arith.constant 1.000000e+00 : f32
    %broadcast_in_dim3A_258 = vector.broadcast %jit3A_257 : f32 to vector<128x128xf32>
    %select_n3A_259 = arith.select %eq3A_240, %broadcast_in_dim3A_258, %select_n3A_256 : vector<128x128xi1>, vector<128x128xf32>
    %ge3A_260 = arith.constant 16 : i32
    %ge3A_261 = vector.broadcast %ge3A_260 : i32 to vector<128x128xi32>
    %ge3A_262 = arith.cmpi sge, %iota3A, %ge3A_261 : vector<128x128xi32>
    %lt3A_263 = arith.constant 32 : i32
    %lt3A_264 = vector.broadcast %lt3A_263 : i32 to vector<128x128xi32>
    %lt3A_265 = arith.cmpi slt, %iota3A, %lt3A_264 : vector<128x128xi32>
    %and3A_266 = arith.andi %ge3A_262, %lt3A_265 : vector<128x128xi1>
    %select_n3A_267 = arith.select %and3A_266, %roll3A_237, %select_n3A_259 : vector<128x128xi1>, vector<128x128xf32>
    %swap3A_268 = arith.constant 0 : index
    %swap3A_269 = arith.constant 6 : index
    %swap3A_270 = arith.constant 0 : index
    %swap3A_271 = vector.load %arg3[%swap3A_268, %swap3A_269, %swap3A_270] : memref<128x8x128xf32, #tpu.memory_space<vmem>>, vector<128x1x128xf32>
    %swap3A_272 = vector.shape_cast %swap3A_271 : vector<128x1x128xf32> to vector<128x128xf32>
    %swap3A_273 = vector.shape_cast %select_n3A_267 : vector<128x128xf32> to vector<128x1x128xf32>
    tpu.vector_store %arg3[%swap3A_268, %swap3A_269, %swap3A_270], %swap3A_273 {strides = array<i32>} : memref<128x8x128xf32, #tpu.memory_space<vmem>>, vector<128x1x128xf32>,
    %roll3A_274 = arith.constant 16 : i32
    %roll3A_275 = tpu.dynamic_rotate %get3A_1 by %roll3A_274 dim 1 : vector<128x128xf32>, i32 -> vector<128x128xf32>
    %roll3A_276 = arith.constant 32 : i32
    %roll3A_277 = tpu.dynamic_rotate %get3A_4 by %roll3A_276 dim 1 : vector<128x128xf32>, i32 -> vector<128x128xf32>
    %eq3A_278 = arith.constant 0 : i32
    %eq3A_279 = vector.broadcast %eq3A_278 : i32 to vector<128x128xi32>
    %eq3A_280 = arith.cmpi eq, %iota3A, %eq3A_279 : vector<128x128xi32>
    %ge3A_281 = arith.constant 1 : i32
    %ge3A_282 = vector.broadcast %ge3A_281 : i32 to vector<128x128xi32>
    %ge3A_283 = arith.cmpi sge, %iota3A, %ge3A_282 : vector<128x128xi32>
    %le3A_284 = arith.constant 4 : i32
    %le3A_285 = vector.broadcast %le3A_284 : i32 to vector<128x128xi32>
    %le3A_286 = arith.cmpi sle, %iota3A, %le3A_285 : vector<128x128xi32>
    %and3A_287 = arith.andi %ge3A_283, %le3A_286 : vector<128x128xi1>
    %sub3A_288 = arith.constant 1.000000e+00 : f32
    %sub3A_289 = vector.broadcast %sub3A_288 : f32 to vector<128x128xf32>
    %sub3A_290 = arith.subf %convert_element_type3A, %sub3A_289 : vector<128x128xf32>
    %eq3A_291 = arith.cmpf oeq, %roll3A_275, %sub3A_290 : vector<128x128xf32>
    %convert_element_type3A_292 = arith.extui %eq3A_291 : vector<128x128xi1> to vector<128x128xi32>
    %convert_element_type3A_293 = arith.sitofp %convert_element_type3A_292 : vector<128x128xi32> to vector<128x128xf32>
    %jit3A_294 = arith.constant 0.000000e+00 : f32
    %broadcast_in_dim3A_295 = vector.broadcast %jit3A_294 : f32 to vector<128x128xf32>
    %select_n3A_296 = arith.select %and3A_287, %convert_element_type3A_293, %broadcast_in_dim3A_295 : vector<128x128xi1>, vector<128x128xf32>
    %jit3A_297 = arith.constant 1.000000e+00 : f32
    %broadcast_in_dim3A_298 = vector.broadcast %jit3A_297 : f32 to vector<128x128xf32>
    %select_n3A_299 = arith.select %eq3A_280, %broadcast_in_dim3A_298, %select_n3A_296 : vector<128x128xi1>, vector<128x128xf32>
    %ge3A_300 = arith.constant 16 : i32
    %ge3A_301 = vector.broadcast %ge3A_300 : i32 to vector<128x128xi32>
    %ge3A_302 = arith.cmpi sge, %iota3A, %ge3A_301 : vector<128x128xi32>
    %lt3A_303 = arith.constant 32 : i32
    %lt3A_304 = vector.broadcast %lt3A_303 : i32 to vector<128x128xi32>
    %lt3A_305 = arith.cmpi slt, %iota3A, %lt3A_304 : vector<128x128xi32>
    %and3A_306 = arith.andi %ge3A_302, %lt3A_305 : vector<128x128xi1>
    %select_n3A_307 = arith.select %and3A_306, %roll3A_277, %select_n3A_299 : vector<128x128xi1>, vector<128x128xf32>
    %swap3A_308 = arith.constant 0 : index
    %swap3A_309 = arith.constant 7 : index
    %swap3A_310 = arith.constant 0 : index
    %swap3A_311 = vector.load %arg3[%swap3A_308, %swap3A_309, %swap3A_310] : memref<128x8x128xf32, #tpu.memory_space<vmem>>, vector<128x1x128xf32>
    %swap3A_312 = vector.shape_cast %swap3A_311 : vector<128x1x128xf32> to vector<128x128xf32>
    %swap3A_313 = vector.shape_cast %select_n3A_307 : vector<128x128xf32> to vector<128x1x128xf32>
    tpu.vector_store %arg3[%swap3A_308, %swap3A_309, %swap3A_310], %swap3A_313 {strides = array<i32>} : memref<128x8x128xf32, #tpu.memory_space<vmem>>, vector<128x1x128xf32>,
    return
  }
  func.func @transform_0(%arg0: i32) -> (i32, i32) {
    %c0_i32 = arith.constant 0 : i32
    %c0_i32_0 = arith.constant 0 : i32
    return %arg0, %c0_i32 : i32, i32
  }
  func.func @transform_1(%arg0: i32) -> (i32, i32) {
    %c0_i32 = arith.constant 0 : i32
    %c0_i32_0 = arith.constant 0 : i32
    return %arg0, %c0_i32 : i32, i32
  }
  func.func @transform_2(%arg0: i32) -> (i32, i32, i32) {
    %c0_i32 = arith.constant 0 : i32
    %c0_i32_0 = arith.constant 0 : i32
    %c0_i32_1 = arith.constant 0 : i32
    return %arg0, %c0_i32, %c0_i32_0 : i32, i32, i32
  }
}

module attributes {stable_mosaic.version = 14 : i64} {
  func.func @_prep_body(%arg0: memref<16x64xf32, #tpu.memory_space<vmem>>, %arg1: memref<144x128xf32, #tpu.memory_space<vmem>>, %arg2: memref<128x128xf32, #tpu.memory_space<vmem>>, %arg3: memref<4x128xf32, #tpu.memory_space<vmem>>, %arg4: memref<1x128xf32, #tpu.memory_space<vmem>>, %arg5: memref<64x128xf32, #tpu.memory_space<vmem>>, %arg6: memref<144x128xf32, #tpu.memory_space<vmem>>, %arg7: memref<128x128xf32, #tpu.memory_space<vmem>>, %arg8: memref<4x128xf32, #tpu.memory_space<vmem>>, %arg9: memref<1x128xf32, #tpu.memory_space<vmem>>, %arg10: memref<64x128xf32, #tpu.memory_space<vmem>>, %arg11: memref<128x128xf32, #tpu.memory_space<vmem>>, %arg12: memref<48x128xf32, #tpu.memory_space<vmem>>, %arg13: memref<128x128xf32, #tpu.memory_space<vmem>>, %arg14: memref<48x128xf32, #tpu.memory_space<vmem>>) attributes {dimension_semantics = [], scalar_prefetch = 0 : i64, scratch_operands = 0 : i64, tpu.core_type = #tpu.core_type<tc>} {
    %get3A = arith.constant 0 : index
    %get3A_0 = arith.constant 0 : index
    %get3A_1 = vector.load %arg1[%get3A, %get3A_0] : memref<144x128xf32, #tpu.memory_space<vmem>>, vector<128x128xf32>
    %get3A_2 = arith.constant 0 : index
    %get3A_3 = arith.constant 0 : index
    %get3A_4 = vector.load %arg2[%get3A_2, %get3A_3] : memref<128x128xf32, #tpu.memory_space<vmem>>, vector<128x128xf32>
    %dot_general3A = arith.constant dense<0.000000e+00> : vector<128x128xf32>
    %dot_general3A_5 = tpu.matmul %get3A_1, %get3A_4, %dot_general3A {dimension_numbers = #tpu.dot_dimension_numbers<[1], [0], [0], [1], [0, 0, 1, 1], [], []>, precision = #tpu.contract_precision<fp32>, transpose_lhs_hint = false} : vector<128x128xf32>, vector<128x128xf32>, vector<128x128xf32> -> vector<128x128xf32>
    %swap3A = arith.constant 0 : index
    %swap3A_6 = arith.constant 0 : index
    %swap3A_7 = vector.load %arg11[%swap3A, %swap3A_6] : memref<128x128xf32, #tpu.memory_space<vmem>>, vector<128x128xf32>
    tpu.vector_store %arg11[%swap3A, %swap3A_6], %dot_general3A_5 {strides = array<i32>} : memref<128x128xf32, #tpu.memory_space<vmem>>, vector<128x128xf32>,
    %get3A_8 = arith.constant 0 : index
    %get3A_9 = arith.constant 0 : index
    %get3A_10 = vector.load %arg4[%get3A_8, %get3A_9] : memref<1x128xf32, #tpu.memory_space<vmem>>, vector<1x128xf32>
    %get3A_11 = arith.constant 0 : index
    %get3A_12 = arith.constant 0 : index
    %get3A_13 = vector.load %arg2[%get3A_11, %get3A_12] : memref<128x128xf32, #tpu.memory_space<vmem>>, vector<128x128xf32>
    %dot_general3A_14 = arith.constant dense<0.000000e+00> : vector<1x128xf32>
    %dot_general3A_15 = tpu.matmul %get3A_10, %get3A_13, %dot_general3A_14 {dimension_numbers = #tpu.dot_dimension_numbers<[1], [0], [0], [1], [0, 0, 1, 1], [], []>, precision = #tpu.contract_precision<fp32>, transpose_lhs_hint = false} : vector<1x128xf32>, vector<128x128xf32>, vector<1x128xf32> -> vector<1x128xf32>
    %get3A_16 = arith.constant 0 : index
    %get3A_17 = arith.constant 0 : index
    %get3A_18 = vector.load %arg3[%get3A_16, %get3A_17] : memref<4x128xf32, #tpu.memory_space<vmem>>, vector<4x128xf32>
    %get3A_19 = arith.constant 0 : index
    %get3A_20 = arith.constant 0 : index
    %get3A_21 = vector.load %arg2[%get3A_19, %get3A_20] : memref<128x128xf32, #tpu.memory_space<vmem>>, vector<128x128xf32>
    %dot_general3A_22 = arith.constant dense<0.000000e+00> : vector<4x128xf32>
    %dot_general3A_23 = tpu.matmul %get3A_18, %get3A_21, %dot_general3A_22 {dimension_numbers = #tpu.dot_dimension_numbers<[1], [0], [0], [1], [0, 0, 1, 1], [], []>, precision = #tpu.contract_precision<fp32>, transpose_lhs_hint = false} : vector<4x128xf32>, vector<128x128xf32>, vector<4x128xf32> -> vector<4x128xf32>
    %broadcast_in_dim3A = arith.constant 0.000000e+00 : f32
    %broadcast_in_dim3A_24 = vector.broadcast %broadcast_in_dim3A : f32 to vector<11x128xf32>
    %get3A_25 = arith.constant 128 : index
    %get3A_26 = arith.constant 0 : index
    %get3A_27 = vector.load %arg1[%get3A_25, %get3A_26] : memref<144x128xf32, #tpu.memory_space<vmem>>, vector<16x128xf32>
    %get3A_28 = arith.constant 0 : index
    %get3A_29 = arith.constant 0 : index
    %get3A_30 = vector.load %arg2[%get3A_28, %get3A_29] : memref<128x128xf32, #tpu.memory_space<vmem>>, vector<128x128xf32>
    %dot_general3A_31 = arith.constant dense<0.000000e+00> : vector<16x128xf32>
    %dot_general3A_32 = tpu.matmul %get3A_27, %get3A_30, %dot_general3A_31 {dimension_numbers = #tpu.dot_dimension_numbers<[1], [0], [0], [1], [0, 0, 1, 1], [], []>, precision = #tpu.contract_precision<fp32>, transpose_lhs_hint = false} : vector<16x128xf32>, vector<128x128xf32>, vector<16x128xf32> -> vector<16x128xf32>
    %get3A_33 = arith.constant 0 : index
    %get3A_34 = arith.constant 0 : index
    %get3A_35 = vector.load %arg0[%get3A_33, %get3A_34] : memref<16x64xf32, #tpu.memory_space<vmem>>, vector<16x64xf32>
    %get3A_36 = arith.constant 0 : index
    %get3A_37 = arith.constant 0 : index
    %get3A_38 = vector.load %arg5[%get3A_36, %get3A_37] : memref<64x128xf32, #tpu.memory_space<vmem>>, vector<64x128xf32>
    %dot_general3A_39 = arith.constant dense<0.000000e+00> : vector<16x128xf32>
    %dot_general3A_40 = tpu.matmul %get3A_35, %get3A_38, %dot_general3A_39 {dimension_numbers = #tpu.dot_dimension_numbers<[1], [0], [0], [1], [0, 0, 1, 1], [], []>, precision = #tpu.contract_precision<fp32>, transpose_lhs_hint = false} : vector<16x64xf32>, vector<64x128xf32>, vector<16x128xf32> -> vector<16x128xf32>
    %concatenate3A = tpu.concatenate %dot_general3A_15, %dot_general3A_23, %broadcast_in_dim3A_24, %dot_general3A_32, %dot_general3A_40 in 0 : vector<1x128xf32>, vector<4x128xf32>, vector<11x128xf32>, vector<16x128xf32>, vector<16x128xf32> -> vector<48x128xf32>
    %swap3A_41 = arith.constant 0 : index
    %swap3A_42 = arith.constant 0 : index
    %swap3A_43 = vector.load %arg12[%swap3A_41, %swap3A_42] : memref<48x128xf32, #tpu.memory_space<vmem>>, vector<48x128xf32>
    tpu.vector_store %arg12[%swap3A_41, %swap3A_42], %concatenate3A {strides = array<i32>} : memref<48x128xf32, #tpu.memory_space<vmem>>, vector<48x128xf32>,
    %get3A_44 = arith.constant 0 : index
    %get3A_45 = arith.constant 0 : index
    %get3A_46 = vector.load %arg6[%get3A_44, %get3A_45] : memref<144x128xf32, #tpu.memory_space<vmem>>, vector<128x128xf32>
    %get3A_47 = arith.constant 0 : index
    %get3A_48 = arith.constant 0 : index
    %get3A_49 = vector.load %arg7[%get3A_47, %get3A_48] : memref<128x128xf32, #tpu.memory_space<vmem>>, vector<128x128xf32>
    %dot_general3A_50 = arith.constant dense<0.000000e+00> : vector<128x128xf32>
    %dot_general3A_51 = tpu.matmul %get3A_46, %get3A_49, %dot_general3A_50 {dimension_numbers = #tpu.dot_dimension_numbers<[1], [0], [0], [1], [0, 0, 1, 1], [], []>, precision = #tpu.contract_precision<fp32>, transpose_lhs_hint = false} : vector<128x128xf32>, vector<128x128xf32>, vector<128x128xf32> -> vector<128x128xf32>
    %swap3A_52 = arith.constant 0 : index
    %swap3A_53 = arith.constant 0 : index
    %swap3A_54 = vector.load %arg13[%swap3A_52, %swap3A_53] : memref<128x128xf32, #tpu.memory_space<vmem>>, vector<128x128xf32>
    tpu.vector_store %arg13[%swap3A_52, %swap3A_53], %dot_general3A_51 {strides = array<i32>} : memref<128x128xf32, #tpu.memory_space<vmem>>, vector<128x128xf32>,
    %get3A_55 = arith.constant 0 : index
    %get3A_56 = arith.constant 0 : index
    %get3A_57 = vector.load %arg9[%get3A_55, %get3A_56] : memref<1x128xf32, #tpu.memory_space<vmem>>, vector<1x128xf32>
    %get3A_58 = arith.constant 0 : index
    %get3A_59 = arith.constant 0 : index
    %get3A_60 = vector.load %arg7[%get3A_58, %get3A_59] : memref<128x128xf32, #tpu.memory_space<vmem>>, vector<128x128xf32>
    %dot_general3A_61 = arith.constant dense<0.000000e+00> : vector<1x128xf32>
    %dot_general3A_62 = tpu.matmul %get3A_57, %get3A_60, %dot_general3A_61 {dimension_numbers = #tpu.dot_dimension_numbers<[1], [0], [0], [1], [0, 0, 1, 1], [], []>, precision = #tpu.contract_precision<fp32>, transpose_lhs_hint = false} : vector<1x128xf32>, vector<128x128xf32>, vector<1x128xf32> -> vector<1x128xf32>
    %get3A_63 = arith.constant 0 : index
    %get3A_64 = arith.constant 0 : index
    %get3A_65 = vector.load %arg8[%get3A_63, %get3A_64] : memref<4x128xf32, #tpu.memory_space<vmem>>, vector<4x128xf32>
    %get3A_66 = arith.constant 0 : index
    %get3A_67 = arith.constant 0 : index
    %get3A_68 = vector.load %arg7[%get3A_66, %get3A_67] : memref<128x128xf32, #tpu.memory_space<vmem>>, vector<128x128xf32>
    %dot_general3A_69 = arith.constant dense<0.000000e+00> : vector<4x128xf32>
    %dot_general3A_70 = tpu.matmul %get3A_65, %get3A_68, %dot_general3A_69 {dimension_numbers = #tpu.dot_dimension_numbers<[1], [0], [0], [1], [0, 0, 1, 1], [], []>, precision = #tpu.contract_precision<fp32>, transpose_lhs_hint = false} : vector<4x128xf32>, vector<128x128xf32>, vector<4x128xf32> -> vector<4x128xf32>
    %broadcast_in_dim3A_71 = arith.constant 0.000000e+00 : f32
    %broadcast_in_dim3A_72 = vector.broadcast %broadcast_in_dim3A_71 : f32 to vector<11x128xf32>
    %get3A_73 = arith.constant 128 : index
    %get3A_74 = arith.constant 0 : index
    %get3A_75 = vector.load %arg6[%get3A_73, %get3A_74] : memref<144x128xf32, #tpu.memory_space<vmem>>, vector<16x128xf32>
    %get3A_76 = arith.constant 0 : index
    %get3A_77 = arith.constant 0 : index
    %get3A_78 = vector.load %arg7[%get3A_76, %get3A_77] : memref<128x128xf32, #tpu.memory_space<vmem>>, vector<128x128xf32>
    %dot_general3A_79 = arith.constant dense<0.000000e+00> : vector<16x128xf32>
    %dot_general3A_80 = tpu.matmul %get3A_75, %get3A_78, %dot_general3A_79 {dimension_numbers = #tpu.dot_dimension_numbers<[1], [0], [0], [1], [0, 0, 1, 1], [], []>, precision = #tpu.contract_precision<fp32>, transpose_lhs_hint = false} : vector<16x128xf32>, vector<128x128xf32>, vector<16x128xf32> -> vector<16x128xf32>
    %get3A_81 = arith.constant 0 : index
    %get3A_82 = arith.constant 0 : index
    %get3A_83 = vector.load %arg0[%get3A_81, %get3A_82] : memref<16x64xf32, #tpu.memory_space<vmem>>, vector<16x64xf32>
    %get3A_84 = arith.constant 0 : index
    %get3A_85 = arith.constant 0 : index
    %get3A_86 = vector.load %arg10[%get3A_84, %get3A_85] : memref<64x128xf32, #tpu.memory_space<vmem>>, vector<64x128xf32>
    %dot_general3A_87 = arith.constant dense<0.000000e+00> : vector<16x128xf32>
    %dot_general3A_88 = tpu.matmul %get3A_83, %get3A_86, %dot_general3A_87 {dimension_numbers = #tpu.dot_dimension_numbers<[1], [0], [0], [1], [0, 0, 1, 1], [], []>, precision = #tpu.contract_precision<fp32>, transpose_lhs_hint = false} : vector<16x64xf32>, vector<64x128xf32>, vector<16x128xf32> -> vector<16x128xf32>
    %concatenate3A_89 = tpu.concatenate %dot_general3A_62, %dot_general3A_70, %broadcast_in_dim3A_72, %dot_general3A_80, %dot_general3A_88 in 0 : vector<1x128xf32>, vector<4x128xf32>, vector<11x128xf32>, vector<16x128xf32>, vector<16x128xf32> -> vector<48x128xf32>
    %swap3A_90 = arith.constant 0 : index
    %swap3A_91 = arith.constant 0 : index
    %swap3A_92 = vector.load %arg14[%swap3A_90, %swap3A_91] : memref<48x128xf32, #tpu.memory_space<vmem>>, vector<48x128xf32>
    tpu.vector_store %arg14[%swap3A_90, %swap3A_91], %concatenate3A_89 {strides = array<i32>} : memref<48x128xf32, #tpu.memory_space<vmem>>, vector<48x128xf32>,
    return
  }
}

module attributes {stable_mosaic.version = 14 : i64} {
  func.func @_node_body(%arg0: i32, %arg1: memref<128x128xf32, #tpu.memory_space<vmem>>, %arg2: memref<2x128x128xf32, #tpu.memory_space<vmem>>, %arg3: memref<2x128x128xf32, #tpu.memory_space<vmem>>, %arg4: memref<128x1xi32, #tpu.memory_space<vmem>>, %arg5: memref<128x128xf32, #tpu.memory_space<vmem>>, %arg6: memref<128x128xf32, #tpu.memory_space<vmem>>, %arg7: memref<48x128xf32, #tpu.memory_space<vmem>>, %arg8: memref<1x128xf32, #tpu.memory_space<vmem>>, %arg9: memref<128x128xf32, #tpu.memory_space<vmem>>, %arg10: memref<2x128x128xf32, #tpu.memory_space<vmem>>) attributes {dimension_semantics = [#tpu.dimension_semantics<arbitrary>], iteration_bounds = array<i64: 79>, scalar_prefetch = 0 : i64, scratch_operands = 0 : i64, tpu.core_type = #tpu.core_type<tc>, window_params = [{transform_indices = @transform_0, window_bounds = array<i64: 128, 128>}, {transform_indices = @transform_1, window_bounds = array<i64: 2, 128, 128>}, {transform_indices = @transform_2, window_bounds = array<i64: 2, 128, 128>}, {transform_indices = @transform_3, window_bounds = array<i64: 128, 1>}, {pipeline_mode = #tpu.pipeline_mode<synchronous>, transform_indices = @transform_4, window_bounds = array<i64: 128, 128>}, {pipeline_mode = #tpu.pipeline_mode<synchronous>, transform_indices = @transform_5, window_bounds = array<i64: 128, 128>}, {pipeline_mode = #tpu.pipeline_mode<synchronous>, transform_indices = @transform_6, window_bounds = array<i64: 48, 128>}, {pipeline_mode = #tpu.pipeline_mode<synchronous>, transform_indices = @transform_7, window_bounds = array<i64: 1, 128>}, {transform_indices = @transform_8, window_bounds = array<i64: 128, 128>}, {transform_indices = @transform_9, window_bounds = array<i64: 2, 128, 128>}]} {
    %get3A = arith.constant 0 : index
    %get3A_0 = arith.constant 0 : index
    %get3A_1 = arith.constant 0 : index
    %get3A_2 = vector.load %arg2[%get3A, %get3A_0, %get3A_1] : memref<2x128x128xf32, #tpu.memory_space<vmem>>, vector<1x128x128xf32>
    %get3A_3 = vector.shape_cast %get3A_2 : vector<1x128x128xf32> to vector<128x128xf32>
    %get3A_4 = arith.constant 1 : index
    %get3A_5 = arith.constant 0 : index
    %get3A_6 = arith.constant 0 : index
    %get3A_7 = vector.load %arg2[%get3A_4, %get3A_5, %get3A_6] : memref<2x128x128xf32, #tpu.memory_space<vmem>>, vector<1x128x128xf32>
    %get3A_8 = vector.shape_cast %get3A_7 : vector<1x128x128xf32> to vector<128x128xf32>
    %add3A = arith.addf %get3A_3, %get3A_8 : vector<128x128xf32>
    %get3A_9 = arith.constant 0 : index
    %get3A_10 = arith.constant 0 : index
    %get3A_11 = arith.constant 0 : index
    %get3A_12 = vector.load %arg3[%get3A_9, %get3A_10, %get3A_11] : memref<2x128x128xf32, #tpu.memory_space<vmem>>, vector<1x128x128xf32>
    %get3A_13 = vector.shape_cast %get3A_12 : vector<1x128x128xf32> to vector<128x128xf32>
    %get3A_14 = arith.constant 1 : index
    %get3A_15 = arith.constant 0 : index
    %get3A_16 = arith.constant 0 : index
    %get3A_17 = vector.load %arg3[%get3A_14, %get3A_15, %get3A_16] : memref<2x128x128xf32, #tpu.memory_space<vmem>>, vector<1x128x128xf32>
    %get3A_18 = vector.shape_cast %get3A_17 : vector<1x128x128xf32> to vector<128x128xf32>
    %add3A_19 = arith.addf %get3A_13, %get3A_18 : vector<128x128xf32>
    %get3A_20 = arith.constant 0 : index
    %get3A_21 = arith.constant 0 : index
    %get3A_22 = vector.load %arg4[%get3A_20, %get3A_21] : memref<128x1xi32, #tpu.memory_space<vmem>>, vector<128x1xi32>
    %iota3A = tpu.iota {dimensions = array<i32: 1>} : vector<128x16xi32>
    %eq3A = vector.broadcast %get3A_22 : vector<128x1xi32> to vector<128x16xi32>
    %eq3A_23 = arith.cmpi eq, %eq3A, %iota3A : vector<128x16xi32>
    %slice3A = vector.extract_strided_slice %add3A_19 {offsets = [0, 0], sizes = [128, 32], strides = [1, 1]} : vector<128x128xf32> to vector<128x32xf32>
    %convert_element_type3A = arith.extui %eq3A_23 : vector<128x16xi1> to vector<128x16xi32>
    %convert_element_type3A_24 = arith.sitofp %convert_element_type3A : vector<128x16xi32> to vector<128x16xf32>
    %concatenate3A = tpu.concatenate %slice3A, %convert_element_type3A_24 in 1 : vector<128x32xf32>, vector<128x16xf32> -> vector<128x48xf32>
    %get3A_25 = arith.constant 0 : index
    %get3A_26 = arith.constant 0 : index
    %get3A_27 = vector.load %arg1[%get3A_25, %get3A_26] : memref<128x128xf32, #tpu.memory_space<vmem>>, vector<128x128xf32>
    %get3A_28 = arith.constant 0 : index
    %get3A_29 = arith.constant 0 : index
    %get3A_30 = vector.load %arg5[%get3A_28, %get3A_29] : memref<128x128xf32, #tpu.memory_space<vmem>>, vector<128x128xf32>
    %dot_general3A = arith.constant dense<0.000000e+00> : vector<128x128xf32>
    %dot_general3A_31 = tpu.matmul %get3A_27, %get3A_30, %dot_general3A {dimension_numbers = #tpu.dot_dimension_numbers<[1], [0], [0], [1], [0, 0, 1, 1], [], []>, precision = #tpu.contract_precision<fp32>, transpose_lhs_hint = false} : vector<128x128xf32>, vector<128x128xf32>, vector<128x128xf32> -> vector<128x128xf32>
    %get3A_32 = arith.constant 0 : index
    %get3A_33 = arith.constant 0 : index
    %get3A_34 = vector.load %arg6[%get3A_32, %get3A_33] : memref<128x128xf32, #tpu.memory_space<vmem>>, vector<128x128xf32>
    %dot_general3A_35 = arith.constant dense<0.000000e+00> : vector<128x128xf32>
    %dot_general3A_36 = tpu.matmul %add3A, %get3A_34, %dot_general3A_35 {dimension_numbers = #tpu.dot_dimension_numbers<[1], [0], [0], [1], [0, 0, 1, 1], [], []>, precision = #tpu.contract_precision<fp32>, transpose_lhs_hint = false} : vector<128x128xf32>, vector<128x128xf32>, vector<128x128xf32> -> vector<128x128xf32>
    %add3A_37 = arith.addf %dot_general3A_31, %dot_general3A_36 : vector<128x128xf32>
    %get3A_38 = arith.constant 0 : index
    %get3A_39 = arith.constant 0 : index
    %get3A_40 = vector.load %arg7[%get3A_38, %get3A_39] : memref<48x128xf32, #tpu.memory_space<vmem>>, vector<48x128xf32>
    %dot_general3A_41 = arith.constant dense<0.000000e+00> : vector<128x128xf32>
    %dot_general3A_42 = tpu.matmul %concatenate3A, %get3A_40, %dot_general3A_41 {dimension_numbers = #tpu.dot_dimension_numbers<[1], [0], [0], [1], [0, 0, 1, 1], [], []>, precision = #tpu.contract_precision<fp32>, transpose_lhs_hint = false} : vector<128x48xf32>, vector<48x128xf32>, vector<128x128xf32> -> vector<128x128xf32>
    %add3A_43 = arith.addf %add3A_37, %dot_general3A_42 : vector<128x128xf32>
    %get3A_44 = arith.constant 0 : index
    %get3A_45 = arith.constant 0 : index
    %get3A_46 = vector.load %arg8[%get3A_44, %get3A_45] : memref<1x128xf32, #tpu.memory_space<vmem>>, vector<1x128xf32>
    %add3A_47 = vector.broadcast %get3A_46 : vector<1x128xf32> to vector<128x128xf32>
    %add3A_48 = arith.addf %add3A_43, %add3A_47 : vector<128x128xf32>
    %max3A = arith.constant 0.000000e+00 : f32
    %max3A_49 = vector.broadcast %max3A : f32 to vector<128x128xf32>
    %max3A_50 = arith.maximumf %add3A_48, %max3A_49 : vector<128x128xf32>
    %broadcast_in_dim3A = vector.shape_cast %max3A_50 : vector<128x128xf32> to vector<1x128x128xf32>
    %broadcast_in_dim3A_51 = vector.broadcast %broadcast_in_dim3A : vector<1x128x128xf32> to vector<2x128x128xf32>
    %swap3A = arith.constant 0 : index
    %swap3A_52 = arith.constant 0 : index
    %swap3A_53 = arith.constant 0 : index
    %swap3A_54 = vector.load %arg10[%swap3A, %swap3A_52, %swap3A_53] : memref<2x128x128xf32, #tpu.memory_space<vmem>>, vector<2x128x128xf32>
    tpu.vector_store %arg10[%swap3A, %swap3A_52, %swap3A_53], %broadcast_in_dim3A_51 {strides = array<i32>} : memref<2x128x128xf32, #tpu.memory_space<vmem>>, vector<2x128x128xf32>,
    return
  }
  func.func @transform_0(%arg0: i32) -> (i32, i32) {
    %c0_i32 = arith.constant 0 : i32
    %c0_i32_0 = arith.constant 0 : i32
    return %arg0, %c0_i32 : i32, i32
  }
  func.func @transform_1(%arg0: i32) -> (i32, i32, i32) {
    %c0_i32 = arith.constant 0 : i32
    %c0_i32_0 = arith.constant 0 : i32
    %c0_i32_1 = arith.constant 0 : i32
    return %c0_i32, %arg0, %c0_i32_0 : i32, i32, i32
  }
  func.func @transform_2(%arg0: i32) -> (i32, i32, i32) {
    %c0_i32 = arith.constant 0 : i32
    %c0_i32_0 = arith.constant 0 : i32
    %c0_i32_1 = arith.constant 0 : i32
    return %c0_i32, %arg0, %c0_i32_0 : i32, i32, i32
  }
  func.func @transform_3(%arg0: i32) -> (i32, i32) {
    %c0_i32 = arith.constant 0 : i32
    %c0_i32_0 = arith.constant 0 : i32
    return %arg0, %c0_i32 : i32, i32
  }
  func.func @transform_4(%arg0: i32) -> (i32, i32) {
    %c0_i32 = arith.constant 0 : i32
    %c0_i32_0 = arith.constant 0 : i32
    %c0_i32_1 = arith.constant 0 : i32
    return %c0_i32, %c0_i32_0 : i32, i32
  }
  func.func @transform_5(%arg0: i32) -> (i32, i32) {
    %c0_i32 = arith.constant 0 : i32
    %c0_i32_0 = arith.constant 0 : i32
    %c0_i32_1 = arith.constant 0 : i32
    return %c0_i32, %c0_i32_0 : i32, i32
  }
  func.func @transform_6(%arg0: i32) -> (i32, i32) {
    %c0_i32 = arith.constant 0 : i32
    %c0_i32_0 = arith.constant 0 : i32
    %c0_i32_1 = arith.constant 0 : i32
    return %c0_i32, %c0_i32_0 : i32, i32
  }
  func.func @transform_7(%arg0: i32) -> (i32, i32) {
    %c0_i32 = arith.constant 0 : i32
    %c0_i32_0 = arith.constant 0 : i32
    %c0_i32_1 = arith.constant 0 : i32
    return %c0_i32, %c0_i32_0 : i32, i32
  }
  func.func @transform_8(%arg0: i32) -> (i32, i32) {
    %c0_i32 = arith.constant 0 : i32
    %c0_i32_0 = arith.constant 0 : i32
    return %arg0, %c0_i32 : i32, i32
  }
  func.func @transform_9(%arg0: i32) -> (i32, i32, i32) {
    %c0_i32 = arith.constant 0 : i32
    %c0_i32_0 = arith.constant 0 : i32
    %c0_i32_1 = arith.constant 0 : i32
    return %c0_i32, %arg0, %c0_i32_0 : i32, i32, i32
  }
}

module attributes {stable_mosaic.version = 14 : i64} {
  func.func @_node_body(%arg0: i32, %arg1: memref<128x128xf32, #tpu.memory_space<vmem>>, %arg2: memref<2x128x128xf32, #tpu.memory_space<vmem>>, %arg3: memref<2x128x128xf32, #tpu.memory_space<vmem>>, %arg4: memref<128x1xi32, #tpu.memory_space<vmem>>, %arg5: memref<128x128xf32, #tpu.memory_space<vmem>>, %arg6: memref<128x128xf32, #tpu.memory_space<vmem>>, %arg7: memref<48x128xf32, #tpu.memory_space<vmem>>, %arg8: memref<1x128xf32, #tpu.memory_space<vmem>>, %arg9: memref<128x128xf32, #tpu.memory_space<vmem>>, %arg10: memref<128x128xf32, #tpu.memory_space<vmem>>) attributes {dimension_semantics = [#tpu.dimension_semantics<arbitrary>], iteration_bounds = array<i64: 79>, scalar_prefetch = 0 : i64, scratch_operands = 0 : i64, tpu.core_type = #tpu.core_type<tc>, window_params = [{transform_indices = @transform_0, window_bounds = array<i64: 128, 128>}, {transform_indices = @transform_1, window_bounds = array<i64: 2, 128, 128>}, {transform_indices = @transform_2, window_bounds = array<i64: 2, 128, 128>}, {transform_indices = @transform_3, window_bounds = array<i64: 128, 1>}, {pipeline_mode = #tpu.pipeline_mode<synchronous>, transform_indices = @transform_4, window_bounds = array<i64: 128, 128>}, {pipeline_mode = #tpu.pipeline_mode<synchronous>, transform_indices = @transform_5, window_bounds = array<i64: 128, 128>}, {pipeline_mode = #tpu.pipeline_mode<synchronous>, transform_indices = @transform_6, window_bounds = array<i64: 48, 128>}, {pipeline_mode = #tpu.pipeline_mode<synchronous>, transform_indices = @transform_7, window_bounds = array<i64: 1, 128>}, {transform_indices = @transform_8, window_bounds = array<i64: 128, 128>}, {transform_indices = @transform_9, window_bounds = array<i64: 128, 128>}]} {
    %get3A = arith.constant 0 : index
    %get3A_0 = arith.constant 0 : index
    %get3A_1 = arith.constant 0 : index
    %get3A_2 = vector.load %arg2[%get3A, %get3A_0, %get3A_1] : memref<2x128x128xf32, #tpu.memory_space<vmem>>, vector<1x128x128xf32>
    %get3A_3 = vector.shape_cast %get3A_2 : vector<1x128x128xf32> to vector<128x128xf32>
    %get3A_4 = arith.constant 1 : index
    %get3A_5 = arith.constant 0 : index
    %get3A_6 = arith.constant 0 : index
    %get3A_7 = vector.load %arg2[%get3A_4, %get3A_5, %get3A_6] : memref<2x128x128xf32, #tpu.memory_space<vmem>>, vector<1x128x128xf32>
    %get3A_8 = vector.shape_cast %get3A_7 : vector<1x128x128xf32> to vector<128x128xf32>
    %add3A = arith.addf %get3A_3, %get3A_8 : vector<128x128xf32>
    %get3A_9 = arith.constant 0 : index
    %get3A_10 = arith.constant 0 : index
    %get3A_11 = arith.constant 0 : index
    %get3A_12 = vector.load %arg3[%get3A_9, %get3A_10, %get3A_11] : memref<2x128x128xf32, #tpu.memory_space<vmem>>, vector<1x128x128xf32>
    %get3A_13 = vector.shape_cast %get3A_12 : vector<1x128x128xf32> to vector<128x128xf32>
    %get3A_14 = arith.constant 1 : index
    %get3A_15 = arith.constant 0 : index
    %get3A_16 = arith.constant 0 : index
    %get3A_17 = vector.load %arg3[%get3A_14, %get3A_15, %get3A_16] : memref<2x128x128xf32, #tpu.memory_space<vmem>>, vector<1x128x128xf32>
    %get3A_18 = vector.shape_cast %get3A_17 : vector<1x128x128xf32> to vector<128x128xf32>
    %add3A_19 = arith.addf %get3A_13, %get3A_18 : vector<128x128xf32>
    %get3A_20 = arith.constant 0 : index
    %get3A_21 = arith.constant 0 : index
    %get3A_22 = vector.load %arg4[%get3A_20, %get3A_21] : memref<128x1xi32, #tpu.memory_space<vmem>>, vector<128x1xi32>
    %iota3A = tpu.iota {dimensions = array<i32: 1>} : vector<128x16xi32>
    %eq3A = vector.broadcast %get3A_22 : vector<128x1xi32> to vector<128x16xi32>
    %eq3A_23 = arith.cmpi eq, %eq3A, %iota3A : vector<128x16xi32>
    %slice3A = vector.extract_strided_slice %add3A_19 {offsets = [0, 0], sizes = [128, 32], strides = [1, 1]} : vector<128x128xf32> to vector<128x32xf32>
    %convert_element_type3A = arith.extui %eq3A_23 : vector<128x16xi1> to vector<128x16xi32>
    %convert_element_type3A_24 = arith.sitofp %convert_element_type3A : vector<128x16xi32> to vector<128x16xf32>
    %concatenate3A = tpu.concatenate %slice3A, %convert_element_type3A_24 in 1 : vector<128x32xf32>, vector<128x16xf32> -> vector<128x48xf32>
    %get3A_25 = arith.constant 0 : index
    %get3A_26 = arith.constant 0 : index
    %get3A_27 = vector.load %arg1[%get3A_25, %get3A_26] : memref<128x128xf32, #tpu.memory_space<vmem>>, vector<128x128xf32>
    %get3A_28 = arith.constant 0 : index
    %get3A_29 = arith.constant 0 : index
    %get3A_30 = vector.load %arg5[%get3A_28, %get3A_29] : memref<128x128xf32, #tpu.memory_space<vmem>>, vector<128x128xf32>
    %dot_general3A = arith.constant dense<0.000000e+00> : vector<128x128xf32>
    %dot_general3A_31 = tpu.matmul %get3A_27, %get3A_30, %dot_general3A {dimension_numbers = #tpu.dot_dimension_numbers<[1], [0], [0], [1], [0, 0, 1, 1], [], []>, precision = #tpu.contract_precision<fp32>, transpose_lhs_hint = false} : vector<128x128xf32>, vector<128x128xf32>, vector<128x128xf32> -> vector<128x128xf32>
    %get3A_32 = arith.constant 0 : index
    %get3A_33 = arith.constant 0 : index
    %get3A_34 = vector.load %arg6[%get3A_32, %get3A_33] : memref<128x128xf32, #tpu.memory_space<vmem>>, vector<128x128xf32>
    %dot_general3A_35 = arith.constant dense<0.000000e+00> : vector<128x128xf32>
    %dot_general3A_36 = tpu.matmul %add3A, %get3A_34, %dot_general3A_35 {dimension_numbers = #tpu.dot_dimension_numbers<[1], [0], [0], [1], [0, 0, 1, 1], [], []>, precision = #tpu.contract_precision<fp32>, transpose_lhs_hint = false} : vector<128x128xf32>, vector<128x128xf32>, vector<128x128xf32> -> vector<128x128xf32>
    %add3A_37 = arith.addf %dot_general3A_31, %dot_general3A_36 : vector<128x128xf32>
    %get3A_38 = arith.constant 0 : index
    %get3A_39 = arith.constant 0 : index
    %get3A_40 = vector.load %arg7[%get3A_38, %get3A_39] : memref<48x128xf32, #tpu.memory_space<vmem>>, vector<48x128xf32>
    %dot_general3A_41 = arith.constant dense<0.000000e+00> : vector<128x128xf32>
    %dot_general3A_42 = tpu.matmul %concatenate3A, %get3A_40, %dot_general3A_41 {dimension_numbers = #tpu.dot_dimension_numbers<[1], [0], [0], [1], [0, 0, 1, 1], [], []>, precision = #tpu.contract_precision<fp32>, transpose_lhs_hint = false} : vector<128x48xf32>, vector<48x128xf32>, vector<128x128xf32> -> vector<128x128xf32>
    %add3A_43 = arith.addf %add3A_37, %dot_general3A_42 : vector<128x128xf32>
    %get3A_44 = arith.constant 0 : index
    %get3A_45 = arith.constant 0 : index
    %get3A_46 = vector.load %arg8[%get3A_44, %get3A_45] : memref<1x128xf32, #tpu.memory_space<vmem>>, vector<1x128xf32>
    %add3A_47 = vector.broadcast %get3A_46 : vector<1x128xf32> to vector<128x128xf32>
    %add3A_48 = arith.addf %add3A_43, %add3A_47 : vector<128x128xf32>
    %get3A_49 = arith.constant 0 : index
    %get3A_50 = arith.constant 0 : index
    %get3A_51 = vector.load %arg9[%get3A_49, %get3A_50] : memref<128x128xf32, #tpu.memory_space<vmem>>, vector<128x128xf32>
    %add3A_52 = arith.addf %add3A_48, %get3A_51 : vector<128x128xf32>
    %max3A = arith.constant 0.000000e+00 : f32
    %max3A_53 = vector.broadcast %max3A : f32 to vector<128x128xf32>
    %max3A_54 = arith.maximumf %add3A_52, %max3A_53 : vector<128x128xf32>
    %swap3A = arith.constant 0 : index
    %swap3A_55 = arith.constant 0 : index
    %swap3A_56 = vector.load %arg10[%swap3A, %swap3A_55] : memref<128x128xf32, #tpu.memory_space<vmem>>, vector<128x128xf32>
    tpu.vector_store %arg10[%swap3A, %swap3A_55], %max3A_54 {strides = array<i32>} : memref<128x128xf32, #tpu.memory_space<vmem>>, vector<128x128xf32>,
    return
  }
  func.func @transform_0(%arg0: i32) -> (i32, i32) {
    %c0_i32 = arith.constant 0 : i32
    %c0_i32_0 = arith.constant 0 : i32
    return %arg0, %c0_i32 : i32, i32
  }
  func.func @transform_1(%arg0: i32) -> (i32, i32, i32) {
    %c0_i32 = arith.constant 0 : i32
    %c0_i32_0 = arith.constant 0 : i32
    %c0_i32_1 = arith.constant 0 : i32
    return %c0_i32, %arg0, %c0_i32_0 : i32, i32, i32
  }
  func.func @transform_2(%arg0: i32) -> (i32, i32, i32) {
    %c0_i32 = arith.constant 0 : i32
    %c0_i32_0 = arith.constant 0 : i32
    %c0_i32_1 = arith.constant 0 : i32
    return %c0_i32, %arg0, %c0_i32_0 : i32, i32, i32
  }
  func.func @transform_3(%arg0: i32) -> (i32, i32) {
    %c0_i32 = arith.constant 0 : i32
    %c0_i32_0 = arith.constant 0 : i32
    return %arg0, %c0_i32 : i32, i32
  }
  func.func @transform_4(%arg0: i32) -> (i32, i32) {
    %c0_i32 = arith.constant 0 : i32
    %c0_i32_0 = arith.constant 0 : i32
    %c0_i32_1 = arith.constant 0 : i32
    return %c0_i32, %c0_i32_0 : i32, i32
  }
  func.func @transform_5(%arg0: i32) -> (i32, i32) {
    %c0_i32 = arith.constant 0 : i32
    %c0_i32_0 = arith.constant 0 : i32
    %c0_i32_1 = arith.constant 0 : i32
    return %c0_i32, %c0_i32_0 : i32, i32
  }
  func.func @transform_6(%arg0: i32) -> (i32, i32) {
    %c0_i32 = arith.constant 0 : i32
    %c0_i32_0 = arith.constant 0 : i32
    %c0_i32_1 = arith.constant 0 : i32
    return %c0_i32, %c0_i32_0 : i32, i32
  }
  func.func @transform_7(%arg0: i32) -> (i32, i32) {
    %c0_i32 = arith.constant 0 : i32
    %c0_i32_0 = arith.constant 0 : i32
    %c0_i32_1 = arith.constant 0 : i32
    return %c0_i32, %c0_i32_0 : i32, i32
  }
  func.func @transform_8(%arg0: i32) -> (i32, i32) {
    %c0_i32 = arith.constant 0 : i32
    %c0_i32_0 = arith.constant 0 : i32
    return %arg0, %c0_i32 : i32, i32
  }
  func.func @transform_9(%arg0: i32) -> (i32, i32) {
    %c0_i32 = arith.constant 0 : i32
    %c0_i32_0 = arith.constant 0 : i32
    return %arg0, %c0_i32 : i32, i32
  }
}

</mosaic_0001>

<sc_bundles>
// kernel: kernel.12.cloned.1.call-start
scs
__scs_entry_jumppad:
0x0: {  	(pc) =	sbr.rel $0x88, $3  }
0x1: {  	(tag) =	ssettag $0x0;
	lr =	simm.s32 $0x1  }
0x2: {  	[smem:$0x3F91] =	sst lr;
	_ =	strace $0xD0000000  }
0x3: {  	_ = 	snop  }
0x4: {  	_ = 	snop  }
0x5: {  	_ = 	snop  }
0x6: {  	_ = 	snop  }
0x7: {  	_ = 	snop  }
__scs_overlays_trampoline_lowered:
0x8: {  	[smem:$0x3FA0] =	sst s0  }
0x9: {  	[smem:$0x3FA1] =	sst s1  }
0xa: {  	[smem:$0x3FA2] =	sst s2  }
0xb: {  	[smem:$0x3FA3] =	sst s3  }
0xc: {  	[smem:$0x3FA4] =	sst s4  }
0xd: {  	[smem:$0x3FA5] =	sst s5  }
0xe: {  	[smem:$0x3FA6] =	sst s6  }
0xf: {  	[smem:$0x3FA7] =	sst s7  }
0x10: {  	[smem:$0x3FA8] =	sst s8  }
0x11: {  	[smem:$0x3FA9] =	sst s9;
	s0 =	simm.s32 @!p0 $0x0  }
0x12: {  	s1 =	sld [smem:$0x3F8F];
	s0 =	simm.s32 @p0 $0x1  }
0x13: {  	[smem:$0x3FAA] =	sst s0;
	s0 =	simm.s32 @!p1 $0x0  }
0x14: {  	s2 =	sld [smem:$0x3F8E];
	s0 =	simm.s32 @p1 $0x1  }
0x15: {  	[smem:$0x3FAB] =	sst s0;
	s0 =	simm.s32 @!p2 $0x0  }
0x16: {  	s3 =	sld [smem:$0x3FDB];
	s0 =	simm.s32 @p2 $0x1  }
0x17: {  	s4 =	simm.s32 $0x1BF5;
	[smem:$0x3FAD] =	sst s0  }
0x18: {  	s0 =	sld [smem:$0x3F90];
	_ =	swait.ge [sflag:s4], $0x0  }
0x19: {  	s7 =	sld [smem:$0x3F91]  }
0x1a: {  	s8 =	sadd.s32 $0xFFFFE003, lr  }
0x1b: {  	s9 =	sadd.s32 $0xFFFFFEF7, lr;
	s5 =	simm.s32 $0xFFFFFFFF;
	p2 =	slt.u32 s8, $0xFFFFF086  }
0x1c: {  	p1 =	slt.u32 s9, $0xF7A;
	s5 =	simm.s32 @!p2 $0x0  }
0x1d: {  	s5 =	simm.s32 @p1 $0x1;
	p0 =	seq.s32 s7, s2  }
0x1e: {  	s7 =	smul.u32 @!p0 $0xF7A, s2;
	p2 =	seq.s32 @!p0 s5, $0x0  }
0x1f: {  	s9 =	smul.u32 $0xF7A, s1;
	s8 =	simm.s32 @!p0 $0x1BF5;
	p2 =	por !p2, p0  }
0x20: {  	[sflag:s8] =	ssyncset.s32 @!p0 $0xFFFFF086;
	s6 =	sadd.s32 @!p0 s3, s7;
	s7 =	simm.s32 @!p0 $0x108  }
0x21: {  	s3 =	sadd.s32 s3, s9;
	s6 =	sadd.s32 @!p0 $0x88, s6;
	s7 =	simm.s32 @p2 $0x1082  }
0x22: {  	[simem:s7], [sflag:s8] =	dma.local @!p0 [hbm:s6], $0xF7A  }
0x23: {  	s9 =	sor.u32 $0xD0000000, s2;
	s6 =	simm.s32 $0x108;
	_ =	swait.ge @!p0 [sflag:s8], $0x0  }
0x24: {  	s3 =	sadd.s32 $0x88, s3;
	s6 =	simm.s32 @!p1 $0x1082;
	[sflag:s4] =	ssyncset.s32 $0xFFFFF086  }
0x25: {  	[simem:s6], [sflag:s4] =	dma.local [hbm:s3], $0xF7A  }
0x26: {  	[smem:$0x3F91] =	sst s1;
	(tag) =	ssettag s2;
	_ =	strace s9  }
0x27: {  	s1 =	sld [smem:$0x3FA1]  }
0x28: {  	s2 =	sld [smem:$0x3FA2]  }
0x29: {  	s4 =	sld [smem:$0x3FA4]  }
0x2a: {  	p0 =	seq.s32 s5, $0x0;
	s5 =	sld [smem:$0x3FA5]  }
0x2b: {  	s6 =	sld [smem:$0x3FA6]  }
0x2c: {  	s7 =	sld [smem:$0x3FA7]  }
0x2d: {  	s3 =	simm.s32 $0x108;
	s8 =	sld [smem:$0x3FA8]  }
0x2e: {  	s3 =	simm.s32 @!p0 $0x1082;
	s9 =	sld [smem:$0x3FA9]  }
0x2f: {  	lr =	sadd.s32 s0, s3;
	s0 =	sld [smem:$0x3FA0]  }
0x30: {  	s3 =	sld [smem:$0x3FA3]  }
0x31: {  	[smem:$0x3FAC] =	sst s10  }
0x32: {  	s10 =	sld [smem:$0x3FAA];
	_ =	sdelay $0x3  }
0x33: {  	p0 =	seq.s32 s10, $0x1;
	s10 =	sld [smem:$0x3FAC];
	_ =	sdelay $0x3  }
0x34: {  	[smem:$0x3FAC] =	sst s10  }
0x35: {  	s10 =	sld [smem:$0x3FAB];
	_ =	sdelay $0x3  }
0x36: {  	p1 =	seq.s32 s10, $0x1;
	s10 =	sld [smem:$0x3FAC];
	_ =	sdelay $0x3  }
0x37: {  	[smem:$0x3FAC] =	sst s10  }
0x38: {  	s10 =	sld [smem:$0x3FAD]  }
0x39: {  	_ = 	snop;
	(pc) =	sbr.ind lr, $3  }
0x3a: {  	_ = 	snop  }
0x3b: {  	_ = 	snop  }
0x3c: {  	p2 =	seq.s32 s10, $0x1;
	s10 =	sld [smem:$0x3FAC]  }
0x3d: {  	_ =	shalt  }
0x3e: {  	_ =	shalt  }
0x3f: {  	_ =	shalt  }
0x40: {  	_ =	shalt  }
0x41: {  	_ =	shalt  }
0x42: {  	_ =	shalt  }
0x43: {  	_ =	shalt  }
0x44: {  	_ =	shalt  }
0x45: {  	_ =	shalt  }
0x46: {  	_ =	shalt  }
0x47: {  	_ =	shalt  }
0x48: {  	_ =	shalt  }
0x49: {  	_ =	shalt  }
0x4a: {  	_ =	shalt  }
0x4b: {  	_ =	shalt  }
0x4c: {  	_ =	shalt  }
0x4d: {  	_ =	shalt  }
0x4e: {  	_ =	shalt  }
0x4f: {  	_ =	shalt  }
0x50: {  	_ =	shalt  }
0x51: {  	_ =	shalt  }
0x52: {  	_ =	shalt  }
0x53: {  	_ =	shalt  }
0x54: {  	_ =	shalt  }
0x55: {  	_ =	shalt  }
0x56: {  	_ =	shalt  }
0x57: {  	_ =	shalt  }
0x58: {  	_ =	shalt  }
0x59: {  	_ =	shalt  }
0x5a: {  	_ =	shalt  }
0x5b: {  	_ =	shalt  }
0x5c: {  	_ =	shalt  }
0x5d: {  	_ =	shalt  }
0x5e: {  	_ =	shalt  }
0x5f: {  	_ =	shalt  }
0x60: {  	_ =	shalt  }
0x61: {  	_ =	shalt  }
0x62: {  	_ =	shalt  }
0x63: {  	_ =	shalt  }
0x64: {  	_ =	shalt  }
0x65: {  	_ =	shalt  }
0x66: {  	_ =	shalt  }
0x67: {  	_ =	shalt  }
0x68: {  	_ =	shalt  }
0x69: {  	_ =	shalt  }
0x6a: {  	_ =	shalt  }
0x6b: {  	_ =	shalt  }
0x6c: {  	_ =	shalt  }
0x6d: {  	_ =	shalt  }
0x6e: {  	_ =	shalt  }
0x6f: {  	_ =	shalt  }
0x70: {  	_ =	shalt  }
0x71: {  	_ =	shalt  }
0x72: {  	_ =	shalt  }
0x73: {  	_ =	shalt  }
0x74: {  	_ =	shalt  }
0x75: {  	_ =	shalt  }
0x76: {  	_ =	shalt  }
0x77: {  	_ =	shalt  }
0x78: {  	_ =	shalt  }
0x79: {  	_ =	shalt  }
0x7a: {  	_ =	shalt  }
0x7b: {  	_ =	shalt  }
0x7c: {  	_ =	shalt  }
0x7d: {  	_ =	shalt  }
0x7e: {  	_ =	shalt  }
0x7f: {  	_ =	shalt  }
0x80: {  	_ =	shalt  }
0x81: {  	_ =	shalt  }
0x82: {  	_ =	shalt  }
0x83: {  	_ =	shalt  }
0x84: {  	_ =	shalt  }
0x85: {  	_ =	shalt  }
0x86: {  	_ =	shalt  }
0x87: {  	_ =	shalt  }
.Lfunc_end0:
.L_simem_size_0:
called_computation.1_lowered:
.L_overlay_start_0:
0x88: {  	s2 =	sld [smem:$0x3FD9]  }
0x89: {  	s3 =	sld [smem:$0x3FFE];
	_ =	sdelay $0x1  }
0x8a: {  	s1 =	srdreg.scid  }
0x8b: {  	s0 =	sand.u32 $0x1, s1  }
0x8c: {  	s17 =	sshll.u32 s0, $0xA;
	s2 =	sadd.s32 s3, s2  }
0x8d: {  	s2 =	sadd.s32 s2, s17  }
0x8e: {  	[smem:$0x3FB8] =	sst s2  }
0x8f: {  	_ = 	snop  }
0x90: {  	s2 =	sld [smem:$0x3FD0];
	(tm) =	ssettm $0x1  }
0x91: {  	s18 =	sld [smem:$0x3FFB];
	_ =	sdelay $0x3  }
0x92: {  	_ =	strace s18  }
0x93: {  	s3 =	sld [smem:$0x3FFC];
	_ =	sdelay $0x3  }
0x94: {  	_ =	strace s3  }
0x95: {  	s3 =	sld [smem:$0x3FFD];
	_ =	sdelay $0x3  }
0x96: {  	_ =	strace s3  }
0x97: {  	_ =	strace $0x8FFFFFFF  }
0x98: {  	s19 =	sld [smem:$0x3FDB];
	_ =	sdelay $0x1  }
0x99: {  	s4 =	simm.s32 $_scs_section_size  }
0x9a: {  	s5 =	simm.s32 $_size__tile_overlayer_lowered;
	s6 =	simm.s32 $_tile_overlayer_lowered  }
0x9b: {  	s22 =	simm.s32 $0x1BFF;
	s21 =	sshll.u32 s6, $0x1;
	s3 =	sadd.s32 s4, s19  }
0x9c: {  	s7 =	simm.s32 $0x0;
	s20 =	sshll.u32 s5, $0x1;
	s5 =	sadd.s32 s21, s3  }
0x9d: {  	[timem:s7], [sflag:s22] =	dma.local [hbm:s5], s20  }
0x9e: {  	_ =	swait.ge [sflag:s22], s20  }
0x9f: {  	s4 =	ssub.s32 $0x0, s20;
	[sflag:s22] =	ssyncset.done $0x0  }
0xa0: {  	[sflag:s22] =	ssyncadd.s32 s4;
	_ =	sdelay $0x1  }
0xa1: {  	s23 =	simm.s32 $0x1B8B  }
0xa2: {  	_ =	swait.ge [sflag:s23], $0x1  }
0xa3: {  	[sflag:s23] =	ssyncset.done $0x0  }
0xa4: {  	s25 =	simm.s32 $0x1B8E;
	s24 =	sld [smem:$0x3FFE];
	[sflag:s23] =	ssyncadd.s32 $0xFFFFFFFF  }
0xa5: {  	s26 =	simm.s32 $execute0_lowered;
	[smem:$0x3FD2] =	sst s25  }
0xa6: {  	s5 =	sshll.u32 s26, $0x1;
	_ =	strace $0x80000049;
	[dreg:$0x1] =	wrdreg $0xFFFFFFFF  }
0xa7: {  	s28 =	simm.s32 $_size_execute0_lowered;
	s3 =	sadd.s32 s3, s5;
	[dreg:$0x0] =	wrdreg $0x0  }
0xa8: {  	s5 =	sshll.u32 s28, $0x1;
	[dreg:$0x2] =	wrdreg s3  }
0xa9: {  	[dreg:$0x3] =	wrdreg s5  }
0xaa: {  	[dreg:$0x4] =	wrdreg $0xC0  }
0xab: {  	_ =	task [dreg:s7], $0x5FFFF  }
0xac: {  	[dreg:$0x1] =	wrdreg $0xFFFFFFFF  }
0xad: {  	[dreg:$0x0] =	wrdreg $0x60  }
0xae: {  	[dreg:$0x2] =	wrdreg s24  }
0xaf: {  	[dreg:$0x3] =	wrdreg s2  }
0xb0: {  	[dreg:$0x4] =	wrdreg $0x88000  }
0xb1: {  	[dreg:$0x5] =	wrdreg $0x9  }
0xb2: {  	_ =	task.clear_ibuf [dreg:s7], $0x6FFFF;
	_ =	strace $0x90000049  }
0xb3: {  	s29 =	simm.s32 $0x9;
	_ =	strace $0x8000004B  }
0xb4: {  	_ =	swait.ge [sflag:s29], $0x1  }
0xb5: {  	[sflag:s29] =	ssyncadd.s32 $0xFFFFFFFF  }
0xb6: {  	_ =	strace $0x9000004B  }
0xb7: {  	_ =	sfence  }
0xb8: {  	s30 =	sld [smem:$0x0];
	_ =	sdelay $0x2  }
0xb9: {  	s31 =	sshll.u32 s1, $0xD;
	s1 =	sshrl.u32 s1, $0x2  }
0xba: {  	s3 =	sand.u32 $0x4000, s31;
	s1 =	sadd.s32 s1, s30  }
0xbb: {  	s0 =	sor.u32 s3, s0;
	s1 =	sshll.u32 s1, $0x11  }
0xbc: {  	s0 =	sor.u32 s1, s0  }
0xbd: {  	s0 =	sadd.s32 $0x8F2B, s0  }
0xbe: {  	[sflag:s0] =	ssyncadd.remote.s32 $0x1  }
0xbf: {  	_ =	sfence.sel $0xFFFF  }
0xc0: {  	[dreg:$0x0] =	wrdreg $0xFFFFFFFF;
	(pc) =	sbr.abs _section_cstart, $3  }
0xc1: {  	[dreg:$0x1] =	wrdreg $0xFFFFFFFF  }
0xc2: {  	_ =	task.clear_ibuf [dreg:s7], $0x2FFFF;
	_ =	strace $0x9FFFFFFF  }
0xc3: {  	(tm) =	ssettm $0x7FFFFFFF  }
tec
execute0_lowered:
.L_overlay_start_1:
0x0: {  	(tag) =	ssettag $0x1  }
0x1: {  	s0 =	rddreg [dreg:$0x0]  }
0x2: {  	s2 =	rddreg [dreg:$0x1]  }
0x3: {  	s1 =	rddreg [dreg:$0x2]  }
0x4: {  	s3 =	srdreg.scid;
	s12 =	stileid.u32  }
0x5: {  	s13 =	simm.s32 $0x400;
	s14 =	simm.s32 $0x80;
	s15 =	simm.s32 $0x800  }
0x6: {  	s16 =	simm.s32 $0x1;
	s17 =	simm.s32 $0x4800;
	s18 =	simm.s32 $0x2  }
0x7: {  	s19 =	simm.s32 $0x100;
	s20 =	simm.s32 $0x480;
	s28 =	simm.s32 $0x300  }
0x8: {  	s29 =	simm.s32 $0x680;
	s30 =	simm.s32 $0x380;
	s6 =	smul.u32 $0x13C00, s12  }
0x9: {  	s31 =	simm.s32 $0x700;
	s5 =	sand.u32 $0x1, s3;
	s21 =	smul.u32 $0x4F000, s12  }
0xa: {  	s3 =	simm.s32 $0x0;
	s4 =	sadd.s32 $0x2E00, s0;
	s24 =	smul.u32 $0x500, s12  }
0xb: {  	s23 =	sshll.u32 s12, $0x6;
	s12 =	simm.s32 $0x3;
	s7 =	smul.u32 $0x5000, s5  }
0xc: {  	[smem:$0x7FF] =	sst s3;
	s8 =	smul.u32 $0x13C000, s5;
	s5 =	ssub.s32 $0x2, s5  }
0xd: {  	_ =	strace $0x8000004A;
	s10 =	sshrl.u32 s6, $0x3;
	s11 =	sshrl.u32 s5, $0x1  }
0xe: {  	s22 =	sshrl.u32 s21, $0x2;
	s21 =	simm.s32 $0x180;
	s9 =	sadd.s32 s7, s0  }
0xf: {  	s6 =	sadd.s32 s6, s8;
	s10 =	sadd.s32 s10, s0;
	s5 =	ssub.s32 s5, s11  }
0x10: {  	s8 =	sadd.s32 s22, s1;
	s2 =	sadd.s32 s7, s2;
	s22 =	simm.s32 $0x500  }
0x11: {  	s6 =	sshrl.u32 s6, $0x3;
	s10 =	sadd.s32 $0x83800, s10;
	s25 =	smax.u32 s5, $0x1  }
0x12: {  	s26 =	sadd.s32 s24, s9;
	s7 =	sshrl.u32 s8, $0x3;
	[dreg:$0x4] =	wrdreg s10  }
0x13: {  	s0 =	sadd.s32 s6, s0;
	s6 =	sor.u32 $0x1C03, s23;
	[dreg:$0x7] =	wrdreg s25  }
0x14: {  	s9 =	sadd.s32 $0x79800, s26;
	s10 =	sadd.s32 s24, s2;
	s23 =	simm.s32 $0x200  }
0x15: {  	s24 =	simm.s32 $0x580;
	s25 =	simm.s32 $0x280;
	[dreg:$0x8] =	wrdreg s7  }
0x16: {  	s26 =	simm.s32 $0x600;
	s0 =	sadd.s32 $0xAB000, s0;
	[dreg:$0x5] =	wrdreg s6  }
0x17: {  	s2 =	simm.s32 $0x0;
	[dreg:$0x6] =	wrdreg s0;
	s0 =	simm.s32 $0x780  }
.LBB2_1:
0x18: {  	s5 =	rddreg [dreg:$0x4]  }
0x19: {  	[spmem:s7], [sflag:s6] =	dma.local [hbm:s5], $0x2780  }
0x1a: {  	_ =	swait.ge [sflag:s12], $0x2780  }
0x1b: {  	[sflag:s12] =	ssyncset.done $0x0  }
0x1c: {  	[sflag:s12] =	ssyncadd.s32 $0xFFFFD880  }
0x1d: {  	s8 =	sadd.s32 $0x0, s10;
	[bflag:$0x0] =	sbarrier.arrive $0xFFFF  }
0x1e: {  	[tilespmem:s3], [sflag:$0x3] =	stream.linear.gather [hbm4b:s8+s3], $0x400, $0x38;
	[tilespmem:$0x1C400] =	vst v63  }
0x1f: {  	_ =	swait.ge [sflag:s12], $0x400  }
0x20: {  	[sflag:s12] =	ssyncset.done $0x0  }
0x21: {  	s11 =	sadd.s32 $0x0, s9;
	[sflag:s12] =	ssyncadd.s32 $0xFFFFFC00  }
0x22: {  	[tilespmem:s13], [sflag:$0x3] =	stream.linear.gather [hbm4b:s11+s3], $0x400, $0x38;
	[tilespmem:$0x1C400] =	vst v63  }
0x23: {  	_ =	swait.ge [sflag:s12], $0x400  }
0x24: {  	[sflag:s12] =	ssyncset.done $0x0  }
0x25: {  	[sflag:s12] =	ssyncadd.s32 $0xFFFFFC00  }
0x26: {  	[tilespmem:s15], [sflag:$0x1] =	stream.indirect.gather [hbm4b:s4+s14], $0x80, s3, s14, $0xb8;
	[tilespmem:$0x1C400] =	vst v63  }
0x27: {  	_ =	swait.ge [sflag:s16], $0x4000  }
0x28: {  	[sflag:s16] =	ssyncset.done $0x0  }
0x29: {  	[sflag:s16] =	ssyncadd.s32 $0xFFFFC000  }
0x2a: {  	[tilespmem:s17], [sflag:$0x2] =	stream.indirect.gather [hbm4b:s4+s14], $0x80, s14, s14, $0xb8;
	[tilespmem:$0x1C400] =	vst v63  }
0x2b: {  	_ = 	snop  }
0x2c: {  	[spmem:s1] =	stream.indirect.scatter.add.f32 [tilespmem:s15], [sflag:$0x3], $0x80, s13, s14, $0xb8;
	[tilespmem:$0x1C400] =	vst v63  }
0x2d: {  	_ =	swait.ge [sflag:s12], $0x4000  }
0x2e: {  	[sflag:s12] =	ssyncset.done $0x0  }
0x2f: {  	[sflag:s12] =	ssyncadd.s32 $0xFFFFC000  }
0x30: {  	_ =	swait.ge [sflag:s18], $0x4000  }
0x31: {  	[sflag:s18] =	ssyncset.done $0x0  }
0x32: {  	[sflag:s18] =	ssyncadd.s32 $0xFFFFC000  }
0x33: {  	[tilespmem:s15], [sflag:$0x1] =	stream.indirect.gather [hbm4b:s4+s14], $0x80, s19, s14, $0xb8;
	[tilespmem:$0x1C400] =	vst v63  }
0x34: {  	_ = 	snop  }
0x35: {  	[spmem:s1] =	stream.indirect.scatter.add.f32 [tilespmem:s17], [sflag:$0x3], $0x80, s20, s14, $0xb8;
	[tilespmem:$0x1C400] =	vst v63  }
0x36: {  	_ =	swait.ge [sflag:s12], $0x4000  }
0x37: {  	[sflag:s12] =	ssyncset.done $0x0  }
0x38: {  	[sflag:s12] =	ssyncadd.s32 $0xFFFFC000  }
0x39: {  	_ =	swait.ge [sflag:s16], $0x4000  }
0x3a: {  	[sflag:s16] =	ssyncset.done $0x0  }
0x3b: {  	[sflag:s16] =	ssyncadd.s32 $0xFFFFC000  }
0x3c: {  	[tilespmem:s17], [sflag:$0x2] =	stream.indirect.gather [hbm4b:s4+s14], $0x80, s21, s14, $0xb8;
	[tilespmem:$0x1C400] =	vst v63  }
0x3d: {  	_ = 	snop  }
0x3e: {  	[spmem:s1] =	stream.indirect.scatter.add.f32 [tilespmem:s15], [sflag:$0x3], $0x80, s22, s14, $0xb8;
	[tilespmem:$0x1C400] =	vst v63  }
0x3f: {  	_ =	swait.ge [sflag:s12], $0x4000  }
0x40: {  	[sflag:s12] =	ssyncset.done $0x0  }
0x41: {  	[sflag:s12] =	ssyncadd.s32 $0xFFFFC000  }
0x42: {  	_ =	swait.ge [sflag:s18], $0x4000  }
0x43: {  	[sflag:s18] =	ssyncset.done $0x0  }
0x44: {  	[sflag:s18] =	ssyncadd.s32 $0xFFFFC000  }
0x45: {  	[tilespmem:s15], [sflag:$0x1] =	stream.indirect.gather [hbm4b:s4+s14], $0x80, s23, s14, $0xb8;
	[tilespmem:$0x1C400] =	vst v63  }
0x46: {  	_ = 	snop  }
0x47: {  	[spmem:s1] =	stream.indirect.scatter.add.f32 [tilespmem:s17], [sflag:$0x3], $0x80, s24, s14, $0xb8;
	[tilespmem:$0x1C400] =	vst v63  }
0x48: {  	_ =	swait.ge [sflag:s12], $0x4000  }
0x49: {  	[sflag:s12] =	ssyncset.done $0x0  }
0x4a: {  	[sflag:s12] =	ssyncadd.s32 $0xFFFFC000  }
0x4b: {  	_ =	swait.ge [sflag:s16], $0x4000  }
0x4c: {  	[sflag:s16] =	ssyncset.done $0x0  }
0x4d: {  	[sflag:s16] =	ssyncadd.s32 $0xFFFFC000  }
0x4e: {  	[tilespmem:s17], [sflag:$0x2] =	stream.indirect.gather [hbm4b:s4+s14], $0x80, s25, s14, $0xb8;
	[tilespmem:$0x1C400] =	vst v63  }
0x4f: {  	_ = 	snop  }
0x50: {  	[spmem:s1] =	stream.indirect.scatter.add.f32 [tilespmem:s15], [sflag:$0x3], $0x80, s26, s14, $0xb8;
	[tilespmem:$0x1C400] =	vst v63  }
0x51: {  	_ =	swait.ge [sflag:s12], $0x4000  }
0x52: {  	[sflag:s12] =	ssyncset.done $0x0  }
0x53: {  	[sflag:s12] =	ssyncadd.s32 $0xFFFFC000  }
0x54: {  	_ =	swait.ge [sflag:s18], $0x4000  }
0x55: {  	[sflag:s18] =	ssyncset.done $0x0  }
0x56: {  	[sflag:s18] =	ssyncadd.s32 $0xFFFFC000  }
0x57: {  	[tilespmem:s15], [sflag:$0x1] =	stream.indirect.gather [hbm4b:s4+s14], $0x80, s28, s14, $0xb8;
	[tilespmem:$0x1C400] =	vst v63  }
0x58: {  	_ = 	snop  }
0x59: {  	[spmem:s1] =	stream.indirect.scatter.add.f32 [tilespmem:s17], [sflag:$0x3], $0x80, s29, s14, $0xb8;
	[tilespmem:$0x1C400] =	vst v63  }
0x5a: {  	_ =	swait.ge [sflag:s12], $0x4000  }
0x5b: {  	[sflag:s12] =	ssyncset.done $0x0  }
0x5c: {  	[sflag:s12] =	ssyncadd.s32 $0xFFFFC000  }
0x5d: {  	_ =	swait.ge [sflag:s16], $0x4000  }
0x5e: {  	[sflag:s16] =	ssyncset.done $0x0  }
0x5f: {  	[sflag:s16] =	ssyncadd.s32 $0xFFFFC000  }
0x60: {  	[tilespmem:s17], [sflag:$0x2] =	stream.indirect.gather [hbm4b:s4+s14], $0x80, s30, s14, $0xb8;
	[tilespmem:$0x1C400] =	vst v63  }
0x61: {  	_ = 	snop  }
0x62: {  	[spmem:s1] =	stream.indirect.scatter.add.f32 [tilespmem:s15], [sflag:$0x3], $0x80, s31, s14, $0xb8;
	[tilespmem:$0x1C400] =	vst v63  }
0x63: {  	_ =	swait.ge [sflag:s12], $0x4000  }
0x64: {  	[sflag:s12] =	ssyncset.done $0x0  }
0x65: {  	[sflag:s12] =	ssyncadd.s32 $0xFFFFC000  }
0x66: {  	_ =	swait.ge [sflag:s18], $0x4000  }
0x67: {  	[sflag:s18] =	ssyncset.done $0x0  }
0x68: {  	[sflag:s18] =	ssyncadd.s32 $0xFFFFC000  }
0x69: {  	[spmem:s1] =	stream.indirect.scatter.add.f32 [tilespmem:s17], [sflag:$0x3], $0x80, s0, s14, $0xb8;
	[tilespmem:$0x1C400] =	vst v63  }
0x6a: {  	_ =	swait.ge [sflag:s12], $0x4000  }
0x6b: {  	s5 =	simm.s32 $0x80;
	s7 =	simm.s32 $0x100;
	[sflag:s12] =	ssyncset.done $0x0  }
.LBB2_2:
0x6c: {  	s6 =	sadd.s32 s5, s10  }
0x6d: {  	[sflag:s12] =	ssyncadd.s32 $0xFFFFC000;
	s11 =	smov.u32 s7;
	s8 =	sadd.s32 $0x80, s7  }
0x6e: {  	[tilespmem:s3], [sflag:$0x3] =	stream.linear.gather [hbm4b:s6+s3], $0x400, $0x38;
	[tilespmem:$0x1C400] =	vst v63  }
0x6f: {  	p0 =	sne.s32 s7, $0x480;
	_ =	swait.ge [sflag:s12], $0x400  }
0x70: {  	[sflag:s12] =	ssyncset.done $0x0  }
0x71: {  	s6 =	sadd.s32 s5, s9;
	s5 =	smov.u32 s11;
	[sflag:s12] =	ssyncadd.s32 $0xFFFFFC00  }
0x72: {  	[tilespmem:s13], [sflag:$0x3] =	stream.linear.gather [hbm4b:s6+s3], $0x400, $0x38;
	[tilespmem:$0x1C400] =	vst v63  }
0x73: {  	_ =	swait.ge [sflag:s12], $0x400  }
0x74: {  	[sflag:s12] =	ssyncset.done $0x0  }
0x75: {  	[sflag:s12] =	ssyncadd.s32 $0xFFFFFC00  }
0x76: {  	[tilespmem:s15], [sflag:$0x1] =	stream.indirect.gather [hbm4b:s4+s14], $0x80, s3, s14, $0xb8;
	[tilespmem:$0x1C400] =	vst v63  }
0x77: {  	_ =	swait.ge [sflag:s16], $0x4000  }
0x78: {  	[sflag:s16] =	ssyncset.done $0x0  }
0x79: {  	[sflag:s16] =	ssyncadd.s32 $0xFFFFC000  }
0x7a: {  	[tilespmem:s17], [sflag:$0x2] =	stream.indirect.gather [hbm4b:s4+s14], $0x80, s14, s14, $0xb8;
	[tilespmem:$0x1C400] =	vst v63  }
0x7b: {  	_ = 	snop  }
0x7c: {  	[spmem:s1] =	stream.indirect.scatter.add.f32 [tilespmem:s15], [sflag:$0x3], $0x80, s13, s14, $0xb8;
	[tilespmem:$0x1C400] =	vst v63  }
0x7d: {  	_ =	swait.ge [sflag:s12], $0x4000  }
0x7e: {  	[sflag:s12] =	ssyncset.done $0x0  }
0x7f: {  	[sflag:s12] =	ssyncadd.s32 $0xFFFFC000  }
0x80: {  	_ =	swait.ge [sflag:s18], $0x4000  }
0x81: {  	[sflag:s18] =	ssyncset.done $0x0  }
0x82: {  	[sflag:s18] =	ssyncadd.s32 $0xFFFFC000  }
0x83: {  	[tilespmem:s15], [sflag:$0x1] =	stream.indirect.gather [hbm4b:s4+s14], $0x80, s19, s14, $0xb8;
	[tilespmem:$0x1C400] =	vst v63  }
0x84: {  	_ = 	snop  }
0x85: {  	[spmem:s1] =	stream.indirect.scatter.add.f32 [tilespmem:s17], [sflag:$0x3], $0x80, s20, s14, $0xb8;
	[tilespmem:$0x1C400] =	vst v63  }
0x86: {  	_ =	swait.ge [sflag:s12], $0x4000  }
0x87: {  	[sflag:s12] =	ssyncset.done $0x0  }
0x88: {  	[sflag:s12] =	ssyncadd.s32 $0xFFFFC000  }
0x89: {  	_ =	swait.ge [sflag:s16], $0x4000  }
0x8a: {  	[sflag:s16] =	ssyncset.done $0x0  }
0x8b: {  	[sflag:s16] =	ssyncadd.s32 $0xFFFFC000  }
0x8c: {  	[tilespmem:s17], [sflag:$0x2] =	stream.indirect.gather [hbm4b:s4+s14], $0x80, s21, s14, $0xb8;
	[tilespmem:$0x1C400] =	vst v63  }
0x8d: {  	_ = 	snop  }
0x8e: {  	[spmem:s1] =	stream.indirect.scatter.add.f32 [tilespmem:s15], [sflag:$0x3], $0x80, s22, s14, $0xb8;
	[tilespmem:$0x1C400] =	vst v63  }
0x8f: {  	_ =	swait.ge [sflag:s12], $0x4000  }
0x90: {  	[sflag:s12] =	ssyncset.done $0x0  }
0x91: {  	[sflag:s12] =	ssyncadd.s32 $0xFFFFC000  }
0x92: {  	_ =	swait.ge [sflag:s18], $0x4000  }
0x93: {  	[sflag:s18] =	ssyncset.done $0x0  }
0x94: {  	[sflag:s18] =	ssyncadd.s32 $0xFFFFC000  }
0x95: {  	[tilespmem:s15], [sflag:$0x1] =	stream.indirect.gather [hbm4b:s4+s14], $0x80, s23, s14, $0xb8;
	[tilespmem:$0x1C400] =	vst v63  }
0x96: {  	_ = 	snop  }
0x97: {  	[spmem:s1] =	stream.indirect.scatter.add.f32 [tilespmem:s17], [sflag:$0x3], $0x80, s24, s14, $0xb8;
	[tilespmem:$0x1C400] =	vst v63  }
0x98: {  	_ =	swait.ge [sflag:s12], $0x4000  }
0x99: {  	[sflag:s12] =	ssyncset.done $0x0  }
0x9a: {  	[sflag:s12] =	ssyncadd.s32 $0xFFFFC000  }
0x9b: {  	_ =	swait.ge [sflag:s16], $0x4000  }
0x9c: {  	[sflag:s16] =	ssyncset.done $0x0  }
0x9d: {  	[sflag:s16] =	ssyncadd.s32 $0xFFFFC000  }
0x9e: {  	[tilespmem:s17], [sflag:$0x2] =	stream.indirect.gather [hbm4b:s4+s14], $0x80, s25, s14, $0xb8;
	[tilespmem:$0x1C400] =	vst v63  }
0x9f: {  	_ = 	snop  }
0xa0: {  	[spmem:s1] =	stream.indirect.scatter.add.f32 [tilespmem:s15], [sflag:$0x3], $0x80, s26, s14, $0xb8;
	[tilespmem:$0x1C400] =	vst v63  }
0xa1: {  	_ =	swait.ge [sflag:s12], $0x4000  }
0xa2: {  	[sflag:s12] =	ssyncset.done $0x0  }
0xa3: {  	[sflag:s12] =	ssyncadd.s32 $0xFFFFC000  }
0xa4: {  	_ =	swait.ge [sflag:s18], $0x4000  }
0xa5: {  	[sflag:s18] =	ssyncset.done $0x0  }
0xa6: {  	[sflag:s18] =	ssyncadd.s32 $0xFFFFC000  }
0xa7: {  	[tilespmem:s15], [sflag:$0x1] =	stream.indirect.gather [hbm4b:s4+s14], $0x80, s28, s14, $0xb8;
	[tilespmem:$0x1C400] =	vst v63  }
0xa8: {  	_ = 	snop  }
0xa9: {  	[spmem:s1] =	stream.indirect.scatter.add.f32 [tilespmem:s17], [sflag:$0x3], $0x80, s29, s14, $0xb8;
	[tilespmem:$0x1C400] =	vst v63  }
0xaa: {  	_ =	swait.ge [sflag:s12], $0x4000  }
0xab: {  	[sflag:s12] =	ssyncset.done $0x0  }
0xac: {  	[sflag:s12] =	ssyncadd.s32 $0xFFFFC000  }
0xad: {  	_ =	swait.ge [sflag:s16], $0x4000  }
0xae: {  	[sflag:s16] =	ssyncset.done $0x0  }
0xaf: {  	[sflag:s16] =	ssyncadd.s32 $0xFFFFC000  }
0xb0: {  	[tilespmem:s17], [sflag:$0x2] =	stream.indirect.gather [hbm4b:s4+s14], $0x80, s30, s14, $0xb8;
	[tilespmem:$0x1C400] =	vst v63  }
0xb1: {  	_ = 	snop  }
0xb2: {  	[spmem:s1] =	stream.indirect.scatter.add.f32 [tilespmem:s15], [sflag:$0x3], $0x80, s31, s14, $0xb8;
	[tilespmem:$0x1C400] =	vst v63  }
0xb3: {  	_ =	swait.ge [sflag:s12], $0x4000  }
0xb4: {  	[sflag:s12] =	ssyncset.done $0x0  }
0xb5: {  	[sflag:s12] =	ssyncadd.s32 $0xFFFFC000  }
0xb6: {  	_ =	swait.ge [sflag:s18], $0x4000  }
.Ltmp0:
0xb7: {  	[sflag:s18] =	ssyncset.done $0x0;
	(pc) =	sbr.rel @p0 .LBB2_2-.Ltmp0, $4  }
0xb8: {  	[sflag:s18] =	ssyncadd.s32 $0xFFFFC000  }
0xb9: {  	[spmem:s1] =	stream.indirect.scatter.add.f32 [tilespmem:s17], [sflag:$0x3], $0x80, s0, s14, $0xb8;
	[tilespmem:$0x1C400] =	vst v63  }
0xba: {  	_ =	swait.ge [sflag:s12], $0x4000  }
0xbb: {  	s7 =	smov.u32 s8;
	[sflag:s12] =	ssyncset.done $0x0  }
0xbc: {  	s6 =	sadd.s32 s5, s10;
	[sflag:s12] =	ssyncadd.s32 $0xFFFFC000  }
0xbd: {  	[tilespmem:s3], [sflag:$0x3] =	stream.linear.gather [hbm4b:s6+s3], $0x400, $0x38;
	[tilespmem:$0x1C400] =	vst v63  }
0xbe: {  	_ =	swait.ge [sflag:s12], $0x400  }
0xbf: {  	[sflag:s12] =	ssyncset.done $0x0  }
0xc0: {  	s7 =	sadd.s32 s5, s9;
	[sflag:s12] =	ssyncadd.s32 $0xFFFFFC00  }
0xc1: {  	[tilespmem:s13], [sflag:$0x3] =	stream.linear.gather [hbm4b:s7+s3], $0x400, $0x38;
	[tilespmem:$0x1C400] =	vst v63  }
0xc2: {  	_ =	swait.ge [sflag:s12], $0x400  }
0xc3: {  	[sflag:s12] =	ssyncset.done $0x0  }
0xc4: {  	[sflag:s12] =	ssyncadd.s32 $0xFFFFFC00  }
0xc5: {  	[tilespmem:s15], [sflag:$0x1] =	stream.indirect.gather [hbm4b:s4+s14], $0x80, s3, s14, $0xb8;
	[tilespmem:$0x1C400] =	vst v63  }
0xc6: {  	_ =	swait.ge [sflag:s16], $0x4000  }
0xc7: {  	[sflag:s16] =	ssyncset.done $0x0  }
0xc8: {  	[sflag:s16] =	ssyncadd.s32 $0xFFFFC000  }
0xc9: {  	[tilespmem:s17], [sflag:$0x2] =	stream.indirect.gather [hbm4b:s4+s14], $0x80, s14, s14, $0xb8;
	[tilespmem:$0x1C400] =	vst v63  }
0xca: {  	_ = 	snop  }
0xcb: {  	[spmem:s1] =	stream.indirect.scatter.add.f32 [tilespmem:s15], [sflag:$0x3], $0x80, s13, s14, $0xb8;
	[tilespmem:$0x1C400] =	vst v63  }
0xcc: {  	_ =	swait.ge [sflag:s12], $0x4000  }
0xcd: {  	[sflag:s12] =	ssyncset.done $0x0  }
0xce: {  	[sflag:s12] =	ssyncadd.s32 $0xFFFFC000  }
0xcf: {  	_ =	swait.ge [sflag:s18], $0x4000  }
0xd0: {  	[sflag:s18] =	ssyncset.done $0x0  }
0xd1: {  	[sflag:s18] =	ssyncadd.s32 $0xFFFFC000  }
0xd2: {  	[tilespmem:s15], [sflag:$0x1] =	stream.indirect.gather [hbm4b:s4+s14], $0x80, s19, s14, $0xb8;
	[tilespmem:$0x1C400] =	vst v63  }
0xd3: {  	_ = 	snop  }
0xd4: {  	[spmem:s1] =	stream.indirect.scatter.add.f32 [tilespmem:s17], [sflag:$0x3], $0x80, s20, s14, $0xb8;
	[tilespmem:$0x1C400] =	vst v63  }
0xd5: {  	_ =	swait.ge [sflag:s12], $0x4000  }
0xd6: {  	[sflag:s12] =	ssyncset.done $0x0  }
0xd7: {  	[sflag:s12] =	ssyncadd.s32 $0xFFFFC000  }
0xd8: {  	_ =	swait.ge [sflag:s16], $0x4000  }
0xd9: {  	[sflag:s16] =	ssyncset.done $0x0  }
0xda: {  	[sflag:s16] =	ssyncadd.s32 $0xFFFFC000  }
0xdb: {  	[tilespmem:s17], [sflag:$0x2] =	stream.indirect.gather [hbm4b:s4+s14], $0x80, s21, s14, $0xb8;
	[tilespmem:$0x1C400] =	vst v63  }
0xdc: {  	_ = 	snop  }
0xdd: {  	[spmem:s1] =	stream.indirect.scatter.add.f32 [tilespmem:s15], [sflag:$0x3], $0x80, s22, s14, $0xb8;
	[tilespmem:$0x1C400] =	vst v63  }
0xde: {  	_ =	swait.ge [sflag:s12], $0x4000  }
0xdf: {  	[sflag:s12] =	ssyncset.done $0x0  }
0xe0: {  	[sflag:s12] =	ssyncadd.s32 $0xFFFFC000  }
0xe1: {  	_ =	swait.ge [sflag:s18], $0x4000  }
0xe2: {  	[sflag:s18] =	ssyncset.done $0x0  }
0xe3: {  	[sflag:s18] =	ssyncadd.s32 $0xFFFFC000  }
0xe4: {  	[tilespmem:s15], [sflag:$0x1] =	stream.indirect.gather [hbm4b:s4+s14], $0x80, s23, s14, $0xb8;
	[tilespmem:$0x1C400] =	vst v63  }
0xe5: {  	_ = 	snop  }
0xe6: {  	[spmem:s1] =	stream.indirect.scatter.add.f32 [tilespmem:s17], [sflag:$0x3], $0x80, s24, s14, $0xb8;
	[tilespmem:$0x1C400] =	vst v63  }
0xe7: {  	_ =	swait.ge [sflag:s12], $0x4000  }
0xe8: {  	[sflag:s12] =	ssyncset.done $0x0  }
0xe9: {  	[sflag:s12] =	ssyncadd.s32 $0xFFFFC000  }
0xea: {  	_ =	swait.ge [sflag:s16], $0x4000  }
0xeb: {  	[sflag:s16] =	ssyncset.done $0x0  }
0xec: {  	[sflag:s16] =	ssyncadd.s32 $0xFFFFC000  }
0xed: {  	[tilespmem:s17], [sflag:$0x2] =	stream.indirect.gather [hbm4b:s4+s14], $0x80, s25, s14, $0xb8;
	[tilespmem:$0x1C400] =	vst v63  }
0xee: {  	_ = 	snop  }
0xef: {  	[spmem:s1] =	stream.indirect.scatter.add.f32 [tilespmem:s15], [sflag:$0x3], $0x80, s26, s14, $0xb8;
	[tilespmem:$0x1C400] =	vst v63  }
0xf0: {  	_ =	swait.ge [sflag:s12], $0x4000  }
0xf1: {  	[sflag:s12] =	ssyncset.done $0x0  }
0xf2: {  	[sflag:s12] =	ssyncadd.s32 $0xFFFFC000  }
0xf3: {  	_ =	swait.ge [sflag:s18], $0x4000  }
0xf4: {  	[sflag:s18] =	ssyncset.done $0x0  }
0xf5: {  	[sflag:s18] =	ssyncadd.s32 $0xFFFFC000  }
0xf6: {  	[tilespmem:s15], [sflag:$0x1] =	stream.indirect.gather [hbm4b:s4+s14], $0x80, s28, s14, $0xb8;
	[tilespmem:$0x1C400] =	vst v63  }
0xf7: {  	_ = 	snop  }
0xf8: {  	[spmem:s1] =	stream.indirect.scatter.add.f32 [tilespmem:s17], [sflag:$0x3], $0x80, s29, s14, $0xb8;
	[tilespmem:$0x1C400] =	vst v63  }
0xf9: {  	_ =	swait.ge [sflag:s12], $0x4000  }
0xfa: {  	[sflag:s12] =	ssyncset.done $0x0  }
0xfb: {  	[sflag:s12] =	ssyncadd.s32 $0xFFFFC000  }
0xfc: {  	_ =	swait.ge [sflag:s16], $0x4000  }
0xfd: {  	[sflag:s16] =	ssyncset.done $0x0  }
0xfe: {  	[sflag:s16] =	ssyncadd.s32 $0xFFFFC000  }
0xff: {  	[tilespmem:s17], [sflag:$0x2] =	stream.indirect.gather [hbm4b:s4+s14], $0x80, s30, s14, $0xb8;
	[tilespmem:$0x1C400] =	vst v63  }
0x100: {  	_ = 	snop  }
0x101: {  	[spmem:s1] =	stream.indirect.scatter.add.f32 [tilespmem:s15], [sflag:$0x3], $0x80, s31, s14, $0xb8;
	[tilespmem:$0x1C400] =	vst v63  }
0x102: {  	_ =	swait.ge [sflag:s12], $0x4000  }
0x103: {  	[sflag:s12] =	ssyncset.done $0x0  }
0x104: {  	[sflag:s12] =	ssyncadd.s32 $0xFFFFC000  }
0x105: {  	_ =	swait.ge [sflag:s18], $0x4000  }
0x106: {  	[sflag:s18] =	ssyncset.done $0x0  }
0x107: {  	[sflag:s18] =	ssyncadd.s32 $0xFFFFC000  }
0x108: {  	[spmem:s1] =	stream.indirect.scatter.add.f32 [tilespmem:s17], [sflag:$0x3], $0x80, s0, s14, $0xb8;
	[tilespmem:$0x1C400] =	vst v63  }
0x109: {  	_ =	swait.ge [sflag:s12], $0x4000  }
0x10a: {  	[sflag:s12] =	ssyncset.done $0x0  }
0x10b: {  	[sflag:s12] =	ssyncadd.s32 $0xFFFFC000  }
0x10c: {  	[bflag:$0x0] =	sbarrier.arrive $0xFFFF  }
0x10d: {  	s6 =	rddreg [dreg:$0x5]  }
0x10e: {  	s8 =	rddreg [dreg:$0x6]  }
0x10f: {  	s7 =	rddreg [dreg:$0x8]  }
0x110: {  	[hbm:s8], [sflag:s6] =	dma.local [spmem:s7], $0x2780  }
0x111: {  	_ =	swait.ge [sflag:s12], $0x2780  }
0x112: {  	s2 =	sadd.s32 $0x1, s2;
	s11 =	rddreg [dreg:$0x7]  }
0x113: {  	p0 =	sne.s32 s2, s11  }
.Ltmp1:
0x114: {  	_ = 	snop;
	(pc) =	sbr.rel @p0 .LBB2_1-.Ltmp1, $3  }
0x115: {  	_ =	sdelay $0x1  }
0x116: {  	[sflag:s12] =	ssyncset.done $0x0  }
0x117: {  	[sflag:s12] =	ssyncadd.s32 $0xFFFFD880  }
0x118: {  	_ =	sfence.sel $0x180000  }
0x119: {  	[bflag:$0x0] =	sbarrier.arrive $0xFFFF  }
0x11a: {  	_ =	strace $0x9000004A  }
0x11b: {  	s0 =	stileid.u32;
	[bflag:$0x2] =	sbarrier.arrive $0xFFFF  }
0x11c: {  	p0 =	sne.s32 s0, $0x0;
	s0 =	rddreg [dreg:$0x3]  }
0x11d: {  	s0 =	sadd.s32 @!p0 $0x100000, s0  }
0x11e: {  	[sflag:s0] =	ssyncadd.tile.s32 @!p0 $0x1;
	_ =	shalt  }
.Lfunc_end2:
_tile_overlayer_lowered:
.L_overlay_start_2:
0x11f: {  	(tag) =	ssettag $0x2  }
0x120: {  	s0 =	rddreg [dreg:$0x0];
	s2 =	stileid.u32  }
0x121: {  	s1 =	rddreg [dreg:$0x1];
	p0 =	sne.s32 s2, $0x0  }
0x122: {  	s3 =	rddreg [dreg:$0x2];
	[bflag:$0x3] =	sbarrier.arrive $0xFFFF;
	s2 =	simm.s32 @!p0 $0x1C03  }
0x123: {  	[timem:s3], [sflag:s2] =	dma.local @!p0 [hbm:s0], s1  }
0x124: {  	s0 =	simm.s32 @!p0 $0x3  }
0x125: {  	_ =	swait.ge @!p0 [sflag:s0], s1  }
0x126: {  	s1 =	ssub.s32 @!p0 $0x0, s1;
	[sflag:s0] =	ssyncset.done @!p0 $0x0  }
0x127: {  	[sflag:s0] =	ssyncadd.s32 @!p0 s1  }
0x128: {  	[bflag:$0x3] =	sbarrier.arrive $0xFFFF  }
0x129: {  	_ =	shalt  }

// kernel: kernel.9.cloned.1.call-start
scs
__scs_entry_jumppad:
0x0: {  	(pc) =	sbr.rel $0x88, $3  }
0x1: {  	(tag) =	ssettag $0x0;
	lr =	simm.s32 $0x1  }
0x2: {  	[smem:$0x3F91] =	sst lr;
	_ =	strace $0xD0000000  }
0x3: {  	_ = 	snop  }
0x4: {  	_ = 	snop  }
0x5: {  	_ = 	snop  }
0x6: {  	_ = 	snop  }
0x7: {  	_ = 	snop  }
__scs_overlays_trampoline_lowered:
0x8: {  	[smem:$0x3FA0] =	sst s0  }
0x9: {  	[smem:$0x3FA1] =	sst s1  }
0xa: {  	[smem:$0x3FA2] =	sst s2  }
0xb: {  	[smem:$0x3FA3] =	sst s3  }
0xc: {  	[smem:$0x3FA4] =	sst s4  }
0xd: {  	[smem:$0x3FA5] =	sst s5  }
0xe: {  	[smem:$0x3FA6] =	sst s6  }
0xf: {  	[smem:$0x3FA7] =	sst s7  }
0x10: {  	[smem:$0x3FA8] =	sst s8  }
0x11: {  	[smem:$0x3FA9] =	sst s9;
	s0 =	simm.s32 @!p0 $0x0  }
0x12: {  	s1 =	sld [smem:$0x3F8F];
	s0 =	simm.s32 @p0 $0x1  }
0x13: {  	[smem:$0x3FAA] =	sst s0;
	s0 =	simm.s32 @!p1 $0x0  }
0x14: {  	s2 =	sld [smem:$0x3F8E];
	s0 =	simm.s32 @p1 $0x1  }
0x15: {  	[smem:$0x3FAB] =	sst s0;
	s0 =	simm.s32 @!p2 $0x0  }
0x16: {  	s3 =	sld [smem:$0x3FDB];
	s0 =	simm.s32 @p2 $0x1  }
0x17: {  	s4 =	simm.s32 $0x1BF5;
	[smem:$0x3FAD] =	sst s0  }
0x18: {  	s0 =	sld [smem:$0x3F90];
	_ =	swait.ge [sflag:s4], $0x0  }
0x19: {  	s7 =	sld [smem:$0x3F91]  }
0x1a: {  	s8 =	sadd.s32 $0xFFFFE003, lr  }
0x1b: {  	s9 =	sadd.s32 $0xFFFFFEF7, lr;
	s5 =	simm.s32 $0xFFFFFFFF;
	p2 =	slt.u32 s8, $0xFFFFF086  }
0x1c: {  	p1 =	slt.u32 s9, $0xF7A;
	s5 =	simm.s32 @!p2 $0x0  }
0x1d: {  	s5 =	simm.s32 @p1 $0x1;
	p0 =	seq.s32 s7, s2  }
0x1e: {  	s7 =	smul.u32 @!p0 $0xF7A, s2;
	p2 =	seq.s32 @!p0 s5, $0x0  }
0x1f: {  	s9 =	smul.u32 $0xF7A, s1;
	s8 =	simm.s32 @!p0 $0x1BF5;
	p2 =	por !p2, p0  }
0x20: {  	[sflag:s8] =	ssyncset.s32 @!p0 $0xFFFFF086;
	s6 =	sadd.s32 @!p0 s3, s7;
	s7 =	simm.s32 @!p0 $0x108  }
0x21: {  	s3 =	sadd.s32 s3, s9;
	s6 =	sadd.s32 @!p0 $0x88, s6;
	s7 =	simm.s32 @p2 $0x1082  }
0x22: {  	[simem:s7], [sflag:s8] =	dma.local @!p0 [hbm:s6], $0xF7A  }
0x23: {  	s9 =	sor.u32 $0xD0000000, s2;
	s6 =	simm.s32 $0x108;
	_ =	swait.ge @!p0 [sflag:s8], $0x0  }
0x24: {  	s3 =	sadd.s32 $0x88, s3;
	s6 =	simm.s32 @!p1 $0x1082;
	[sflag:s4] =	ssyncset.s32 $0xFFFFF086  }
0x25: {  	[simem:s6], [sflag:s4] =	dma.local [hbm:s3], $0xF7A  }
0x26: {  	[smem:$0x3F91] =	sst s1;
	(tag) =	ssettag s2;
	_ =	strace s9  }
0x27: {  	s1 =	sld [smem:$0x3FA1]  }
0x28: {  	s2 =	sld [smem:$0x3FA2]  }
0x29: {  	s4 =	sld [smem:$0x3FA4]  }
0x2a: {  	p0 =	seq.s32 s5, $0x0;
	s5 =	sld [smem:$0x3FA5]  }
0x2b: {  	s6 =	sld [smem:$0x3FA6]  }
0x2c: {  	s7 =	sld [smem:$0x3FA7]  }
0x2d: {  	s3 =	simm.s32 $0x108;
	s8 =	sld [smem:$0x3FA8]  }
0x2e: {  	s3 =	simm.s32 @!p0 $0x1082;
	s9 =	sld [smem:$0x3FA9]  }
0x2f: {  	lr =	sadd.s32 s0, s3;
	s0 =	sld [smem:$0x3FA0]  }
0x30: {  	s3 =	sld [smem:$0x3FA3]  }
0x31: {  	[smem:$0x3FAC] =	sst s10  }
0x32: {  	s10 =	sld [smem:$0x3FAA];
	_ =	sdelay $0x3  }
0x33: {  	p0 =	seq.s32 s10, $0x1;
	s10 =	sld [smem:$0x3FAC];
	_ =	sdelay $0x3  }
0x34: {  	[smem:$0x3FAC] =	sst s10  }
0x35: {  	s10 =	sld [smem:$0x3FAB];
	_ =	sdelay $0x3  }
0x36: {  	p1 =	seq.s32 s10, $0x1;
	s10 =	sld [smem:$0x3FAC];
	_ =	sdelay $0x3  }
0x37: {  	[smem:$0x3FAC] =	sst s10  }
0x38: {  	s10 =	sld [smem:$0x3FAD]  }
0x39: {  	_ = 	snop;
	(pc) =	sbr.ind lr, $3  }
0x3a: {  	_ = 	snop  }
0x3b: {  	_ = 	snop  }
0x3c: {  	p2 =	seq.s32 s10, $0x1;
	s10 =	sld [smem:$0x3FAC]  }
0x3d: {  	_ =	shalt  }
0x3e: {  	_ =	shalt  }
0x3f: {  	_ =	shalt  }
0x40: {  	_ =	shalt  }
0x41: {  	_ =	shalt  }
0x42: {  	_ =	shalt  }
0x43: {  	_ =	shalt  }
0x44: {  	_ =	shalt  }
0x45: {  	_ =	shalt  }
0x46: {  	_ =	shalt  }
0x47: {  	_ =	shalt  }
0x48: {  	_ =	shalt  }
0x49: {  	_ =	shalt  }
0x4a: {  	_ =	shalt  }
0x4b: {  	_ =	shalt  }
0x4c: {  	_ =	shalt  }
0x4d: {  	_ =	shalt  }
0x4e: {  	_ =	shalt  }
0x4f: {  	_ =	shalt  }
0x50: {  	_ =	shalt  }
0x51: {  	_ =	shalt  }
0x52: {  	_ =	shalt  }
0x53: {  	_ =	shalt  }
0x54: {  	_ =	shalt  }
0x55: {  	_ =	shalt  }
0x56: {  	_ =	shalt  }
0x57: {  	_ =	shalt  }
0x58: {  	_ =	shalt  }
0x59: {  	_ =	shalt  }
0x5a: {  	_ =	shalt  }
0x5b: {  	_ =	shalt  }
0x5c: {  	_ =	shalt  }
0x5d: {  	_ =	shalt  }
0x5e: {  	_ =	shalt  }
0x5f: {  	_ =	shalt  }
0x60: {  	_ =	shalt  }
0x61: {  	_ =	shalt  }
0x62: {  	_ =	shalt  }
0x63: {  	_ =	shalt  }
0x64: {  	_ =	shalt  }
0x65: {  	_ =	shalt  }
0x66: {  	_ =	shalt  }
0x67: {  	_ =	shalt  }
0x68: {  	_ =	shalt  }
0x69: {  	_ =	shalt  }
0x6a: {  	_ =	shalt  }
0x6b: {  	_ =	shalt  }
0x6c: {  	_ =	shalt  }
0x6d: {  	_ =	shalt  }
0x6e: {  	_ =	shalt  }
0x6f: {  	_ =	shalt  }
0x70: {  	_ =	shalt  }
0x71: {  	_ =	shalt  }
0x72: {  	_ =	shalt  }
0x73: {  	_ =	shalt  }
0x74: {  	_ =	shalt  }
0x75: {  	_ =	shalt  }
0x76: {  	_ =	shalt  }
0x77: {  	_ =	shalt  }
0x78: {  	_ =	shalt  }
0x79: {  	_ =	shalt  }
0x7a: {  	_ =	shalt  }
0x7b: {  	_ =	shalt  }
0x7c: {  	_ =	shalt  }
0x7d: {  	_ =	shalt  }
0x7e: {  	_ =	shalt  }
0x7f: {  	_ =	shalt  }
0x80: {  	_ =	shalt  }
0x81: {  	_ =	shalt  }
0x82: {  	_ =	shalt  }
0x83: {  	_ =	shalt  }
0x84: {  	_ =	shalt  }
0x85: {  	_ =	shalt  }
0x86: {  	_ =	shalt  }
0x87: {  	_ =	shalt  }
.Lfunc_end0:
.L_simem_size_0:
called_computation_lowered:
.L_overlay_start_0:
0x88: {  	s2 =	sld [smem:$0x3FD9]  }
0x89: {  	s3 =	sld [smem:$0x3FFE];
	_ =	sdelay $0x1  }
0x8a: {  	s1 =	srdreg.scid  }
0x8b: {  	s0 =	sand.u32 $0x1, s1  }
0x8c: {  	s17 =	sshll.u32 s0, $0xA;
	s2 =	sadd.s32 s3, s2  }
0x8d: {  	s2 =	sadd.s32 s2, s17  }
0x8e: {  	[smem:$0x3FB8] =	sst s2  }
0x8f: {  	_ = 	snop  }
0x90: {  	s2 =	sld [smem:$0x3FD0];
	(tm) =	ssettm $0x1  }
0x91: {  	s18 =	sld [smem:$0x3FFB];
	_ =	sdelay $0x3  }
0x92: {  	_ =	strace s18  }
0x93: {  	s3 =	sld [smem:$0x3FFC];
	_ =	sdelay $0x3  }
0x94: {  	_ =	strace s3  }
0x95: {  	s3 =	sld [smem:$0x3FFD];
	_ =	sdelay $0x3  }
0x96: {  	_ =	strace s3  }
0x97: {  	_ =	strace $0x8FFFFFFF  }
0x98: {  	s19 =	sld [smem:$0x3FDB];
	_ =	sdelay $0x1  }
0x99: {  	s4 =	simm.s32 $_scs_section_size  }
0x9a: {  	s5 =	simm.s32 $_size__tile_overlayer_lowered;
	s6 =	simm.s32 $_tile_overlayer_lowered  }
0x9b: {  	s22 =	simm.s32 $0x1BFF;
	s21 =	sshll.u32 s6, $0x1;
	s3 =	sadd.s32 s4, s19  }
0x9c: {  	s7 =	simm.s32 $0x0;
	s20 =	sshll.u32 s5, $0x1;
	s5 =	sadd.s32 s21, s3  }
0x9d: {  	[timem:s7], [sflag:s22] =	dma.local [hbm:s5], s20  }
0x9e: {  	_ =	swait.ge [sflag:s22], s20  }
0x9f: {  	s4 =	ssub.s32 $0x0, s20;
	[sflag:s22] =	ssyncset.done $0x0  }
0xa0: {  	[sflag:s22] =	ssyncadd.s32 s4;
	_ =	sdelay $0x1  }
0xa1: {  	s23 =	simm.s32 $0x1B8B  }
0xa2: {  	_ =	swait.ge [sflag:s23], $0x1  }
0xa3: {  	[sflag:s23] =	ssyncset.done $0x0  }
0xa4: {  	s25 =	simm.s32 $0x1B8E;
	s24 =	sld [smem:$0x3FFE];
	[sflag:s23] =	ssyncadd.s32 $0xFFFFFFFF  }
0xa5: {  	s26 =	simm.s32 $execute0_lowered;
	[smem:$0x3FD2] =	sst s25  }
0xa6: {  	s5 =	sshll.u32 s26, $0x1;
	_ =	strace $0x80000046;
	[dreg:$0x1] =	wrdreg $0xFFFFFFFF  }
0xa7: {  	s28 =	simm.s32 $_size_execute0_lowered;
	s3 =	sadd.s32 s3, s5;
	[dreg:$0x0] =	wrdreg $0x0  }
0xa8: {  	s5 =	sshll.u32 s28, $0x1;
	[dreg:$0x2] =	wrdreg s3  }
0xa9: {  	[dreg:$0x3] =	wrdreg s5  }
0xaa: {  	[dreg:$0x4] =	wrdreg $0xC0  }
0xab: {  	_ =	task [dreg:s7], $0x5FFFF  }
0xac: {  	[dreg:$0x1] =	wrdreg $0xFFFFFFFF  }
0xad: {  	[dreg:$0x0] =	wrdreg $0x60  }
0xae: {  	[dreg:$0x2] =	wrdreg s24  }
0xaf: {  	[dreg:$0x3] =	wrdreg s2  }
0xb0: {  	[dreg:$0x4] =	wrdreg $0x88000  }
0xb1: {  	[dreg:$0x5] =	wrdreg $0x9  }
0xb2: {  	_ =	task.clear_ibuf [dreg:s7], $0x6FFFF;
	_ =	strace $0x90000046  }
0xb3: {  	s29 =	simm.s32 $0x9;
	_ =	strace $0x80000048  }
0xb4: {  	_ =	swait.ge [sflag:s29], $0x1  }
0xb5: {  	[sflag:s29] =	ssyncadd.s32 $0xFFFFFFFF  }
0xb6: {  	_ =	strace $0x90000048  }
0xb7: {  	_ =	sfence  }
0xb8: {  	s30 =	sld [smem:$0x0];
	_ =	sdelay $0x2  }
0xb9: {  	s31 =	sshll.u32 s1, $0xD;
	s1 =	sshrl.u32 s1, $0x2  }
0xba: {  	s3 =	sand.u32 $0x4000, s31;
	s1 =	sadd.s32 s1, s30  }
0xbb: {  	s0 =	sor.u32 s3, s0;
	s1 =	sshll.u32 s1, $0x11  }
0xbc: {  	s0 =	sor.u32 s1, s0  }
0xbd: {  	s0 =	sadd.s32 $0x8F2B, s0  }
0xbe: {  	[sflag:s0] =	ssyncadd.remote.s32 $0x1  }
0xbf: {  	_ =	sfence.sel $0xFFFF  }
0xc0: {  	[dreg:$0x0] =	wrdreg $0xFFFFFFFF;
	(pc) =	sbr.abs _section_cstart, $3  }
0xc1: {  	[dreg:$0x1] =	wrdreg $0xFFFFFFFF  }
0xc2: {  	_ =	task.clear_ibuf [dreg:s7], $0x2FFFF;
	_ =	strace $0x9FFFFFFF  }
0xc3: {  	(tm) =	ssettm $0x7FFFFFFF  }
tec
execute0_lowered:
.L_overlay_start_1:
0x0: {  	(tag) =	ssettag $0x1  }
0x1: {  	s0 =	rddreg [dreg:$0x0];
	s15 =	stileid.u32  }
0x2: {  	s2 =	rddreg [dreg:$0x1];
	s7 =	smul.u32 $0x13C00, s15  }
0x3: {  	s1 =	rddreg [dreg:$0x2];
	s12 =	smul.u32 $0x4F000, s15  }
0x4: {  	s3 =	srdreg.scid;
	s28 =	simm.s32 $0x580;
	s13 =	smul.u32 $0x50, s15  }
0x5: {  	s29 =	simm.s32 $0x280;
	s30 =	simm.s32 $0x600;
	s23 =	smul.u32 $0x28000, s15  }
0x6: {  	s31 =	simm.s32 $0x300;
	s5 =	sand.u32 $0x1, s3;
	s24 =	smul.u32 $0x500, s15  }
0x7: {  	s3 =	simm.s32 $0x0;
	s4 =	sadd.s32 $0x2A800, s0;
	s6 =	smul.u32 $0x280000, s5  }
0x8: {  	s9 =	sadd.s32 $0x79800, s0;
	s20 =	sshll.u32 s15, $0x6;
	s8 =	smul.u32 $0x13C000, s5  }
0x9: {  	s15 =	simm.s32 $0x3;
	[smem:$0x7FF] =	sst s3;
	s18 =	smul.u32 $0x500, s5  }
0xa: {  	s16 =	ssub.s32 $0x2, s5;
	s5 =	smul.u32 $0x5000, s5;
	_ =	strace $0x80000047  }
0xb: {  	s10 =	sshrl.u32 s7, $0x3;
	s11 =	sshrl.u32 s16, $0x1;
	s19 =	sshrl.u32 s12, $0x2  }
0xc: {  	s12 =	sor.u32 $0x1C03, s20;
	s20 =	simm.s32 $0x4800;
	s6 =	sadd.s32 s6, s0  }
0xd: {  	s10 =	sadd.s32 s10, s0;
	s7 =	sadd.s32 s7, s8;
	s17 =	ssub.s32 s16, s11  }
0xe: {  	s14 =	sadd.s32 s19, s1;
	s8 =	sadd.s32 s13, s18;
	s25 =	sadd.s32 s5, s9  }
0xf: {  	s16 =	simm.s32 $0x400;
	s18 =	simm.s32 $0x800;
	s19 =	simm.s32 $0x1  }
0x10: {  	s7 =	sshrl.u32 s7, $0x3;
	s10 =	sadd.s32 $0x83800, s10;
	s22 =	sshll.u32 s8, $0x4  }
0x11: {  	s26 =	sadd.s32 s23, s6;
	s6 =	sshrl.u32 s14, $0x3;
	s14 =	smov.u32 s12  }
0x12: {  	s23 =	simm.s32 $0x480;
	s8 =	simm.s32 $0x780;
	s0 =	sadd.s32 s7, s0  }
0x13: {  	[dreg:$0x4] =	wrdreg s10;
	s7 =	smax.u32 s17, $0x1;
	s10 =	sadd.s32 s22, s9  }
0x14: {  	s11 =	sadd.s32 s22, s2;
	s13 =	sadd.s32 $0x123800, s26;
	[dreg:$0x5] =	wrdreg s14  }
0x15: {  	s17 =	simm.s32 $0x80;
	s22 =	simm.s32 $0x100;
	[dreg:$0xa] =	wrdreg s6  }
0x16: {  	s26 =	simm.s32 $0x200;
	s21 =	sadd.s32 $0xAB000, s0;
	[dreg:$0x8] =	wrdreg s7  }
0x17: {  	s2 =	simm.s32 $0x380;
	s0 =	sadd.s32 $0x623800, s0;
	[dreg:$0x6] =	wrdreg s21  }
0x18: {  	s9 =	simm.s32 $0x0;
	s7 =	simm.s32 $0x700;
	[dreg:$0x7] =	wrdreg s0  }
0x19: {  	s0 =	sadd.s32 s24, s25;
	s21 =	simm.s32 $0x2;
	s24 =	simm.s32 $0x180  }
0x1a: {  	s25 =	simm.s32 $0x500;
	[dreg:$0x9] =	wrdreg s0;
	s0 =	simm.s32 $0x680  }
.LBB2_1:
0x1b: {  	[dreg:$0xb] =	wrdreg s9  }
0x1c: {  	s5 =	rddreg [dreg:$0x4]  }
0x1d: {  	[spmem:s6], [sflag:s14] =	dma.local [hbm:s5], $0x2780  }
0x1e: {  	_ =	swait.ge [sflag:s15], $0x2780  }
0x1f: {  	[sflag:s15] =	ssyncset.done $0x0  }
0x20: {  	[sflag:s15] =	ssyncadd.s32 $0xFFFFD880  }
0x21: {  	s12 =	sadd.s32 $0x0, s11;
	[bflag:$0x0] =	sbarrier.arrive $0xFFFF  }
0x22: {  	[tilespmem:s3], [sflag:$0x3] =	stream.linear.gather [hbm4b:s12+s3], $0x400, $0x38;
	[tilespmem:$0x1C400] =	vst v63  }
0x23: {  	_ =	swait.ge [sflag:s15], $0x400  }
0x24: {  	[sflag:s15] =	ssyncset.done $0x0  }
0x25: {  	s14 =	sadd.s32 $0x0, s10;
	[sflag:s15] =	ssyncadd.s32 $0xFFFFFC00  }
0x26: {  	[tilespmem:s16], [sflag:$0x3] =	stream.linear.gather [hbm4b:s14+s3], $0x400, $0x38;
	[tilespmem:$0x1C400] =	vst v63  }
0x27: {  	_ =	swait.ge [sflag:s15], $0x400  }
0x28: {  	[sflag:s15] =	ssyncset.done $0x0  }
0x29: {  	[sflag:s15] =	ssyncadd.s32 $0xFFFFFC00  }
0x2a: {  	[tilespmem:s18], [sflag:$0x1] =	stream.indirect.gather [hbm4b:s4+s17], $0x80, s3, s17, $0xb8;
	[tilespmem:$0x1C400] =	vst v63  }
0x2b: {  	_ =	swait.ge [sflag:s19], $0x4000  }
0x2c: {  	[sflag:s19] =	ssyncset.done $0x0  }
0x2d: {  	[sflag:s19] =	ssyncadd.s32 $0xFFFFC000  }
0x2e: {  	[tilespmem:s20], [sflag:$0x2] =	stream.indirect.gather [hbm4b:s4+s17], $0x80, s17, s17, $0xb8;
	[tilespmem:$0x1C400] =	vst v63  }
0x2f: {  	_ = 	snop  }
0x30: {  	[spmem:s1] =	stream.indirect.scatter.add.f32 [tilespmem:s18], [sflag:$0x3], $0x80, s16, s17, $0xb8;
	[tilespmem:$0x1C400] =	vst v63  }
0x31: {  	_ =	swait.ge [sflag:s15], $0x4000  }
0x32: {  	[sflag:s15] =	ssyncset.done $0x0  }
0x33: {  	[sflag:s15] =	ssyncadd.s32 $0xFFFFC000  }
0x34: {  	_ =	swait.ge [sflag:s21], $0x4000  }
0x35: {  	[sflag:s21] =	ssyncset.done $0x0  }
0x36: {  	[sflag:s21] =	ssyncadd.s32 $0xFFFFC000  }
0x37: {  	[tilespmem:s18], [sflag:$0x1] =	stream.indirect.gather [hbm4b:s4+s17], $0x80, s22, s17, $0xb8;
	[tilespmem:$0x1C400] =	vst v63  }
0x38: {  	_ = 	snop  }
0x39: {  	[spmem:s1] =	stream.indirect.scatter.add.f32 [tilespmem:s20], [sflag:$0x3], $0x80, s23, s17, $0xb8;
	[tilespmem:$0x1C400] =	vst v63  }
0x3a: {  	_ =	swait.ge [sflag:s15], $0x4000  }
0x3b: {  	[sflag:s15] =	ssyncset.done $0x0  }
0x3c: {  	[sflag:s15] =	ssyncadd.s32 $0xFFFFC000  }
0x3d: {  	_ =	swait.ge [sflag:s19], $0x4000  }
0x3e: {  	[sflag:s19] =	ssyncset.done $0x0  }
0x3f: {  	[sflag:s19] =	ssyncadd.s32 $0xFFFFC000  }
0x40: {  	[tilespmem:s20], [sflag:$0x2] =	stream.indirect.gather [hbm4b:s4+s17], $0x80, s24, s17, $0xb8;
	[tilespmem:$0x1C400] =	vst v63  }
0x41: {  	_ = 	snop  }
0x42: {  	[spmem:s1] =	stream.indirect.scatter.add.f32 [tilespmem:s18], [sflag:$0x3], $0x80, s25, s17, $0xb8;
	[tilespmem:$0x1C400] =	vst v63  }
0x43: {  	_ =	swait.ge [sflag:s15], $0x4000  }
0x44: {  	[sflag:s15] =	ssyncset.done $0x0  }
0x45: {  	[sflag:s15] =	ssyncadd.s32 $0xFFFFC000  }
0x46: {  	_ =	swait.ge [sflag:s21], $0x4000  }
0x47: {  	[sflag:s21] =	ssyncset.done $0x0  }
0x48: {  	[sflag:s21] =	ssyncadd.s32 $0xFFFFC000  }
0x49: {  	[tilespmem:s18], [sflag:$0x1] =	stream.indirect.gather [hbm4b:s4+s17], $0x80, s26, s17, $0xb8;
	[tilespmem:$0x1C400] =	vst v63  }
0x4a: {  	_ = 	snop  }
0x4b: {  	[spmem:s1] =	stream.indirect.scatter.add.f32 [tilespmem:s20], [sflag:$0x3], $0x80, s28, s17, $0xb8;
	[tilespmem:$0x1C400] =	vst v63  }
0x4c: {  	_ =	swait.ge [sflag:s15], $0x4000  }
0x4d: {  	[sflag:s15] =	ssyncset.done $0x0  }
0x4e: {  	[sflag:s15] =	ssyncadd.s32 $0xFFFFC000  }
0x4f: {  	_ =	swait.ge [sflag:s19], $0x4000  }
0x50: {  	[sflag:s19] =	ssyncset.done $0x0  }
0x51: {  	[sflag:s19] =	ssyncadd.s32 $0xFFFFC000  }
0x52: {  	[tilespmem:s20], [sflag:$0x2] =	stream.indirect.gather [hbm4b:s4+s17], $0x80, s29, s17, $0xb8;
	[tilespmem:$0x1C400] =	vst v63  }
0x53: {  	_ = 	snop  }
0x54: {  	[spmem:s1] =	stream.indirect.scatter.add.f32 [tilespmem:s18], [sflag:$0x3], $0x80, s30, s17, $0xb8;
	[tilespmem:$0x1C400] =	vst v63  }
0x55: {  	_ =	swait.ge [sflag:s15], $0x4000  }
0x56: {  	[sflag:s15] =	ssyncset.done $0x0  }
0x57: {  	[sflag:s15] =	ssyncadd.s32 $0xFFFFC000  }
0x58: {  	_ =	swait.ge [sflag:s21], $0x4000  }
0x59: {  	[sflag:s21] =	ssyncset.done $0x0  }
0x5a: {  	[sflag:s21] =	ssyncadd.s32 $0xFFFFC000  }
0x5b: {  	[tilespmem:s18], [sflag:$0x1] =	stream.indirect.gather [hbm4b:s4+s17], $0x80, s31, s17, $0xb8;
	[tilespmem:$0x1C400] =	vst v63  }
0x5c: {  	_ = 	snop  }
0x5d: {  	[spmem:s1] =	stream.indirect.scatter.add.f32 [tilespmem:s20], [sflag:$0x3], $0x80, s0, s17, $0xb8;
	[tilespmem:$0x1C400] =	vst v63  }
0x5e: {  	_ =	swait.ge [sflag:s15], $0x4000  }
0x5f: {  	[sflag:s15] =	ssyncset.done $0x0  }
0x60: {  	[sflag:s15] =	ssyncadd.s32 $0xFFFFC000  }
0x61: {  	_ =	swait.ge [sflag:s19], $0x4000  }
0x62: {  	[sflag:s19] =	ssyncset.done $0x0  }
0x63: {  	[sflag:s19] =	ssyncadd.s32 $0xFFFFC000  }
0x64: {  	[tilespmem:s20], [sflag:$0x2] =	stream.indirect.gather [hbm4b:s4+s17], $0x80, s2, s17, $0xb8;
	[tilespmem:$0x1C400] =	vst v63  }
0x65: {  	_ = 	snop  }
0x66: {  	[spmem:s1] =	stream.indirect.scatter.add.f32 [tilespmem:s18], [sflag:$0x3], $0x80, s7, s17, $0xb8;
	[tilespmem:$0x1C400] =	vst v63  }
0x67: {  	_ =	swait.ge [sflag:s15], $0x4000  }
0x68: {  	[sflag:s15] =	ssyncset.done $0x0  }
0x69: {  	[sflag:s15] =	ssyncadd.s32 $0xFFFFC000  }
0x6a: {  	_ =	swait.ge [sflag:s21], $0x4000  }
0x6b: {  	[sflag:s21] =	ssyncset.done $0x0  }
0x6c: {  	[sflag:s21] =	ssyncadd.s32 $0xFFFFC000  }
0x6d: {  	[spmem:s1] =	stream.indirect.scatter.add.f32 [tilespmem:s20], [sflag:$0x3], $0x80, s8, s17, $0xb8;
	[tilespmem:$0x1C400] =	vst v63  }
0x6e: {  	_ =	swait.ge [sflag:s15], $0x4000  }
0x6f: {  	s5 =	simm.s32 $0x80;
	s6 =	simm.s32 $0x100;
	[sflag:s15] =	ssyncset.done $0x0  }
.LBB2_2:
0x70: {  	s14 =	sadd.s32 s5, s11  }
0x71: {  	[sflag:s15] =	ssyncadd.s32 $0xFFFFC000;
	s9 =	smov.u32 s6;
	s12 =	sadd.s32 $0x80, s6  }
0x72: {  	[tilespmem:s3], [sflag:$0x3] =	stream.linear.gather [hbm4b:s14+s3], $0x400, $0x38;
	[tilespmem:$0x1C400] =	vst v63  }
0x73: {  	p0 =	sne.s32 s6, $0x480;
	_ =	swait.ge [sflag:s15], $0x400  }
0x74: {  	[sflag:s15] =	ssyncset.done $0x0  }
0x75: {  	s6 =	sadd.s32 s5, s10;
	s5 =	smov.u32 s9;
	[sflag:s15] =	ssyncadd.s32 $0xFFFFFC00  }
0x76: {  	[tilespmem:s16], [sflag:$0x3] =	stream.linear.gather [hbm4b:s6+s3], $0x400, $0x38;
	[tilespmem:$0x1C400] =	vst v63  }
0x77: {  	_ =	swait.ge [sflag:s15], $0x400  }
0x78: {  	[sflag:s15] =	ssyncset.done $0x0  }
0x79: {  	[sflag:s15] =	ssyncadd.s32 $0xFFFFFC00  }
0x7a: {  	[tilespmem:s18], [sflag:$0x1] =	stream.indirect.gather [hbm4b:s4+s17], $0x80, s3, s17, $0xb8;
	[tilespmem:$0x1C400] =	vst v63  }
0x7b: {  	_ =	swait.ge [sflag:s19], $0x4000  }
0x7c: {  	[sflag:s19] =	ssyncset.done $0x0  }
0x7d: {  	[sflag:s19] =	ssyncadd.s32 $0xFFFFC000  }
0x7e: {  	[tilespmem:s20], [sflag:$0x2] =	stream.indirect.gather [hbm4b:s4+s17], $0x80, s17, s17, $0xb8;
	[tilespmem:$0x1C400] =	vst v63  }
0x7f: {  	_ = 	snop  }
0x80: {  	[spmem:s1] =	stream.indirect.scatter.add.f32 [tilespmem:s18], [sflag:$0x3], $0x80, s16, s17, $0xb8;
	[tilespmem:$0x1C400] =	vst v63  }
0x81: {  	_ =	swait.ge [sflag:s15], $0x4000  }
0x82: {  	[sflag:s15] =	ssyncset.done $0x0  }
0x83: {  	[sflag:s15] =	ssyncadd.s32 $0xFFFFC000  }
0x84: {  	_ =	swait.ge [sflag:s21], $0x4000  }
0x85: {  	[sflag:s21] =	ssyncset.done $0x0  }
0x86: {  	[sflag:s21] =	ssyncadd.s32 $0xFFFFC000  }
0x87: {  	[tilespmem:s18], [sflag:$0x1] =	stream.indirect.gather [hbm4b:s4+s17], $0x80, s22, s17, $0xb8;
	[tilespmem:$0x1C400] =	vst v63  }
0x88: {  	_ = 	snop  }
0x89: {  	[spmem:s1] =	stream.indirect.scatter.add.f32 [tilespmem:s20], [sflag:$0x3], $0x80, s23, s17, $0xb8;
	[tilespmem:$0x1C400] =	vst v63  }
0x8a: {  	_ =	swait.ge [sflag:s15], $0x4000  }
0x8b: {  	[sflag:s15] =	ssyncset.done $0x0  }
0x8c: {  	[sflag:s15] =	ssyncadd.s32 $0xFFFFC000  }
0x8d: {  	_ =	swait.ge [sflag:s19], $0x4000  }
0x8e: {  	[sflag:s19] =	ssyncset.done $0x0  }
0x8f: {  	[sflag:s19] =	ssyncadd.s32 $0xFFFFC000  }
0x90: {  	[tilespmem:s20], [sflag:$0x2] =	stream.indirect.gather [hbm4b:s4+s17], $0x80, s24, s17, $0xb8;
	[tilespmem:$0x1C400] =	vst v63  }
0x91: {  	_ = 	snop  }
0x92: {  	[spmem:s1] =	stream.indirect.scatter.add.f32 [tilespmem:s18], [sflag:$0x3], $0x80, s25, s17, $0xb8;
	[tilespmem:$0x1C400] =	vst v63  }
0x93: {  	_ =	swait.ge [sflag:s15], $0x4000  }
0x94: {  	[sflag:s15] =	ssyncset.done $0x0  }
0x95: {  	[sflag:s15] =	ssyncadd.s32 $0xFFFFC000  }
0x96: {  	_ =	swait.ge [sflag:s21], $0x4000  }
0x97: {  	[sflag:s21] =	ssyncset.done $0x0  }
0x98: {  	[sflag:s21] =	ssyncadd.s32 $0xFFFFC000  }
0x99: {  	[tilespmem:s18], [sflag:$0x1] =	stream.indirect.gather [hbm4b:s4+s17], $0x80, s26, s17, $0xb8;
	[tilespmem:$0x1C400] =	vst v63  }
0x9a: {  	_ = 	snop  }
0x9b: {  	[spmem:s1] =	stream.indirect.scatter.add.f32 [tilespmem:s20], [sflag:$0x3], $0x80, s28, s17, $0xb8;
	[tilespmem:$0x1C400] =	vst v63  }
0x9c: {  	_ =	swait.ge [sflag:s15], $0x4000  }
0x9d: {  	[sflag:s15] =	ssyncset.done $0x0  }
0x9e: {  	[sflag:s15] =	ssyncadd.s32 $0xFFFFC000  }
0x9f: {  	_ =	swait.ge [sflag:s19], $0x4000  }
0xa0: {  	[sflag:s19] =	ssyncset.done $0x0  }
0xa1: {  	[sflag:s19] =	ssyncadd.s32 $0xFFFFC000  }
0xa2: {  	[tilespmem:s20], [sflag:$0x2] =	stream.indirect.gather [hbm4b:s4+s17], $0x80, s29, s17, $0xb8;
	[tilespmem:$0x1C400] =	vst v63  }
0xa3: {  	_ = 	snop  }
0xa4: {  	[spmem:s1] =	stream.indirect.scatter.add.f32 [tilespmem:s18], [sflag:$0x3], $0x80, s30, s17, $0xb8;
	[tilespmem:$0x1C400] =	vst v63  }
0xa5: {  	_ =	swait.ge [sflag:s15], $0x4000  }
0xa6: {  	[sflag:s15] =	ssyncset.done $0x0  }
0xa7: {  	[sflag:s15] =	ssyncadd.s32 $0xFFFFC000  }
0xa8: {  	_ =	swait.ge [sflag:s21], $0x4000  }
0xa9: {  	[sflag:s21] =	ssyncset.done $0x0  }
0xaa: {  	[sflag:s21] =	ssyncadd.s32 $0xFFFFC000  }
0xab: {  	[tilespmem:s18], [sflag:$0x1] =	stream.indirect.gather [hbm4b:s4+s17], $0x80, s31, s17, $0xb8;
	[tilespmem:$0x1C400] =	vst v63  }
0xac: {  	_ = 	snop  }
0xad: {  	[spmem:s1] =	stream.indirect.scatter.add.f32 [tilespmem:s20], [sflag:$0x3], $0x80, s0, s17, $0xb8;
	[tilespmem:$0x1C400] =	vst v63  }
0xae: {  	_ =	swait.ge [sflag:s15], $0x4000  }
0xaf: {  	[sflag:s15] =	ssyncset.done $0x0  }
0xb0: {  	[sflag:s15] =	ssyncadd.s32 $0xFFFFC000  }
0xb1: {  	_ =	swait.ge [sflag:s19], $0x4000  }
0xb2: {  	[sflag:s19] =	ssyncset.done $0x0  }
0xb3: {  	[sflag:s19] =	ssyncadd.s32 $0xFFFFC000  }
0xb4: {  	[tilespmem:s20], [sflag:$0x2] =	stream.indirect.gather [hbm4b:s4+s17], $0x80, s2, s17, $0xb8;
	[tilespmem:$0x1C400] =	vst v63  }
0xb5: {  	_ = 	snop  }
0xb6: {  	[spmem:s1] =	stream.indirect.scatter.add.f32 [tilespmem:s18], [sflag:$0x3], $0x80, s7, s17, $0xb8;
	[tilespmem:$0x1C400] =	vst v63  }
0xb7: {  	_ =	swait.ge [sflag:s15], $0x4000  }
0xb8: {  	[sflag:s15] =	ssyncset.done $0x0  }
0xb9: {  	[sflag:s15] =	ssyncadd.s32 $0xFFFFC000  }
0xba: {  	_ =	swait.ge [sflag:s21], $0x4000  }
.Ltmp0:
0xbb: {  	[sflag:s21] =	ssyncset.done $0x0;
	(pc) =	sbr.rel @p0 .LBB2_2-.Ltmp0, $4  }
0xbc: {  	[sflag:s21] =	ssyncadd.s32 $0xFFFFC000  }
0xbd: {  	[spmem:s1] =	stream.indirect.scatter.add.f32 [tilespmem:s20], [sflag:$0x3], $0x80, s8, s17, $0xb8;
	[tilespmem:$0x1C400] =	vst v63  }
0xbe: {  	_ =	swait.ge [sflag:s15], $0x4000  }
0xbf: {  	s6 =	smov.u32 s12;
	[sflag:s15] =	ssyncset.done $0x0  }
0xc0: {  	s6 =	sadd.s32 s5, s11;
	[sflag:s15] =	ssyncadd.s32 $0xFFFFC000  }
0xc1: {  	[tilespmem:s3], [sflag:$0x3] =	stream.linear.gather [hbm4b:s6+s3], $0x400, $0x38;
	[tilespmem:$0x1C400] =	vst v63  }
0xc2: {  	_ =	swait.ge [sflag:s15], $0x400  }
0xc3: {  	[sflag:s15] =	ssyncset.done $0x0  }
0xc4: {  	s14 =	sadd.s32 s5, s10;
	[sflag:s15] =	ssyncadd.s32 $0xFFFFFC00  }
0xc5: {  	[tilespmem:s16], [sflag:$0x3] =	stream.linear.gather [hbm4b:s14+s3], $0x400, $0x38;
	[tilespmem:$0x1C400] =	vst v63  }
0xc6: {  	_ =	swait.ge [sflag:s15], $0x400  }
0xc7: {  	[sflag:s15] =	ssyncset.done $0x0  }
0xc8: {  	[sflag:s15] =	ssyncadd.s32 $0xFFFFFC00  }
0xc9: {  	[tilespmem:s18], [sflag:$0x1] =	stream.indirect.gather [hbm4b:s4+s17], $0x80, s3, s17, $0xb8;
	[tilespmem:$0x1C400] =	vst v63  }
0xca: {  	_ =	swait.ge [sflag:s19], $0x4000  }
0xcb: {  	[sflag:s19] =	ssyncset.done $0x0  }
0xcc: {  	[sflag:s19] =	ssyncadd.s32 $0xFFFFC000  }
0xcd: {  	[tilespmem:s20], [sflag:$0x2] =	stream.indirect.gather [hbm4b:s4+s17], $0x80, s17, s17, $0xb8;
	[tilespmem:$0x1C400] =	vst v63  }
0xce: {  	_ = 	snop  }
0xcf: {  	[spmem:s1] =	stream.indirect.scatter.add.f32 [tilespmem:s18], [sflag:$0x3], $0x80, s16, s17, $0xb8;
	[tilespmem:$0x1C400] =	vst v63  }
0xd0: {  	_ =	swait.ge [sflag:s15], $0x4000  }
0xd1: {  	[sflag:s15] =	ssyncset.done $0x0  }
0xd2: {  	[sflag:s15] =	ssyncadd.s32 $0xFFFFC000  }
0xd3: {  	_ =	swait.ge [sflag:s21], $0x4000  }
0xd4: {  	[sflag:s21] =	ssyncset.done $0x0  }
0xd5: {  	[sflag:s21] =	ssyncadd.s32 $0xFFFFC000  }
0xd6: {  	[tilespmem:s18], [sflag:$0x1] =	stream.indirect.gather [hbm4b:s4+s17], $0x80, s22, s17, $0xb8;
	[tilespmem:$0x1C400] =	vst v63  }
0xd7: {  	_ = 	snop  }
0xd8: {  	[spmem:s1] =	stream.indirect.scatter.add.f32 [tilespmem:s20], [sflag:$0x3], $0x80, s23, s17, $0xb8;
	[tilespmem:$0x1C400] =	vst v63  }
0xd9: {  	_ =	swait.ge [sflag:s15], $0x4000  }
0xda: {  	[sflag:s15] =	ssyncset.done $0x0  }
0xdb: {  	[sflag:s15] =	ssyncadd.s32 $0xFFFFC000  }
0xdc: {  	_ =	swait.ge [sflag:s19], $0x4000  }
0xdd: {  	[sflag:s19] =	ssyncset.done $0x0  }
0xde: {  	[sflag:s19] =	ssyncadd.s32 $0xFFFFC000  }
0xdf: {  	[tilespmem:s20], [sflag:$0x2] =	stream.indirect.gather [hbm4b:s4+s17], $0x80, s24, s17, $0xb8;
	[tilespmem:$0x1C400] =	vst v63  }
0xe0: {  	_ = 	snop  }
0xe1: {  	[spmem:s1] =	stream.indirect.scatter.add.f32 [tilespmem:s18], [sflag:$0x3], $0x80, s25, s17, $0xb8;
	[tilespmem:$0x1C400] =	vst v63  }
0xe2: {  	_ =	swait.ge [sflag:s15], $0x4000  }
0xe3: {  	[sflag:s15] =	ssyncset.done $0x0  }
0xe4: {  	[sflag:s15] =	ssyncadd.s32 $0xFFFFC000  }
0xe5: {  	_ =	swait.ge [sflag:s21], $0x4000  }
0xe6: {  	[sflag:s21] =	ssyncset.done $0x0  }
0xe7: {  	[sflag:s21] =	ssyncadd.s32 $0xFFFFC000  }
0xe8: {  	[tilespmem:s18], [sflag:$0x1] =	stream.indirect.gather [hbm4b:s4+s17], $0x80, s26, s17, $0xb8;
	[tilespmem:$0x1C400] =	vst v63  }
0xe9: {  	_ = 	snop  }
0xea: {  	[spmem:s1] =	stream.indirect.scatter.add.f32 [tilespmem:s20], [sflag:$0x3], $0x80, s28, s17, $0xb8;
	[tilespmem:$0x1C400] =	vst v63  }
0xeb: {  	_ =	swait.ge [sflag:s15], $0x4000  }
0xec: {  	[sflag:s15] =	ssyncset.done $0x0  }
0xed: {  	[sflag:s15] =	ssyncadd.s32 $0xFFFFC000  }
0xee: {  	_ =	swait.ge [sflag:s19], $0x4000  }
0xef: {  	[sflag:s19] =	ssyncset.done $0x0  }
0xf0: {  	[sflag:s19] =	ssyncadd.s32 $0xFFFFC000  }
0xf1: {  	[tilespmem:s20], [sflag:$0x2] =	stream.indirect.gather [hbm4b:s4+s17], $0x80, s29, s17, $0xb8;
	[tilespmem:$0x1C400] =	vst v63  }
0xf2: {  	_ = 	snop  }
0xf3: {  	[spmem:s1] =	stream.indirect.scatter.add.f32 [tilespmem:s18], [sflag:$0x3], $0x80, s30, s17, $0xb8;
	[tilespmem:$0x1C400] =	vst v63  }
0xf4: {  	_ =	swait.ge [sflag:s15], $0x4000  }
0xf5: {  	[sflag:s15] =	ssyncset.done $0x0  }
0xf6: {  	[sflag:s15] =	ssyncadd.s32 $0xFFFFC000  }
0xf7: {  	_ =	swait.ge [sflag:s21], $0x4000  }
0xf8: {  	[sflag:s21] =	ssyncset.done $0x0  }
0xf9: {  	[sflag:s21] =	ssyncadd.s32 $0xFFFFC000  }
0xfa: {  	[tilespmem:s18], [sflag:$0x1] =	stream.indirect.gather [hbm4b:s4+s17], $0x80, s31, s17, $0xb8;
	[tilespmem:$0x1C400] =	vst v63  }
0xfb: {  	_ = 	snop  }
0xfc: {  	[spmem:s1] =	stream.indirect.scatter.add.f32 [tilespmem:s20], [sflag:$0x3], $0x80, s0, s17, $0xb8;
	[tilespmem:$0x1C400] =	vst v63  }
0xfd: {  	_ =	swait.ge [sflag:s15], $0x4000  }
0xfe: {  	[sflag:s15] =	ssyncset.done $0x0  }
0xff: {  	[sflag:s15] =	ssyncadd.s32 $0xFFFFC000  }
0x100: {  	_ =	swait.ge [sflag:s19], $0x4000  }
0x101: {  	[sflag:s19] =	ssyncset.done $0x0  }
0x102: {  	[sflag:s19] =	ssyncadd.s32 $0xFFFFC000  }
0x103: {  	[tilespmem:s20], [sflag:$0x2] =	stream.indirect.gather [hbm4b:s4+s17], $0x80, s2, s17, $0xb8;
	[tilespmem:$0x1C400] =	vst v63  }
0x104: {  	_ = 	snop  }
0x105: {  	[spmem:s1] =	stream.indirect.scatter.add.f32 [tilespmem:s18], [sflag:$0x3], $0x80, s7, s17, $0xb8;
	[tilespmem:$0x1C400] =	vst v63  }
0x106: {  	_ =	swait.ge [sflag:s15], $0x4000  }
0x107: {  	[sflag:s15] =	ssyncset.done $0x0  }
0x108: {  	[sflag:s15] =	ssyncadd.s32 $0xFFFFC000  }
0x109: {  	_ =	swait.ge [sflag:s21], $0x4000  }
0x10a: {  	[sflag:s21] =	ssyncset.done $0x0  }
0x10b: {  	[sflag:s21] =	ssyncadd.s32 $0xFFFFC000  }
0x10c: {  	[spmem:s1] =	stream.indirect.scatter.add.f32 [tilespmem:s20], [sflag:$0x3], $0x80, s8, s17, $0xb8;
	[tilespmem:$0x1C400] =	vst v63  }
0x10d: {  	_ =	swait.ge [sflag:s15], $0x4000  }
0x10e: {  	[sflag:s15] =	ssyncset.done $0x0  }
0x10f: {  	[sflag:s15] =	ssyncadd.s32 $0xFFFFC000  }
0x110: {  	[bflag:$0x0] =	sbarrier.arrive $0xFFFF  }
0x111: {  	s14 =	rddreg [dreg:$0x5]  }
0x112: {  	s6 =	rddreg [dreg:$0x6]  }
0x113: {  	s9 =	rddreg [dreg:$0xa]  }
0x114: {  	[hbm:s6], [sflag:s14] =	dma.local [spmem:s9], $0x2780  }
0x115: {  	_ =	swait.ge [sflag:s15], $0x2780  }
0x116: {  	[sflag:s15] =	ssyncset.done $0x0  }
0x117: {  	s12 =	rddreg [dreg:$0x4];
	[sflag:s15] =	ssyncadd.s32 $0xFFFFD880  }
0x118: {  	[spmem:s9], [sflag:s14] =	dma.local [hbm:s12], $0x2780  }
0x119: {  	_ =	swait.ge [sflag:s15], $0x2780  }
0x11a: {  	[sflag:s15] =	ssyncset.done $0x0  }
0x11b: {  	[sflag:s15] =	ssyncadd.s32 $0xFFFFD880  }
0x11c: {  	[bflag:$0x0] =	sbarrier.arrive $0xFFFF  }
0x11d: {  	s12 =	rddreg [dreg:$0x9]  }
0x11e: {  	[tilespmem:s16], [sflag:$0x3] =	stream.linear.gather [hbm4b:s12+s3], $0x400, $0x38;
	[tilespmem:$0x1C400] =	vst v63  }
0x11f: {  	_ =	swait.ge [sflag:s15], $0x400  }
0x120: {  	[sflag:s15] =	ssyncset.done $0x0  }
0x121: {  	s5 =	sadd.s32 $0x0, s13;
	[sflag:s15] =	ssyncadd.s32 $0xFFFFFC00  }
0x122: {  	[tilespmem:s18], [sflag:$0x1] =	stream.linear.gather [hbm4b:s5+s3], $0x4000, $0x38;
	[tilespmem:$0x1C400] =	vst v63  }
0x123: {  	_ =	swait.ge [sflag:s19], $0x4000  }
0x124: {  	[sflag:s19] =	ssyncset.done $0x0  }
0x125: {  	s9 =	sadd.s32 $0x800, s5;
	[sflag:s19] =	ssyncadd.s32 $0xFFFFC000  }
0x126: {  	[tilespmem:s20], [sflag:$0x2] =	stream.linear.gather [hbm4b:s9+s3], $0x4000, $0x38;
	[tilespmem:$0x1C400] =	vst v63  }
0x127: {  	_ = 	snop  }
0x128: {  	[spmem:s1] =	stream.indirect.scatter.add.f32 [tilespmem:s18], [sflag:$0x3], $0x80, s16, s17, $0xb8;
	[tilespmem:$0x1C400] =	vst v63  }
0x129: {  	_ =	swait.ge [sflag:s15], $0x4000  }
0x12a: {  	[sflag:s15] =	ssyncset.done $0x0  }
0x12b: {  	[sflag:s15] =	ssyncadd.s32 $0xFFFFC000  }
0x12c: {  	_ =	swait.ge [sflag:s21], $0x4000  }
0x12d: {  	[sflag:s21] =	ssyncset.done $0x0  }
0x12e: {  	s9 =	sadd.s32 $0x1000, s5;
	[sflag:s21] =	ssyncadd.s32 $0xFFFFC000  }
0x12f: {  	[tilespmem:s18], [sflag:$0x1] =	stream.linear.gather [hbm4b:s9+s3], $0x4000, $0x38;
	[tilespmem:$0x1C400] =	vst v63  }
0x130: {  	_ = 	snop  }
0x131: {  	[spmem:s1] =	stream.indirect.scatter.add.f32 [tilespmem:s20], [sflag:$0x3], $0x80, s23, s17, $0xb8;
	[tilespmem:$0x1C400] =	vst v63  }
0x132: {  	_ =	swait.ge [sflag:s15], $0x4000  }
0x133: {  	[sflag:s15] =	ssyncset.done $0x0  }
0x134: {  	[sflag:s15] =	ssyncadd.s32 $0xFFFFC000  }
0x135: {  	_ =	swait.ge [sflag:s19], $0x4000  }
0x136: {  	[sflag:s19] =	ssyncset.done $0x0  }
0x137: {  	s9 =	sadd.s32 $0x1800, s5;
	[sflag:s19] =	ssyncadd.s32 $0xFFFFC000  }
0x138: {  	[tilespmem:s20], [sflag:$0x2] =	stream.linear.gather [hbm4b:s9+s3], $0x4000, $0x38;
	[tilespmem:$0x1C400] =	vst v63  }
0x139: {  	_ = 	snop  }
0x13a: {  	[spmem:s1] =	stream.indirect.scatter.add.f32 [tilespmem:s18], [sflag:$0x3], $0x80, s25, s17, $0xb8;
	[tilespmem:$0x1C400] =	vst v63  }
0x13b: {  	_ =	swait.ge [sflag:s15], $0x4000  }
0x13c: {  	[sflag:s15] =	ssyncset.done $0x0  }
0x13d: {  	[sflag:s15] =	ssyncadd.s32 $0xFFFFC000  }
0x13e: {  	_ =	swait.ge [sflag:s21], $0x4000  }
0x13f: {  	[sflag:s21] =	ssyncset.done $0x0  }
0x140: {  	s9 =	sadd.s32 $0x2000, s5;
	[sflag:s21] =	ssyncadd.s32 $0xFFFFC000  }
0x141: {  	[tilespmem:s18], [sflag:$0x1] =	stream.linear.gather [hbm4b:s9+s3], $0x4000, $0x38;
	[tilespmem:$0x1C400] =	vst v63  }
0x142: {  	_ = 	snop  }
0x143: {  	[spmem:s1] =	stream.indirect.scatter.add.f32 [tilespmem:s20], [sflag:$0x3], $0x80, s28, s17, $0xb8;
	[tilespmem:$0x1C400] =	vst v63  }
0x144: {  	_ =	swait.ge [sflag:s15], $0x4000  }
0x145: {  	[sflag:s15] =	ssyncset.done $0x0  }
0x146: {  	[sflag:s15] =	ssyncadd.s32 $0xFFFFC000  }
0x147: {  	_ =	swait.ge [sflag:s19], $0x4000  }
0x148: {  	[sflag:s19] =	ssyncset.done $0x0  }
0x149: {  	s9 =	sadd.s32 $0x2800, s5;
	[sflag:s19] =	ssyncadd.s32 $0xFFFFC000  }
0x14a: {  	[tilespmem:s20], [sflag:$0x2] =	stream.linear.gather [hbm4b:s9+s3], $0x4000, $0x38;
	[tilespmem:$0x1C400] =	vst v63  }
0x14b: {  	_ = 	snop  }
0x14c: {  	[spmem:s1] =	stream.indirect.scatter.add.f32 [tilespmem:s18], [sflag:$0x3], $0x80, s30, s17, $0xb8;
	[tilespmem:$0x1C400] =	vst v63  }
0x14d: {  	_ =	swait.ge [sflag:s15], $0x4000  }
0x14e: {  	[sflag:s15] =	ssyncset.done $0x0  }
0x14f: {  	[sflag:s15] =	ssyncadd.s32 $0xFFFFC000  }
0x150: {  	_ =	swait.ge [sflag:s21], $0x4000  }
0x151: {  	[sflag:s21] =	ssyncset.done $0x0  }
0x152: {  	s9 =	sadd.s32 $0x3000, s5;
	[sflag:s21] =	ssyncadd.s32 $0xFFFFC000  }
0x153: {  	[tilespmem:s18], [sflag:$0x1] =	stream.linear.gather [hbm4b:s9+s3], $0x4000, $0x38;
	[tilespmem:$0x1C400] =	vst v63  }
0x154: {  	_ = 	snop  }
0x155: {  	[spmem:s1] =	stream.indirect.scatter.add.f32 [tilespmem:s20], [sflag:$0x3], $0x80, s0, s17, $0xb8;
	[tilespmem:$0x1C400] =	vst v63  }
0x156: {  	_ =	swait.ge [sflag:s15], $0x4000  }
0x157: {  	[sflag:s15] =	ssyncset.done $0x0  }
0x158: {  	[sflag:s15] =	ssyncadd.s32 $0xFFFFC000  }
0x159: {  	_ =	swait.ge [sflag:s19], $0x4000  }
0x15a: {  	[sflag:s19] =	ssyncset.done $0x0  }
0x15b: {  	s5 =	sadd.s32 $0x3800, s5;
	[sflag:s19] =	ssyncadd.s32 $0xFFFFC000  }
0x15c: {  	[tilespmem:s20], [sflag:$0x2] =	stream.linear.gather [hbm4b:s5+s3], $0x4000, $0x38;
	[tilespmem:$0x1C400] =	vst v63  }
0x15d: {  	_ = 	snop  }
0x15e: {  	[spmem:s1] =	stream.indirect.scatter.add.f32 [tilespmem:s18], [sflag:$0x3], $0x80, s7, s17, $0xb8;
	[tilespmem:$0x1C400] =	vst v63  }
0x15f: {  	_ =	swait.ge [sflag:s15], $0x4000  }
0x160: {  	[sflag:s15] =	ssyncset.done $0x0  }
0x161: {  	[sflag:s15] =	ssyncadd.s32 $0xFFFFC000  }
0x162: {  	_ =	swait.ge [sflag:s21], $0x4000  }
0x163: {  	[sflag:s21] =	ssyncset.done $0x0  }
0x164: {  	[sflag:s21] =	ssyncadd.s32 $0xFFFFC000  }
0x165: {  	[spmem:s1] =	stream.indirect.scatter.add.f32 [tilespmem:s20], [sflag:$0x3], $0x80, s8, s17, $0xb8;
	[tilespmem:$0x1C400] =	vst v63  }
0x166: {  	_ =	swait.ge [sflag:s15], $0x4000  }
0x167: {  	s5 =	simm.s32 $0x4000;
	[sflag:s15] =	ssyncset.done $0x0  }
.LBB2_4:
0x168: {  	p0 =	sne.s32 s5, $0x24000;
	[sflag:s15] =	ssyncadd.s32 $0xFFFFC000;
	s12 =	sadd.s32 $0x80, s12  }
0x169: {  	[tilespmem:s16], [sflag:$0x3] =	stream.linear.gather [hbm4b:s12+s3], $0x400, $0x38;
	[tilespmem:$0x1C400] =	vst v63  }
0x16a: {  	s6 =	smov.u32 s5;
	s5 =	sadd.s32 $0x4000, s5;
	_ =	swait.ge [sflag:s15], $0x400  }
0x16b: {  	[sflag:s15] =	ssyncset.done $0x0  }
0x16c: {  	s6 =	sadd.s32 s6, s13;
	[sflag:s15] =	ssyncadd.s32 $0xFFFFFC00  }
0x16d: {  	[tilespmem:s18], [sflag:$0x1] =	stream.linear.gather [hbm4b:s6+s3], $0x4000, $0x38;
	[tilespmem:$0x1C400] =	vst v63  }
0x16e: {  	_ =	swait.ge [sflag:s19], $0x4000  }
0x16f: {  	[sflag:s19] =	ssyncset.done $0x0  }
0x170: {  	s9 =	sadd.s32 $0x800, s6;
	[sflag:s19] =	ssyncadd.s32 $0xFFFFC000  }
0x171: {  	[tilespmem:s20], [sflag:$0x2] =	stream.linear.gather [hbm4b:s9+s3], $0x4000, $0x38;
	[tilespmem:$0x1C400] =	vst v63  }
0x172: {  	_ = 	snop  }
0x173: {  	[spmem:s1] =	stream.indirect.scatter.add.f32 [tilespmem:s18], [sflag:$0x3], $0x80, s16, s17, $0xb8;
	[tilespmem:$0x1C400] =	vst v63  }
0x174: {  	_ =	swait.ge [sflag:s15], $0x4000  }
0x175: {  	[sflag:s15] =	ssyncset.done $0x0  }
0x176: {  	[sflag:s15] =	ssyncadd.s32 $0xFFFFC000  }
0x177: {  	_ =	swait.ge [sflag:s21], $0x4000  }
0x178: {  	[sflag:s21] =	ssyncset.done $0x0  }
0x179: {  	s9 =	sadd.s32 $0x1000, s6;
	[sflag:s21] =	ssyncadd.s32 $0xFFFFC000  }
0x17a: {  	[tilespmem:s18], [sflag:$0x1] =	stream.linear.gather [hbm4b:s9+s3], $0x4000, $0x38;
	[tilespmem:$0x1C400] =	vst v63  }
0x17b: {  	_ = 	snop  }
0x17c: {  	[spmem:s1] =	stream.indirect.scatter.add.f32 [tilespmem:s20], [sflag:$0x3], $0x80, s23, s17, $0xb8;
	[tilespmem:$0x1C400] =	vst v63  }
0x17d: {  	_ =	swait.ge [sflag:s15], $0x4000  }
0x17e: {  	[sflag:s15] =	ssyncset.done $0x0  }
0x17f: {  	[sflag:s15] =	ssyncadd.s32 $0xFFFFC000  }
0x180: {  	_ =	swait.ge [sflag:s19], $0x4000  }
0x181: {  	[sflag:s19] =	ssyncset.done $0x0  }
0x182: {  	s9 =	sadd.s32 $0x1800, s6;
	[sflag:s19] =	ssyncadd.s32 $0xFFFFC000  }
0x183: {  	[tilespmem:s20], [sflag:$0x2] =	stream.linear.gather [hbm4b:s9+s3], $0x4000, $0x38;
	[tilespmem:$0x1C400] =	vst v63  }
0x184: {  	_ = 	snop  }
0x185: {  	[spmem:s1] =	stream.indirect.scatter.add.f32 [tilespmem:s18], [sflag:$0x3], $0x80, s25, s17, $0xb8;
	[tilespmem:$0x1C400] =	vst v63  }
0x186: {  	_ =	swait.ge [sflag:s15], $0x4000  }
0x187: {  	[sflag:s15] =	ssyncset.done $0x0  }
0x188: {  	[sflag:s15] =	ssyncadd.s32 $0xFFFFC000  }
0x189: {  	_ =	swait.ge [sflag:s21], $0x4000  }
0x18a: {  	[sflag:s21] =	ssyncset.done $0x0  }
0x18b: {  	s9 =	sadd.s32 $0x2000, s6;
	[sflag:s21] =	ssyncadd.s32 $0xFFFFC000  }
0x18c: {  	[tilespmem:s18], [sflag:$0x1] =	stream.linear.gather [hbm4b:s9+s3], $0x4000, $0x38;
	[tilespmem:$0x1C400] =	vst v63  }
0x18d: {  	_ = 	snop  }
0x18e: {  	[spmem:s1] =	stream.indirect.scatter.add.f32 [tilespmem:s20], [sflag:$0x3], $0x80, s28, s17, $0xb8;
	[tilespmem:$0x1C400] =	vst v63  }
0x18f: {  	_ =	swait.ge [sflag:s15], $0x4000  }
0x190: {  	[sflag:s15] =	ssyncset.done $0x0  }
0x191: {  	[sflag:s15] =	ssyncadd.s32 $0xFFFFC000  }
0x192: {  	_ =	swait.ge [sflag:s19], $0x4000  }
0x193: {  	[sflag:s19] =	ssyncset.done $0x0  }
0x194: {  	s9 =	sadd.s32 $0x2800, s6;
	[sflag:s19] =	ssyncadd.s32 $0xFFFFC000  }
0x195: {  	[tilespmem:s20], [sflag:$0x2] =	stream.linear.gather [hbm4b:s9+s3], $0x4000, $0x38;
	[tilespmem:$0x1C400] =	vst v63  }
0x196: {  	_ = 	snop  }
0x197: {  	[spmem:s1] =	stream.indirect.scatter.add.f32 [tilespmem:s18], [sflag:$0x3], $0x80, s30, s17, $0xb8;
	[tilespmem:$0x1C400] =	vst v63  }
0x198: {  	_ =	swait.ge [sflag:s15], $0x4000  }
0x199: {  	[sflag:s15] =	ssyncset.done $0x0  }
0x19a: {  	[sflag:s15] =	ssyncadd.s32 $0xFFFFC000  }
0x19b: {  	_ =	swait.ge [sflag:s21], $0x4000  }
0x19c: {  	[sflag:s21] =	ssyncset.done $0x0  }
0x19d: {  	s9 =	sadd.s32 $0x3000, s6;
	[sflag:s21] =	ssyncadd.s32 $0xFFFFC000  }
0x19e: {  	[tilespmem:s18], [sflag:$0x1] =	stream.linear.gather [hbm4b:s9+s3], $0x4000, $0x38;
	[tilespmem:$0x1C400] =	vst v63  }
0x19f: {  	_ = 	snop  }
0x1a0: {  	[spmem:s1] =	stream.indirect.scatter.add.f32 [tilespmem:s20], [sflag:$0x3], $0x80, s0, s17, $0xb8;
	[tilespmem:$0x1C400] =	vst v63  }
0x1a1: {  	_ =	swait.ge [sflag:s15], $0x4000  }
0x1a2: {  	[sflag:s15] =	ssyncset.done $0x0  }
0x1a3: {  	[sflag:s15] =	ssyncadd.s32 $0xFFFFC000  }
0x1a4: {  	_ =	swait.ge [sflag:s19], $0x4000  }
0x1a5: {  	[sflag:s19] =	ssyncset.done $0x0  }
0x1a6: {  	s6 =	sadd.s32 $0x3800, s6;
	[sflag:s19] =	ssyncadd.s32 $0xFFFFC000  }
0x1a7: {  	[tilespmem:s20], [sflag:$0x2] =	stream.linear.gather [hbm4b:s6+s3], $0x4000, $0x38;
	[tilespmem:$0x1C400] =	vst v63  }
0x1a8: {  	_ = 	snop  }
0x1a9: {  	[spmem:s1] =	stream.indirect.scatter.add.f32 [tilespmem:s18], [sflag:$0x3], $0x80, s7, s17, $0xb8;
	[tilespmem:$0x1C400] =	vst v63  }
0x1aa: {  	_ =	swait.ge [sflag:s15], $0x4000  }
0x1ab: {  	[sflag:s15] =	ssyncset.done $0x0  }
0x1ac: {  	[sflag:s15] =	ssyncadd.s32 $0xFFFFC000  }
0x1ad: {  	_ =	swait.ge [sflag:s21], $0x4000  }
.Ltmp1:
0x1ae: {  	[sflag:s21] =	ssyncset.done $0x0;
	(pc) =	sbr.rel @p0 .LBB2_4-.Ltmp1, $4  }
0x1af: {  	[sflag:s21] =	ssyncadd.s32 $0xFFFFC000  }
0x1b0: {  	[spmem:s1] =	stream.indirect.scatter.add.f32 [tilespmem:s20], [sflag:$0x3], $0x80, s8, s17, $0xb8;
	[tilespmem:$0x1C400] =	vst v63  }
0x1b1: {  	_ =	swait.ge [sflag:s15], $0x4000  }
0x1b2: {  	[sflag:s15] =	ssyncset.done $0x0  }
0x1b3: {  	[sflag:s15] =	ssyncadd.s32 $0xFFFFC000  }
0x1b4: {  	[bflag:$0x0] =	sbarrier.arrive $0xFFFF  }
0x1b5: {  	s5 =	rddreg [dreg:$0x7]  }
0x1b6: {  	s6 =	rddreg [dreg:$0xa]  }
0x1b7: {  	[hbm:s5], [sflag:s14] =	dma.local [spmem:s6], $0x2780  }
0x1b8: {  	_ =	swait.ge [sflag:s15], $0x2780  }
0x1b9: {  	s9 =	rddreg [dreg:$0xb]  }
0x1ba: {  	s12 =	rddreg [dreg:$0x8];
	s9 =	sadd.s32 $0x1, s9  }
0x1bb: {  	p0 =	sne.s32 s9, s12  }
.Ltmp2:
0x1bc: {  	_ = 	snop;
	(pc) =	sbr.rel @p0 .LBB2_1-.Ltmp2, $3  }
0x1bd: {  	_ =	sdelay $0x1  }
0x1be: {  	[sflag:s15] =	ssyncset.done $0x0  }
0x1bf: {  	[sflag:s15] =	ssyncadd.s32 $0xFFFFD880  }
0x1c0: {  	_ =	sfence.sel $0x180000  }
0x1c1: {  	[bflag:$0x0] =	sbarrier.arrive $0xFFFF  }
0x1c2: {  	_ =	strace $0x90000047  }
0x1c3: {  	s0 =	stileid.u32;
	[bflag:$0x2] =	sbarrier.arrive $0xFFFF  }
0x1c4: {  	p0 =	sne.s32 s0, $0x0;
	s0 =	rddreg [dreg:$0x3]  }
0x1c5: {  	s0 =	sadd.s32 @!p0 $0x100000, s0  }
0x1c6: {  	[sflag:s0] =	ssyncadd.tile.s32 @!p0 $0x1;
	_ =	shalt  }
.Lfunc_end2:
_tile_overlayer_lowered:
.L_overlay_start_2:
0x1c7: {  	(tag) =	ssettag $0x2  }
0x1c8: {  	s0 =	rddreg [dreg:$0x0];
	s2 =	stileid.u32  }
0x1c9: {  	s1 =	rddreg [dreg:$0x1];
	p0 =	sne.s32 s2, $0x0  }
0x1ca: {  	s3 =	rddreg [dreg:$0x2];
	[bflag:$0x3] =	sbarrier.arrive $0xFFFF;
	s2 =	simm.s32 @!p0 $0x1C03  }
0x1cb: {  	[timem:s3], [sflag:s2] =	dma.local @!p0 [hbm:s0], s1  }
0x1cc: {  	s0 =	simm.s32 @!p0 $0x3  }
0x1cd: {  	_ =	swait.ge @!p0 [sflag:s0], s1  }
0x1ce: {  	s1 =	ssub.s32 @!p0 $0x0, s1;
	[sflag:s0] =	ssyncset.done @!p0 $0x0  }
0x1cf: {  	[sflag:s0] =	ssyncadd.s32 @!p0 s1  }
0x1d0: {  	[bflag:$0x3] =	sbarrier.arrive $0xFFFF  }
0x1d1: {  	_ =	shalt  }

</sc_bundles>
